<compile_context>
chip_gen: v7x
topology: tpu7x:2x2x1
jax: 0.10.2.dev20260603
libtpu: 0.0.44.dev20260713+nightly
codegen_flags: <defaults>
</compile_context>

<pallas_src>
import functools

import jax
import jax.numpy as jnp
from jax import lax
from jax.experimental import pallas as pl
from jax.experimental.pallas import tpu as pltpu
from jax.experimental.pallas import tpu_sc as plsc

EMB = 100000
DIM = 128
D2 = 2 * DIM
BATCH = 16384

NC = 2
NS = 16
NW = NC * NS
CHUNK = 64


def _sc_gather(pos_u, pos_w, W_word, W_ctx, s, n):
    bpw = n // NW
    nchunk = bpw // CHUNK
    mesh = plsc.VectorSubcoreMesh(
        core_axis_name="c", subcore_axis_name="s", num_cores=NC, num_subcores=NS
    )

    @functools.partial(
        pl.kernel,
        mesh=mesh,
        out_type=tuple(
            jax.ShapeDtypeStruct((n, DIM), jnp.float32) for _ in range(4)
        ),
        scratch_types=[
            pltpu.VMEM((bpw,), jnp.int32),
            pltpu.VMEM((bpw,), jnp.int32),
            pltpu.VMEM((CHUNK, D2), jnp.float32),
            pltpu.VMEM((CHUNK, D2), jnp.float32),
            pltpu.VMEM((CHUNK, D2), jnp.float32),
            pltpu.VMEM((CHUNK, D2), jnp.float32),
            pltpu.VMEM((CHUNK, D2), jnp.float32),
            pltpu.VMEM((CHUNK, D2), jnp.float32),
            pltpu.SemaphoreType.DMA,
            pltpu.SemaphoreType.DMA,
            pltpu.SemaphoreType.DMA,
        ],
    )
    def k(pu_hbm, pw_hbm, wu_hbm, wc_hbm, zu_hbm, du_hbm, zw_hbm, dw_hbm,
          idxu_v, idxw_v, ru0, ru1, ru2, rw0, rw1, rw2, gsemu, gsemw, osem):
        wid = lax.axis_index("s") * NC + lax.axis_index("c")
        base = wid * bpw
        rub = (ru0, ru1, ru2)
        rwb = (rw0, rw1, rw2)

        pltpu.sync_copy(pu_hbm.at[pl.ds(s * n + base, bpw)], idxu_v)
        pltpu.sync_copy(pw_hbm.at[pl.ds(s * n + base, bpw)], idxw_v)

        nbuf = 3

        def start(i):
            b = i % nbuf
            isl = pl.ds(i * CHUNK, CHUNK)
            return (
                pltpu.async_copy(wu_hbm.at[idxu_v.at[isl]], rub[b], gsemu),
                pltpu.async_copy(wc_hbm.at[idxw_v.at[isl]], rwb[b], gsemw),
            )

        inflight = [start(i) for i in range(min(nbuf, nchunk))]
        outcopies = []
        for i in range(nchunk):
            b = i % nbuf
            cu, cw = inflight[i]
            cu.wait()
            cw.wait()
            sl = pl.ds(base + i * CHUNK, CHUNK)
            occ = (
                pltpu.async_copy(rub[b].at[:, pl.ds(0, DIM)], zu_hbm.at[sl], osem),
                pltpu.async_copy(rub[b].at[:, pl.ds(DIM, DIM)], du_hbm.at[sl], osem),
                pltpu.async_copy(rwb[b].at[:, pl.ds(0, DIM)], zw_hbm.at[sl], osem),
                pltpu.async_copy(rwb[b].at[:, pl.ds(DIM, DIM)], dw_hbm.at[sl], osem),
            )
            outcopies.append(occ)
            if i + nbuf < nchunk:
                for oc in occ:
                    oc.wait()
                inflight.append(start(i + nbuf))
        for occ in outcopies[-nbuf:]:
            for oc in occ:
                oc.wait()

    return k(pos_u, pos_w, W_word, W_ctx)


def _lane_sum(x):
    return jnp.sum(jnp.transpose(x), axis=0)


def _tc_body(zu_ref, du_ref, zw_ref, dw_ref, *rest):
    tv_ref, pv_ref, iv_ref = rest[-3:]
    zu = zu_ref[...]
    zw = zw_ref[...]
    eu = jnp.exp(du_ref[...])
    ew = jnp.exp(dw_ref[...])
    tv_ref[...] = _lane_sum(jnp.log(jnp.log(2.0 + eu)))
    pv_ref[...] = _lane_sum(jnp.log(jnp.log(2.0 + ew)))
    xu = jnp.exp(zu)
    xw = jnp.exp(zw)
    r = jnp.minimum(xu * (1.0 + eu), xw * (1.0 + ew)) / jnp.maximum(xu, xw)
    iv_ref[...] = _lane_sum(jnp.log(jnp.log1p(r) + 1e-23))


_TC_ROWS = 2048


def _tc_compute(zu, du, zw, dw, s, n, prev):
    grid = (n // _TC_ROWS,)
    blk = n // _TC_ROWS

    def out_map(i, _s=s, _blk=blk):
        return (i + _s * _blk,)

    in_specs = [pl.BlockSpec((_TC_ROWS, DIM), lambda i: (i, 0))] * 4
    args = [zu, du, zw, dw]
    aliases = {}
    if prev is not None:
        in_specs += [pl.BlockSpec((_TC_ROWS,), out_map)] * 3
        args += list(prev)
        aliases = {4: 0, 5: 1, 6: 2}
    return pl.pallas_call(
        _tc_body,
        grid=grid,
        in_specs=in_specs,
        out_specs=[pl.BlockSpec((_TC_ROWS,), out_map)] * 3,
        out_shape=[jax.ShapeDtypeStruct((BATCH,), jnp.float32)] * 3,
        input_output_aliases=aliases,
    )(*args)


_NSLICE = 2


def kernel(pos_u, pos_w, W_word, W_ctx):
    ns = BATCH // _NSLICE
    outs = None
    for s in range(_NSLICE):
        parts = _sc_gather(pos_u, pos_w, W_word, W_ctx, s, ns)
        outs = _tc_compute(*parts, s, ns, outs)
    return outs

# --- scband reference (transcript-rebuilt; emitter-appended) ---
"""Pipeline reference for scband-box-model-21053929685424 (READ-ONLY COPY).

The authoritative reference and input builder live on the scoring server;
editing this copy changes nothing except your own understanding.
"""

import jax, jax.numpy as jnp
import numpy as np

EMB_SIZE = 100000
DIM = 128
BATCH = 16384


def setup_inputs(seed: int = 0) -> dict:
    key = jax.random.key(seed)
    k1, k2, k3, k4 = jax.random.split(key, 4)
    pos_u = jax.random.randint(k1, (BATCH,), 0, EMB_SIZE)
    pos_w = jax.random.randint(k2, (BATCH,), 0, EMB_SIZE)
    # BoxEmbedding tables: each row packs [min_coords (DIM), delta_logits (DIM)]
    W_word = jax.random.normal(k3, (EMB_SIZE, 2 * DIM), dtype=jnp.float32) * 0.1
    W_ctx = jax.random.normal(k4, (EMB_SIZE, 2 * DIM), dtype=jnp.float32) * 0.1
    return {"pos_u": pos_u, "pos_w": pos_w, "W_word": W_word, "W_ctx": W_ctx}


def _box(emb):
    z = emb[:, :DIM]
    Z = z + jax.nn.softplus(emb[:, DIM:])
    return z, Z


def _log_vol(z, Z):
    # soft volume: sum_d log(softplus(Z - z))
    return jnp.sum(jnp.log(jax.nn.softplus(Z - z) + 1e-23), axis=-1)


def _intersection(z1, Z1, z2, Z2):
    return jnp.maximum(z1, z2), jnp.minimum(Z1, Z2)


def reference(pos_u, pos_w, W_word, W_ctx):
    # BoxModel.forward_pos
    embedding_u = jnp.take(W_word, pos_u, axis=0)
    embedding_w = jnp.take(W_ctx, pos_w, axis=0)
    zu, Zu = _box(embedding_u)
    zw, Zw = _box(embedding_w)
    target_vol = _log_vol(zu, Zu)
    positive_vol = _log_vol(zw, Zw)
    zi, Zi = _intersection(zw, Zw, zu, Zu)
    positive_int_volumes = _log_vol(zi, Zi)
    return (target_vol, positive_vol, positive_int_volumes)

if __name__ == "__main__":
    import jax
    _d = setup_inputs()
    print(jax.jit(kernel)(*tuple(_d.values())))

</pallas_src>

<mosaic_0001>
#map = affine_map<(d0, d1) -> (0)>
#map1 = affine_map<(d0, d1) -> (0, 0)>
module attributes {stable_mosaic.version = 14 : i64} {
  func.func @k(%arg0: i32, %arg1: i32, %arg2: memref<16384xi32, #tpu.memory_space<hbm>>, %arg3: memref<16384xi32, #tpu.memory_space<hbm>>, %arg4: memref<100000x256xf32, #tpu.memory_space<hbm>>, %arg5: memref<100000x256xf32, #tpu.memory_space<hbm>>, %arg6: memref<8192x128xf32, #tpu.memory_space<hbm>>, %arg7: memref<8192x128xf32, #tpu.memory_space<hbm>>, %arg8: memref<8192x128xf32, #tpu.memory_space<hbm>>, %arg9: memref<8192x128xf32, #tpu.memory_space<hbm>>, %arg10: memref<256xi32, #tpu.memory_space<vmem>>, %arg11: memref<256xi32, #tpu.memory_space<vmem>>, %arg12: memref<64x256xf32, #tpu.memory_space<vmem>>, %arg13: memref<64x256xf32, #tpu.memory_space<vmem>>, %arg14: memref<64x256xf32, #tpu.memory_space<vmem>>, %arg15: memref<64x256xf32, #tpu.memory_space<vmem>>, %arg16: memref<64x256xf32, #tpu.memory_space<vmem>>, %arg17: memref<64x256xf32, #tpu.memory_space<vmem>>, %arg18: memref<!tpu.dma_semaphore, #tpu.memory_space<semaphore_mem>>, %arg19: memref<!tpu.dma_semaphore, #tpu.memory_space<semaphore_mem>>, %arg20: memref<!tpu.dma_semaphore, #tpu.memory_space<semaphore_mem>>) attributes {dimension_semantics = [#tpu.dimension_semantics<core_parallel>, #tpu.dimension_semantics<subcore_parallel>], iteration_bounds = array<i64: 2, 16>, scalar_prefetch = 0 : i64, scratch_operands = 11 : i64, tpu.core_type = #tpu.core_type<sc_vector_subcore>, window_params = [{transform_indices = #map}, {transform_indices = #map}, {transform_indices = #map1}, {transform_indices = #map1}, {transform_indices = #map1}, {transform_indices = #map1}, {transform_indices = #map1}, {transform_indices = #map1}]} {
    %mul3A = arith.constant 2 : i32
    %mul3A_0 = arith.muli %arg1, %mul3A : i32
    %add3A = arith.addi %mul3A_0, %arg0 : i32
    %mul3A_1 = arith.constant 256 : i32
    %mul3A_2 = arith.muli %add3A, %mul3A_1 : i32
    %add3A_3 = arith.constant 0 : i32
    %add3A_4 = arith.addi %add3A_3, %mul3A_2 : i32
    "tpu.region"() ({
      %run_scoped3A = tpu.sem_alloc : memref<!tpu.dma_semaphore, #tpu.memory_space<semaphore_mem>>
      %dma_start3A_413 = tpu.memref_slice %arg2[%add3A_4] : memref<16384xi32, #tpu.memory_space<hbm>> -> memref<256xi32, #tpu.memory_space<hbm>>
      %dma_start3A_414 = tpu.memref_slice %arg2[%add3A_4] : memref<16384xi32, #tpu.memory_space<hbm>> -> memref<256xi32, #tpu.memory_space<hbm>>
      tpu.enqueue_dma source(%dma_start3A_414 : memref<256xi32, #tpu.memory_space<hbm>>) target(%arg10 : memref<256xi32, #tpu.memory_space<vmem>>) target_semaphore(%run_scoped3A : memref<!tpu.dma_semaphore, #tpu.memory_space<semaphore_mem>>)
      %dma_wait3A_415 = tpu.memref_slice %arg2[%add3A_4] : memref<16384xi32, #tpu.memory_space<hbm>> -> memref<256xi32, #tpu.memory_space<hbm>>
      %dma_wait3A_416 = tpu.memref_slice %arg2[%add3A_4] : memref<16384xi32, #tpu.memory_space<hbm>> -> memref<256xi32, #tpu.memory_space<hbm>>
      tpu.wait_dma2 semaphore(%run_scoped3A : memref<!tpu.dma_semaphore, #tpu.memory_space<semaphore_mem>>) src(%dma_wait3A_416 : memref<256xi32, #tpu.memory_space<hbm>>) dst(%arg10 : memref<256xi32, #tpu.memory_space<vmem>>)
      tpu.yield
    }) : () -> ()
    %add3A_5 = arith.constant 0 : i32
    %add3A_6 = arith.addi %add3A_5, %mul3A_2 : i32
    "tpu.region"() ({
      %run_scoped3A = tpu.sem_alloc : memref<!tpu.dma_semaphore, #tpu.memory_space<semaphore_mem>>
      %dma_start3A_413 = tpu.memref_slice %arg3[%add3A_6] : memref<16384xi32, #tpu.memory_space<hbm>> -> memref<256xi32, #tpu.memory_space<hbm>>
      %dma_start3A_414 = tpu.memref_slice %arg3[%add3A_6] : memref<16384xi32, #tpu.memory_space<hbm>> -> memref<256xi32, #tpu.memory_space<hbm>>
      tpu.enqueue_dma source(%dma_start3A_414 : memref<256xi32, #tpu.memory_space<hbm>>) target(%arg11 : memref<256xi32, #tpu.memory_space<vmem>>) target_semaphore(%run_scoped3A : memref<!tpu.dma_semaphore, #tpu.memory_space<semaphore_mem>>)
      %dma_wait3A_415 = tpu.memref_slice %arg3[%add3A_6] : memref<16384xi32, #tpu.memory_space<hbm>> -> memref<256xi32, #tpu.memory_space<hbm>>
      %dma_wait3A_416 = tpu.memref_slice %arg3[%add3A_6] : memref<16384xi32, #tpu.memory_space<hbm>> -> memref<256xi32, #tpu.memory_space<hbm>>
      tpu.wait_dma2 semaphore(%run_scoped3A : memref<!tpu.dma_semaphore, #tpu.memory_space<semaphore_mem>>) src(%dma_wait3A_416 : memref<256xi32, #tpu.memory_space<hbm>>) dst(%arg11 : memref<256xi32, #tpu.memory_space<vmem>>)
      tpu.yield
    }) : () -> ()
    %dma_start3A = arith.constant 0 : i32
    %dma_start3A_7 = tpu.memref_slice %arg10[%dma_start3A] : memref<256xi32, #tpu.memory_space<vmem>> -> memref<64xi32, #tpu.memory_space<vmem>>
    %dma_start3A_8 = arith.constant 0 : i32
    %dma_start3A_9 = arith.constant 0 : i32
    %dma_start3A_10 = tpu.memref_slice %arg4[%dma_start3A_8, %dma_start3A_9] : memref<100000x256xf32, #tpu.memory_space<hbm>> -> memref<100000x256xf32, #tpu.memory_space<hbm>>
    tpu.enqueue_indirect_dma source(%dma_start3A_10 : memref<100000x256xf32, #tpu.memory_space<hbm>>) target(%arg12 : memref<64x256xf32, #tpu.memory_space<vmem>>) offsets(%dma_start3A_7 : memref<64xi32, #tpu.memory_space<vmem>>) semaphore(%arg18 : memref<!tpu.dma_semaphore, #tpu.memory_space<semaphore_mem>>)
    %dma_start3A_11 = arith.constant 0 : i32
    %dma_start3A_12 = tpu.memref_slice %arg11[%dma_start3A_11] : memref<256xi32, #tpu.memory_space<vmem>> -> memref<64xi32, #tpu.memory_space<vmem>>
    %dma_start3A_13 = arith.constant 0 : i32
    %dma_start3A_14 = arith.constant 0 : i32
    %dma_start3A_15 = tpu.memref_slice %arg5[%dma_start3A_13, %dma_start3A_14] : memref<100000x256xf32, #tpu.memory_space<hbm>> -> memref<100000x256xf32, #tpu.memory_space<hbm>>
    tpu.enqueue_indirect_dma source(%dma_start3A_15 : memref<100000x256xf32, #tpu.memory_space<hbm>>) target(%arg15 : memref<64x256xf32, #tpu.memory_space<vmem>>) offsets(%dma_start3A_12 : memref<64xi32, #tpu.memory_space<vmem>>) semaphore(%arg19 : memref<!tpu.dma_semaphore, #tpu.memory_space<semaphore_mem>>)
    %dma_start3A_16 = arith.constant 64 : i32
    %dma_start3A_17 = tpu.memref_slice %arg10[%dma_start3A_16] : memref<256xi32, #tpu.memory_space<vmem>> -> memref<64xi32, #tpu.memory_space<vmem>>
    %dma_start3A_18 = arith.constant 0 : i32
    %dma_start3A_19 = arith.constant 0 : i32
    %dma_start3A_20 = tpu.memref_slice %arg4[%dma_start3A_18, %dma_start3A_19] : memref<100000x256xf32, #tpu.memory_space<hbm>> -> memref<100000x256xf32, #tpu.memory_space<hbm>>
    tpu.enqueue_indirect_dma source(%dma_start3A_20 : memref<100000x256xf32, #tpu.memory_space<hbm>>) target(%arg13 : memref<64x256xf32, #tpu.memory_space<vmem>>) offsets(%dma_start3A_17 : memref<64xi32, #tpu.memory_space<vmem>>) semaphore(%arg18 : memref<!tpu.dma_semaphore, #tpu.memory_space<semaphore_mem>>)
    %dma_start3A_21 = arith.constant 64 : i32
    %dma_start3A_22 = tpu.memref_slice %arg11[%dma_start3A_21] : memref<256xi32, #tpu.memory_space<vmem>> -> memref<64xi32, #tpu.memory_space<vmem>>
    %dma_start3A_23 = arith.constant 0 : i32
    %dma_start3A_24 = arith.constant 0 : i32
    %dma_start3A_25 = tpu.memref_slice %arg5[%dma_start3A_23, %dma_start3A_24] : memref<100000x256xf32, #tpu.memory_space<hbm>> -> memref<100000x256xf32, #tpu.memory_space<hbm>>
    tpu.enqueue_indirect_dma source(%dma_start3A_25 : memref<100000x256xf32, #tpu.memory_space<hbm>>) target(%arg16 : memref<64x256xf32, #tpu.memory_space<vmem>>) offsets(%dma_start3A_22 : memref<64xi32, #tpu.memory_space<vmem>>) semaphore(%arg19 : memref<!tpu.dma_semaphore, #tpu.memory_space<semaphore_mem>>)
    %dma_start3A_26 = arith.constant 128 : i32
    %dma_start3A_27 = tpu.memref_slice %arg10[%dma_start3A_26] : memref<256xi32, #tpu.memory_space<vmem>> -> memref<64xi32, #tpu.memory_space<vmem>>
    %dma_start3A_28 = arith.constant 0 : i32
    %dma_start3A_29 = arith.constant 0 : i32
    %dma_start3A_30 = tpu.memref_slice %arg4[%dma_start3A_28, %dma_start3A_29] : memref<100000x256xf32, #tpu.memory_space<hbm>> -> memref<100000x256xf32, #tpu.memory_space<hbm>>
    tpu.enqueue_indirect_dma source(%dma_start3A_30 : memref<100000x256xf32, #tpu.memory_space<hbm>>) target(%arg14 : memref<64x256xf32, #tpu.memory_space<vmem>>) offsets(%dma_start3A_27 : memref<64xi32, #tpu.memory_space<vmem>>) semaphore(%arg18 : memref<!tpu.dma_semaphore, #tpu.memory_space<semaphore_mem>>)
    %dma_start3A_31 = arith.constant 128 : i32
    %dma_start3A_32 = tpu.memref_slice %arg11[%dma_start3A_31] : memref<256xi32, #tpu.memory_space<vmem>> -> memref<64xi32, #tpu.memory_space<vmem>>
    %dma_start3A_33 = arith.constant 0 : i32
    %dma_start3A_34 = arith.constant 0 : i32
    %dma_start3A_35 = tpu.memref_slice %arg5[%dma_start3A_33, %dma_start3A_34] : memref<100000x256xf32, #tpu.memory_space<hbm>> -> memref<100000x256xf32, #tpu.memory_space<hbm>>
    tpu.enqueue_indirect_dma source(%dma_start3A_35 : memref<100000x256xf32, #tpu.memory_space<hbm>>) target(%arg17 : memref<64x256xf32, #tpu.memory_space<vmem>>) offsets(%dma_start3A_32 : memref<64xi32, #tpu.memory_space<vmem>>) semaphore(%arg19 : memref<!tpu.dma_semaphore, #tpu.memory_space<semaphore_mem>>)
    %dma_wait3A = arith.constant 0 : i32
    %dma_wait3A_36 = tpu.memref_slice %arg10[%dma_wait3A] : memref<256xi32, #tpu.memory_space<vmem>> -> memref<64xi32, #tpu.memory_space<vmem>>
    %dma_wait3A_37 = arith.constant 0 : i32
    %dma_wait3A_38 = arith.constant 0 : i32
    %dma_wait3A_39 = tpu.memref_slice %arg4[%dma_wait3A_37, %dma_wait3A_38] : memref<100000x256xf32, #tpu.memory_space<hbm>> -> memref<100000x256xf32, #tpu.memory_space<hbm>>
    tpu.wait_indirect_dma semaphore(%arg18 : memref<!tpu.dma_semaphore, #tpu.memory_space<semaphore_mem>>) src(%dma_wait3A_39 : memref<100000x256xf32, #tpu.memory_space<hbm>>) dst(%arg12 : memref<64x256xf32, #tpu.memory_space<vmem>>)
    %dma_wait3A_40 = arith.constant 0 : i32
    %dma_wait3A_41 = tpu.memref_slice %arg11[%dma_wait3A_40] : memref<256xi32, #tpu.memory_space<vmem>> -> memref<64xi32, #tpu.memory_space<vmem>>
    %dma_wait3A_42 = arith.constant 0 : i32
    %dma_wait3A_43 = arith.constant 0 : i32
    %dma_wait3A_44 = tpu.memref_slice %arg5[%dma_wait3A_42, %dma_wait3A_43] : memref<100000x256xf32, #tpu.memory_space<hbm>> -> memref<100000x256xf32, #tpu.memory_space<hbm>>
    tpu.wait_indirect_dma semaphore(%arg19 : memref<!tpu.dma_semaphore, #tpu.memory_space<semaphore_mem>>) src(%dma_wait3A_44 : memref<100000x256xf32, #tpu.memory_space<hbm>>) dst(%arg15 : memref<64x256xf32, #tpu.memory_space<vmem>>)
    %add3A_45 = arith.constant 0 : i32
    %add3A_46 = arith.addi %mul3A_2, %add3A_45 : i32
    %dma_start3A_47 = arith.constant 0 : i32
    %dma_start3A_48 = arith.constant 0 : i32
    %dma_start3A_49 = tpu.memref_slice %arg12[%dma_start3A_47, %dma_start3A_48] : memref<64x256xf32, #tpu.memory_space<vmem>> -> memref<64x128xf32, #tpu.memory_space<vmem>>
    %dma_start3A_50 = arith.constant 0 : i32
    %dma_start3A_51 = tpu.memref_slice %arg6[%add3A_46, %dma_start3A_50] : memref<8192x128xf32, #tpu.memory_space<hbm>> -> memref<64x128xf32, #tpu.memory_space<hbm>>
    %dma_start3A_52 = arith.constant 0 : i32
    %dma_start3A_53 = tpu.memref_slice %arg6[%add3A_46, %dma_start3A_52] : memref<8192x128xf32, #tpu.memory_space<hbm>> -> memref<64x128xf32, #tpu.memory_space<hbm>>
    %dma_start3A_54 = arith.constant 0 : i32
    %dma_start3A_55 = arith.constant 0 : i32
    %dma_start3A_56 = tpu.memref_slice %arg12[%dma_start3A_54, %dma_start3A_55] : memref<64x256xf32, #tpu.memory_space<vmem>> -> memref<64x128xf32, #tpu.memory_space<vmem>>
    tpu.enqueue_dma source(%dma_start3A_56 : memref<64x128xf32, #tpu.memory_space<vmem>>) target(%dma_start3A_53 : memref<64x128xf32, #tpu.memory_space<hbm>>) target_semaphore(%arg20 : memref<!tpu.dma_semaphore, #tpu.memory_space<semaphore_mem>>)
    %dma_start3A_57 = arith.constant 0 : i32
    %dma_start3A_58 = arith.constant 128 : i32
    %dma_start3A_59 = tpu.memref_slice %arg12[%dma_start3A_57, %dma_start3A_58] : memref<64x256xf32, #tpu.memory_space<vmem>> -> memref<64x128xf32, #tpu.memory_space<vmem>>
    %dma_start3A_60 = arith.constant 0 : i32
    %dma_start3A_61 = tpu.memref_slice %arg7[%add3A_46, %dma_start3A_60] : memref<8192x128xf32, #tpu.memory_space<hbm>> -> memref<64x128xf32, #tpu.memory_space<hbm>>
    %dma_start3A_62 = arith.constant 0 : i32
    %dma_start3A_63 = tpu.memref_slice %arg7[%add3A_46, %dma_start3A_62] : memref<8192x128xf32, #tpu.memory_space<hbm>> -> memref<64x128xf32, #tpu.memory_space<hbm>>
    %dma_start3A_64 = arith.constant 0 : i32
    %dma_start3A_65 = arith.constant 128 : i32
    %dma_start3A_66 = tpu.memref_slice %arg12[%dma_start3A_64, %dma_start3A_65] : memref<64x256xf32, #tpu.memory_space<vmem>> -> memref<64x128xf32, #tpu.memory_space<vmem>>
    tpu.enqueue_dma source(%dma_start3A_66 : memref<64x128xf32, #tpu.memory_space<vmem>>) target(%dma_start3A_63 : memref<64x128xf32, #tpu.memory_space<hbm>>) target_semaphore(%arg20 : memref<!tpu.dma_semaphore, #tpu.memory_space<semaphore_mem>>)
    %dma_start3A_67 = arith.constant 0 : i32
    %dma_start3A_68 = arith.constant 0 : i32
    %dma_start3A_69 = tpu.memref_slice %arg15[%dma_start3A_67, %dma_start3A_68] : memref<64x256xf32, #tpu.memory_space<vmem>> -> memref<64x128xf32, #tpu.memory_space<vmem>>
    %dma_start3A_70 = arith.constant 0 : i32
    %dma_start3A_71 = tpu.memref_slice %arg8[%add3A_46, %dma_start3A_70] : memref<8192x128xf32, #tpu.memory_space<hbm>> -> memref<64x128xf32, #tpu.memory_space<hbm>>
    %dma_start3A_72 = arith.constant 0 : i32
    %dma_start3A_73 = tpu.memref_slice %arg8[%add3A_46, %dma_start3A_72] : memref<8192x128xf32, #tpu.memory_space<hbm>> -> memref<64x128xf32, #tpu.memory_space<hbm>>
    %dma_start3A_74 = arith.constant 0 : i32
    %dma_start3A_75 = arith.constant 0 : i32
    %dma_start3A_76 = tpu.memref_slice %arg15[%dma_start3A_74, %dma_start3A_75] : memref<64x256xf32, #tpu.memory_space<vmem>> -> memref<64x128xf32, #tpu.memory_space<vmem>>
    tpu.enqueue_dma source(%dma_start3A_76 : memref<64x128xf32, #tpu.memory_space<vmem>>) target(%dma_start3A_73 : memref<64x128xf32, #tpu.memory_space<hbm>>) target_semaphore(%arg20 : memref<!tpu.dma_semaphore, #tpu.memory_space<semaphore_mem>>)
    %dma_start3A_77 = arith.constant 0 : i32
    %dma_start3A_78 = arith.constant 128 : i32
    %dma_start3A_79 = tpu.memref_slice %arg15[%dma_start3A_77, %dma_start3A_78] : memref<64x256xf32, #tpu.memory_space<vmem>> -> memref<64x128xf32, #tpu.memory_space<vmem>>
    %dma_start3A_80 = arith.constant 0 : i32
    %dma_start3A_81 = tpu.memref_slice %arg9[%add3A_46, %dma_start3A_80] : memref<8192x128xf32, #tpu.memory_space<hbm>> -> memref<64x128xf32, #tpu.memory_space<hbm>>
    %dma_start3A_82 = arith.constant 0 : i32
    %dma_start3A_83 = tpu.memref_slice %arg9[%add3A_46, %dma_start3A_82] : memref<8192x128xf32, #tpu.memory_space<hbm>> -> memref<64x128xf32, #tpu.memory_space<hbm>>
    %dma_start3A_84 = arith.constant 0 : i32
    %dma_start3A_85 = arith.constant 128 : i32
    %dma_start3A_86 = tpu.memref_slice %arg15[%dma_start3A_84, %dma_start3A_85] : memref<64x256xf32, #tpu.memory_space<vmem>> -> memref<64x128xf32, #tpu.memory_space<vmem>>
    tpu.enqueue_dma source(%dma_start3A_86 : memref<64x128xf32, #tpu.memory_space<vmem>>) target(%dma_start3A_83 : memref<64x128xf32, #tpu.memory_space<hbm>>) target_semaphore(%arg20 : memref<!tpu.dma_semaphore, #tpu.memory_space<semaphore_mem>>)
    %dma_wait3A_87 = arith.constant 0 : i32
    %dma_wait3A_88 = arith.constant 0 : i32
    %dma_wait3A_89 = tpu.memref_slice %arg12[%dma_wait3A_87, %dma_wait3A_88] : memref<64x256xf32, #tpu.memory_space<vmem>> -> memref<64x128xf32, #tpu.memory_space<vmem>>
    %dma_wait3A_90 = arith.constant 0 : i32
    %dma_wait3A_91 = tpu.memref_slice %arg6[%add3A_46, %dma_wait3A_90] : memref<8192x128xf32, #tpu.memory_space<hbm>> -> memref<64x128xf32, #tpu.memory_space<hbm>>
    %dma_wait3A_92 = arith.constant 0 : i32
    %dma_wait3A_93 = tpu.memref_slice %arg6[%add3A_46, %dma_wait3A_92] : memref<8192x128xf32, #tpu.memory_space<hbm>> -> memref<64x128xf32, #tpu.memory_space<hbm>>
    %dma_wait3A_94 = arith.constant 0 : i32
    %dma_wait3A_95 = arith.constant 0 : i32
    %dma_wait3A_96 = tpu.memref_slice %arg12[%dma_wait3A_94, %dma_wait3A_95] : memref<64x256xf32, #tpu.memory_space<vmem>> -> memref<64x128xf32, #tpu.memory_space<vmem>>
    tpu.wait_dma2 semaphore(%arg20 : memref<!tpu.dma_semaphore, #tpu.memory_space<semaphore_mem>>) src(%dma_wait3A_96 : memref<64x128xf32, #tpu.memory_space<vmem>>) dst(%dma_wait3A_93 : memref<64x128xf32, #tpu.memory_space<hbm>>)
    %dma_wait3A_97 = arith.constant 0 : i32
    %dma_wait3A_98 = arith.constant 128 : i32
    %dma_wait3A_99 = tpu.memref_slice %arg12[%dma_wait3A_97, %dma_wait3A_98] : memref<64x256xf32, #tpu.memory_space<vmem>> -> memref<64x128xf32, #tpu.memory_space<vmem>>
    %dma_wait3A_100 = arith.constant 0 : i32
    %dma_wait3A_101 = tpu.memref_slice %arg7[%add3A_46, %dma_wait3A_100] : memref<8192x128xf32, #tpu.memory_space<hbm>> -> memref<64x128xf32, #tpu.memory_space<hbm>>
    %dma_wait3A_102 = arith.constant 0 : i32
    %dma_wait3A_103 = tpu.memref_slice %arg7[%add3A_46, %dma_wait3A_102] : memref<8192x128xf32, #tpu.memory_space<hbm>> -> memref<64x128xf32, #tpu.memory_space<hbm>>
    %dma_wait3A_104 = arith.constant 0 : i32
    %dma_wait3A_105 = arith.constant 128 : i32
    %dma_wait3A_106 = tpu.memref_slice %arg12[%dma_wait3A_104, %dma_wait3A_105] : memref<64x256xf32, #tpu.memory_space<vmem>> -> memref<64x128xf32, #tpu.memory_space<vmem>>
    tpu.wait_dma2 semaphore(%arg20 : memref<!tpu.dma_semaphore, #tpu.memory_space<semaphore_mem>>) src(%dma_wait3A_106 : memref<64x128xf32, #tpu.memory_space<vmem>>) dst(%dma_wait3A_103 : memref<64x128xf32, #tpu.memory_space<hbm>>)
    %dma_wait3A_107 = arith.constant 0 : i32
    %dma_wait3A_108 = arith.constant 0 : i32
    %dma_wait3A_109 = tpu.memref_slice %arg15[%dma_wait3A_107, %dma_wait3A_108] : memref<64x256xf32, #tpu.memory_space<vmem>> -> memref<64x128xf32, #tpu.memory_space<vmem>>
    %dma_wait3A_110 = arith.constant 0 : i32
    %dma_wait3A_111 = tpu.memref_slice %arg8[%add3A_46, %dma_wait3A_110] : memref<8192x128xf32, #tpu.memory_space<hbm>> -> memref<64x128xf32, #tpu.memory_space<hbm>>
    %dma_wait3A_112 = arith.constant 0 : i32
    %dma_wait3A_113 = tpu.memref_slice %arg8[%add3A_46, %dma_wait3A_112] : memref<8192x128xf32, #tpu.memory_space<hbm>> -> memref<64x128xf32, #tpu.memory_space<hbm>>
    %dma_wait3A_114 = arith.constant 0 : i32
    %dma_wait3A_115 = arith.constant 0 : i32
    %dma_wait3A_116 = tpu.memref_slice %arg15[%dma_wait3A_114, %dma_wait3A_115] : memref<64x256xf32, #tpu.memory_space<vmem>> -> memref<64x128xf32, #tpu.memory_space<vmem>>
    tpu.wait_dma2 semaphore(%arg20 : memref<!tpu.dma_semaphore, #tpu.memory_space<semaphore_mem>>) src(%dma_wait3A_116 : memref<64x128xf32, #tpu.memory_space<vmem>>) dst(%dma_wait3A_113 : memref<64x128xf32, #tpu.memory_space<hbm>>)
    %dma_wait3A_117 = arith.constant 0 : i32
    %dma_wait3A_118 = arith.constant 128 : i32
    %dma_wait3A_119 = tpu.memref_slice %arg15[%dma_wait3A_117, %dma_wait3A_118] : memref<64x256xf32, #tpu.memory_space<vmem>> -> memref<64x128xf32, #tpu.memory_space<vmem>>
    %dma_wait3A_120 = arith.constant 0 : i32
    %dma_wait3A_121 = tpu.memref_slice %arg9[%add3A_46, %dma_wait3A_120] : memref<8192x128xf32, #tpu.memory_space<hbm>> -> memref<64x128xf32, #tpu.memory_space<hbm>>
    %dma_wait3A_122 = arith.constant 0 : i32
    %dma_wait3A_123 = tpu.memref_slice %arg9[%add3A_46, %dma_wait3A_122] : memref<8192x128xf32, #tpu.memory_space<hbm>> -> memref<64x128xf32, #tpu.memory_space<hbm>>
    %dma_wait3A_124 = arith.constant 0 : i32
    %dma_wait3A_125 = arith.constant 128 : i32
    %dma_wait3A_126 = tpu.memref_slice %arg15[%dma_wait3A_124, %dma_wait3A_125] : memref<64x256xf32, #tpu.memory_space<vmem>> -> memref<64x128xf32, #tpu.memory_space<vmem>>
    tpu.wait_dma2 semaphore(%arg20 : memref<!tpu.dma_semaphore, #tpu.memory_space<semaphore_mem>>) src(%dma_wait3A_126 : memref<64x128xf32, #tpu.memory_space<vmem>>) dst(%dma_wait3A_123 : memref<64x128xf32, #tpu.memory_space<hbm>>)
    %dma_start3A_127 = arith.constant 192 : i32
    %dma_start3A_128 = tpu.memref_slice %arg10[%dma_start3A_127] : memref<256xi32, #tpu.memory_space<vmem>> -> memref<64xi32, #tpu.memory_space<vmem>>
    %dma_start3A_129 = arith.constant 0 : i32
    %dma_start3A_130 = arith.constant 0 : i32
    %dma_start3A_131 = tpu.memref_slice %arg4[%dma_start3A_129, %dma_start3A_130] : memref<100000x256xf32, #tpu.memory_space<hbm>> -> memref<100000x256xf32, #tpu.memory_space<hbm>>
    tpu.enqueue_indirect_dma source(%dma_start3A_131 : memref<100000x256xf32, #tpu.memory_space<hbm>>) target(%arg12 : memref<64x256xf32, #tpu.memory_space<vmem>>) offsets(%dma_start3A_128 : memref<64xi32, #tpu.memory_space<vmem>>) semaphore(%arg18 : memref<!tpu.dma_semaphore, #tpu.memory_space<semaphore_mem>>)
    %dma_start3A_132 = arith.constant 192 : i32
    %dma_start3A_133 = tpu.memref_slice %arg11[%dma_start3A_132] : memref<256xi32, #tpu.memory_space<vmem>> -> memref<64xi32, #tpu.memory_space<vmem>>
    %dma_start3A_134 = arith.constant 0 : i32
    %dma_start3A_135 = arith.constant 0 : i32
    %dma_start3A_136 = tpu.memref_slice %arg5[%dma_start3A_134, %dma_start3A_135] : memref<100000x256xf32, #tpu.memory_space<hbm>> -> memref<100000x256xf32, #tpu.memory_space<hbm>>
    tpu.enqueue_indirect_dma source(%dma_start3A_136 : memref<100000x256xf32, #tpu.memory_space<hbm>>) target(%arg15 : memref<64x256xf32, #tpu.memory_space<vmem>>) offsets(%dma_start3A_133 : memref<64xi32, #tpu.memory_space<vmem>>) semaphore(%arg19 : memref<!tpu.dma_semaphore, #tpu.memory_space<semaphore_mem>>)
    %dma_wait3A_137 = arith.constant 64 : i32
    %dma_wait3A_138 = tpu.memref_slice %arg10[%dma_wait3A_137] : memref<256xi32, #tpu.memory_space<vmem>> -> memref<64xi32, #tpu.memory_space<vmem>>
    %dma_wait3A_139 = arith.constant 0 : i32
    %dma_wait3A_140 = arith.constant 0 : i32
    %dma_wait3A_141 = tpu.memref_slice %arg4[%dma_wait3A_139, %dma_wait3A_140] : memref<100000x256xf32, #tpu.memory_space<hbm>> -> memref<100000x256xf32, #tpu.memory_space<hbm>>
    tpu.wait_indirect_dma semaphore(%arg18 : memref<!tpu.dma_semaphore, #tpu.memory_space<semaphore_mem>>) src(%dma_wait3A_141 : memref<100000x256xf32, #tpu.memory_space<hbm>>) dst(%arg13 : memref<64x256xf32, #tpu.memory_space<vmem>>)
    %dma_wait3A_142 = arith.constant 64 : i32
    %dma_wait3A_143 = tpu.memref_slice %arg11[%dma_wait3A_142] : memref<256xi32, #tpu.memory_space<vmem>> -> memref<64xi32, #tpu.memory_space<vmem>>
    %dma_wait3A_144 = arith.constant 0 : i32
    %dma_wait3A_145 = arith.constant 0 : i32
    %dma_wait3A_146 = tpu.memref_slice %arg5[%dma_wait3A_144, %dma_wait3A_145] : memref<100000x256xf32, #tpu.memory_space<hbm>> -> memref<100000x256xf32, #tpu.memory_space<hbm>>
    tpu.wait_indirect_dma semaphore(%arg19 : memref<!tpu.dma_semaphore, #tpu.memory_space<semaphore_mem>>) src(%dma_wait3A_146 : memref<100000x256xf32, #tpu.memory_space<hbm>>) dst(%arg16 : memref<64x256xf32, #tpu.memory_space<vmem>>)
    %add3A_147 = arith.constant 64 : i32
    %add3A_148 = arith.addi %mul3A_2, %add3A_147 : i32
    %dma_start3A_149 = arith.constant 0 : i32
    %dma_start3A_150 = arith.constant 0 : i32
    %dma_start3A_151 = tpu.memref_slice %arg13[%dma_start3A_149, %dma_start3A_150] : memref<64x256xf32, #tpu.memory_space<vmem>> -> memref<64x128xf32, #tpu.memory_space<vmem>>
    %dma_start3A_152 = arith.constant 0 : i32
    %dma_start3A_153 = tpu.memref_slice %arg6[%add3A_148, %dma_start3A_152] : memref<8192x128xf32, #tpu.memory_space<hbm>> -> memref<64x128xf32, #tpu.memory_space<hbm>>
    %dma_start3A_154 = arith.constant 0 : i32
    %dma_start3A_155 = tpu.memref_slice %arg6[%add3A_148, %dma_start3A_154] : memref<8192x128xf32, #tpu.memory_space<hbm>> -> memref<64x128xf32, #tpu.memory_space<hbm>>
    %dma_start3A_156 = arith.constant 0 : i32
    %dma_start3A_157 = arith.constant 0 : i32
    %dma_start3A_158 = tpu.memref_slice %arg13[%dma_start3A_156, %dma_start3A_157] : memref<64x256xf32, #tpu.memory_space<vmem>> -> memref<64x128xf32, #tpu.memory_space<vmem>>
    tpu.enqueue_dma source(%dma_start3A_158 : memref<64x128xf32, #tpu.memory_space<vmem>>) target(%dma_start3A_155 : memref<64x128xf32, #tpu.memory_space<hbm>>) target_semaphore(%arg20 : memref<!tpu.dma_semaphore, #tpu.memory_space<semaphore_mem>>)
    %dma_start3A_159 = arith.constant 0 : i32
    %dma_start3A_160 = arith.constant 128 : i32
    %dma_start3A_161 = tpu.memref_slice %arg13[%dma_start3A_159, %dma_start3A_160] : memref<64x256xf32, #tpu.memory_space<vmem>> -> memref<64x128xf32, #tpu.memory_space<vmem>>
    %dma_start3A_162 = arith.constant 0 : i32
    %dma_start3A_163 = tpu.memref_slice %arg7[%add3A_148, %dma_start3A_162] : memref<8192x128xf32, #tpu.memory_space<hbm>> -> memref<64x128xf32, #tpu.memory_space<hbm>>
    %dma_start3A_164 = arith.constant 0 : i32
    %dma_start3A_165 = tpu.memref_slice %arg7[%add3A_148, %dma_start3A_164] : memref<8192x128xf32, #tpu.memory_space<hbm>> -> memref<64x128xf32, #tpu.memory_space<hbm>>
    %dma_start3A_166 = arith.constant 0 : i32
    %dma_start3A_167 = arith.constant 128 : i32
    %dma_start3A_168 = tpu.memref_slice %arg13[%dma_start3A_166, %dma_start3A_167] : memref<64x256xf32, #tpu.memory_space<vmem>> -> memref<64x128xf32, #tpu.memory_space<vmem>>
    tpu.enqueue_dma source(%dma_start3A_168 : memref<64x128xf32, #tpu.memory_space<vmem>>) target(%dma_start3A_165 : memref<64x128xf32, #tpu.memory_space<hbm>>) target_semaphore(%arg20 : memref<!tpu.dma_semaphore, #tpu.memory_space<semaphore_mem>>)
    %dma_start3A_169 = arith.constant 0 : i32
    %dma_start3A_170 = arith.constant 0 : i32
    %dma_start3A_171 = tpu.memref_slice %arg16[%dma_start3A_169, %dma_start3A_170] : memref<64x256xf32, #tpu.memory_space<vmem>> -> memref<64x128xf32, #tpu.memory_space<vmem>>
    %dma_start3A_172 = arith.constant 0 : i32
    %dma_start3A_173 = tpu.memref_slice %arg8[%add3A_148, %dma_start3A_172] : memref<8192x128xf32, #tpu.memory_space<hbm>> -> memref<64x128xf32, #tpu.memory_space<hbm>>
    %dma_start3A_174 = arith.constant 0 : i32
    %dma_start3A_175 = tpu.memref_slice %arg8[%add3A_148, %dma_start3A_174] : memref<8192x128xf32, #tpu.memory_space<hbm>> -> memref<64x128xf32, #tpu.memory_space<hbm>>
    %dma_start3A_176 = arith.constant 0 : i32
    %dma_start3A_177 = arith.constant 0 : i32
    %dma_start3A_178 = tpu.memref_slice %arg16[%dma_start3A_176, %dma_start3A_177] : memref<64x256xf32, #tpu.memory_space<vmem>> -> memref<64x128xf32, #tpu.memory_space<vmem>>
    tpu.enqueue_dma source(%dma_start3A_178 : memref<64x128xf32, #tpu.memory_space<vmem>>) target(%dma_start3A_175 : memref<64x128xf32, #tpu.memory_space<hbm>>) target_semaphore(%arg20 : memref<!tpu.dma_semaphore, #tpu.memory_space<semaphore_mem>>)
    %dma_start3A_179 = arith.constant 0 : i32
    %dma_start3A_180 = arith.constant 128 : i32
    %dma_start3A_181 = tpu.memref_slice %arg16[%dma_start3A_179, %dma_start3A_180] : memref<64x256xf32, #tpu.memory_space<vmem>> -> memref<64x128xf32, #tpu.memory_space<vmem>>
    %dma_start3A_182 = arith.constant 0 : i32
    %dma_start3A_183 = tpu.memref_slice %arg9[%add3A_148, %dma_start3A_182] : memref<8192x128xf32, #tpu.memory_space<hbm>> -> memref<64x128xf32, #tpu.memory_space<hbm>>
    %dma_start3A_184 = arith.constant 0 : i32
    %dma_start3A_185 = tpu.memref_slice %arg9[%add3A_148, %dma_start3A_184] : memref<8192x128xf32, #tpu.memory_space<hbm>> -> memref<64x128xf32, #tpu.memory_space<hbm>>
    %dma_start3A_186 = arith.constant 0 : i32
    %dma_start3A_187 = arith.constant 128 : i32
    %dma_start3A_188 = tpu.memref_slice %arg16[%dma_start3A_186, %dma_start3A_187] : memref<64x256xf32, #tpu.memory_space<vmem>> -> memref<64x128xf32, #tpu.memory_space<vmem>>
    tpu.enqueue_dma source(%dma_start3A_188 : memref<64x128xf32, #tpu.memory_space<vmem>>) target(%dma_start3A_185 : memref<64x128xf32, #tpu.memory_space<hbm>>) target_semaphore(%arg20 : memref<!tpu.dma_semaphore, #tpu.memory_space<semaphore_mem>>)
    %dma_wait3A_189 = arith.constant 128 : i32
    %dma_wait3A_190 = tpu.memref_slice %arg10[%dma_wait3A_189] : memref<256xi32, #tpu.memory_space<vmem>> -> memref<64xi32, #tpu.memory_space<vmem>>
    %dma_wait3A_191 = arith.constant 0 : i32
    %dma_wait3A_192 = arith.constant 0 : i32
    %dma_wait3A_193 = tpu.memref_slice %arg4[%dma_wait3A_191, %dma_wait3A_192] : memref<100000x256xf32, #tpu.memory_space<hbm>> -> memref<100000x256xf32, #tpu.memory_space<hbm>>
    tpu.wait_indirect_dma semaphore(%arg18 : memref<!tpu.dma_semaphore, #tpu.memory_space<semaphore_mem>>) src(%dma_wait3A_193 : memref<100000x256xf32, #tpu.memory_space<hbm>>) dst(%arg14 : memref<64x256xf32, #tpu.memory_space<vmem>>)
    %dma_wait3A_194 = arith.constant 128 : i32
    %dma_wait3A_195 = tpu.memref_slice %arg11[%dma_wait3A_194] : memref<256xi32, #tpu.memory_space<vmem>> -> memref<64xi32, #tpu.memory_space<vmem>>
    %dma_wait3A_196 = arith.constant 0 : i32
    %dma_wait3A_197 = arith.constant 0 : i32
    %dma_wait3A_198 = tpu.memref_slice %arg5[%dma_wait3A_196, %dma_wait3A_197] : memref<100000x256xf32, #tpu.memory_space<hbm>> -> memref<100000x256xf32, #tpu.memory_space<hbm>>
    tpu.wait_indirect_dma semaphore(%arg19 : memref<!tpu.dma_semaphore, #tpu.memory_space<semaphore_mem>>) src(%dma_wait3A_198 : memref<100000x256xf32, #tpu.memory_space<hbm>>) dst(%arg17 : memref<64x256xf32, #tpu.memory_space<vmem>>)
    %add3A_199 = arith.constant 128 : i32
    %add3A_200 = arith.addi %mul3A_2, %add3A_199 : i32
    %dma_start3A_201 = arith.constant 0 : i32
    %dma_start3A_202 = arith.constant 0 : i32
    %dma_start3A_203 = tpu.memref_slice %arg14[%dma_start3A_201, %dma_start3A_202] : memref<64x256xf32, #tpu.memory_space<vmem>> -> memref<64x128xf32, #tpu.memory_space<vmem>>
    %dma_start3A_204 = arith.constant 0 : i32
    %dma_start3A_205 = tpu.memref_slice %arg6[%add3A_200, %dma_start3A_204] : memref<8192x128xf32, #tpu.memory_space<hbm>> -> memref<64x128xf32, #tpu.memory_space<hbm>>
    %dma_start3A_206 = arith.constant 0 : i32
    %dma_start3A_207 = tpu.memref_slice %arg6[%add3A_200, %dma_start3A_206] : memref<8192x128xf32, #tpu.memory_space<hbm>> -> memref<64x128xf32, #tpu.memory_space<hbm>>
    %dma_start3A_208 = arith.constant 0 : i32
    %dma_start3A_209 = arith.constant 0 : i32
    %dma_start3A_210 = tpu.memref_slice %arg14[%dma_start3A_208, %dma_start3A_209] : memref<64x256xf32, #tpu.memory_space<vmem>> -> memref<64x128xf32, #tpu.memory_space<vmem>>
    tpu.enqueue_dma source(%dma_start3A_210 : memref<64x128xf32, #tpu.memory_space<vmem>>) target(%dma_start3A_207 : memref<64x128xf32, #tpu.memory_space<hbm>>) target_semaphore(%arg20 : memref<!tpu.dma_semaphore, #tpu.memory_space<semaphore_mem>>)
    %dma_start3A_211 = arith.constant 0 : i32
    %dma_start3A_212 = arith.constant 128 : i32
    %dma_start3A_213 = tpu.memref_slice %arg14[%dma_start3A_211, %dma_start3A_212] : memref<64x256xf32, #tpu.memory_space<vmem>> -> memref<64x128xf32, #tpu.memory_space<vmem>>
    %dma_start3A_214 = arith.constant 0 : i32
    %dma_start3A_215 = tpu.memref_slice %arg7[%add3A_200, %dma_start3A_214] : memref<8192x128xf32, #tpu.memory_space<hbm>> -> memref<64x128xf32, #tpu.memory_space<hbm>>
    %dma_start3A_216 = arith.constant 0 : i32
    %dma_start3A_217 = tpu.memref_slice %arg7[%add3A_200, %dma_start3A_216] : memref<8192x128xf32, #tpu.memory_space<hbm>> -> memref<64x128xf32, #tpu.memory_space<hbm>>
    %dma_start3A_218 = arith.constant 0 : i32
    %dma_start3A_219 = arith.constant 128 : i32
    %dma_start3A_220 = tpu.memref_slice %arg14[%dma_start3A_218, %dma_start3A_219] : memref<64x256xf32, #tpu.memory_space<vmem>> -> memref<64x128xf32, #tpu.memory_space<vmem>>
    tpu.enqueue_dma source(%dma_start3A_220 : memref<64x128xf32, #tpu.memory_space<vmem>>) target(%dma_start3A_217 : memref<64x128xf32, #tpu.memory_space<hbm>>) target_semaphore(%arg20 : memref<!tpu.dma_semaphore, #tpu.memory_space<semaphore_mem>>)
    %dma_start3A_221 = arith.constant 0 : i32
    %dma_start3A_222 = arith.constant 0 : i32
    %dma_start3A_223 = tpu.memref_slice %arg17[%dma_start3A_221, %dma_start3A_222] : memref<64x256xf32, #tpu.memory_space<vmem>> -> memref<64x128xf32, #tpu.memory_space<vmem>>
    %dma_start3A_224 = arith.constant 0 : i32
    %dma_start3A_225 = tpu.memref_slice %arg8[%add3A_200, %dma_start3A_224] : memref<8192x128xf32, #tpu.memory_space<hbm>> -> memref<64x128xf32, #tpu.memory_space<hbm>>
    %dma_start3A_226 = arith.constant 0 : i32
    %dma_start3A_227 = tpu.memref_slice %arg8[%add3A_200, %dma_start3A_226] : memref<8192x128xf32, #tpu.memory_space<hbm>> -> memref<64x128xf32, #tpu.memory_space<hbm>>
    %dma_start3A_228 = arith.constant 0 : i32
    %dma_start3A_229 = arith.constant 0 : i32
    %dma_start3A_230 = tpu.memref_slice %arg17[%dma_start3A_228, %dma_start3A_229] : memref<64x256xf32, #tpu.memory_space<vmem>> -> memref<64x128xf32, #tpu.memory_space<vmem>>
    tpu.enqueue_dma source(%dma_start3A_230 : memref<64x128xf32, #tpu.memory_space<vmem>>) target(%dma_start3A_227 : memref<64x128xf32, #tpu.memory_space<hbm>>) target_semaphore(%arg20 : memref<!tpu.dma_semaphore, #tpu.memory_space<semaphore_mem>>)
    %dma_start3A_231 = arith.constant 0 : i32
    %dma_start3A_232 = arith.constant 128 : i32
    %dma_start3A_233 = tpu.memref_slice %arg17[%dma_start3A_231, %dma_start3A_232] : memref<64x256xf32, #tpu.memory_space<vmem>> -> memref<64x128xf32, #tpu.memory_space<vmem>>
    %dma_start3A_234 = arith.constant 0 : i32
    %dma_start3A_235 = tpu.memref_slice %arg9[%add3A_200, %dma_start3A_234] : memref<8192x128xf32, #tpu.memory_space<hbm>> -> memref<64x128xf32, #tpu.memory_space<hbm>>
    %dma_start3A_236 = arith.constant 0 : i32
    %dma_start3A_237 = tpu.memref_slice %arg9[%add3A_200, %dma_start3A_236] : memref<8192x128xf32, #tpu.memory_space<hbm>> -> memref<64x128xf32, #tpu.memory_space<hbm>>
    %dma_start3A_238 = arith.constant 0 : i32
    %dma_start3A_239 = arith.constant 128 : i32
    %dma_start3A_240 = tpu.memref_slice %arg17[%dma_start3A_238, %dma_start3A_239] : memref<64x256xf32, #tpu.memory_space<vmem>> -> memref<64x128xf32, #tpu.memory_space<vmem>>
    tpu.enqueue_dma source(%dma_start3A_240 : memref<64x128xf32, #tpu.memory_space<vmem>>) target(%dma_start3A_237 : memref<64x128xf32, #tpu.memory_space<hbm>>) target_semaphore(%arg20 : memref<!tpu.dma_semaphore, #tpu.memory_space<semaphore_mem>>)
    %dma_wait3A_241 = arith.constant 192 : i32
    %dma_wait3A_242 = tpu.memref_slice %arg10[%dma_wait3A_241] : memref<256xi32, #tpu.memory_space<vmem>> -> memref<64xi32, #tpu.memory_space<vmem>>
    %dma_wait3A_243 = arith.constant 0 : i32
    %dma_wait3A_244 = arith.constant 0 : i32
    %dma_wait3A_245 = tpu.memref_slice %arg4[%dma_wait3A_243, %dma_wait3A_244] : memref<100000x256xf32, #tpu.memory_space<hbm>> -> memref<100000x256xf32, #tpu.memory_space<hbm>>
    tpu.wait_indirect_dma semaphore(%arg18 : memref<!tpu.dma_semaphore, #tpu.memory_space<semaphore_mem>>) src(%dma_wait3A_245 : memref<100000x256xf32, #tpu.memory_space<hbm>>) dst(%arg12 : memref<64x256xf32, #tpu.memory_space<vmem>>)
    %dma_wait3A_246 = arith.constant 192 : i32
    %dma_wait3A_247 = tpu.memref_slice %arg11[%dma_wait3A_246] : memref<256xi32, #tpu.memory_space<vmem>> -> memref<64xi32, #tpu.memory_space<vmem>>
    %dma_wait3A_248 = arith.constant 0 : i32
    %dma_wait3A_249 = arith.constant 0 : i32
    %dma_wait3A_250 = tpu.memref_slice %arg5[%dma_wait3A_248, %dma_wait3A_249] : memref<100000x256xf32, #tpu.memory_space<hbm>> -> memref<100000x256xf32, #tpu.memory_space<hbm>>
    tpu.wait_indirect_dma semaphore(%arg19 : memref<!tpu.dma_semaphore, #tpu.memory_space<semaphore_mem>>) src(%dma_wait3A_250 : memref<100000x256xf32, #tpu.memory_space<hbm>>) dst(%arg15 : memref<64x256xf32, #tpu.memory_space<vmem>>)
    %add3A_251 = arith.constant 192 : i32
    %add3A_252 = arith.addi %mul3A_2, %add3A_251 : i32
    %dma_start3A_253 = arith.constant 0 : i32
    %dma_start3A_254 = arith.constant 0 : i32
    %dma_start3A_255 = tpu.memref_slice %arg12[%dma_start3A_253, %dma_start3A_254] : memref<64x256xf32, #tpu.memory_space<vmem>> -> memref<64x128xf32, #tpu.memory_space<vmem>>
    %dma_start3A_256 = arith.constant 0 : i32
    %dma_start3A_257 = tpu.memref_slice %arg6[%add3A_252, %dma_start3A_256] : memref<8192x128xf32, #tpu.memory_space<hbm>> -> memref<64x128xf32, #tpu.memory_space<hbm>>
    %dma_start3A_258 = arith.constant 0 : i32
    %dma_start3A_259 = tpu.memref_slice %arg6[%add3A_252, %dma_start3A_258] : memref<8192x128xf32, #tpu.memory_space<hbm>> -> memref<64x128xf32, #tpu.memory_space<hbm>>
    %dma_start3A_260 = arith.constant 0 : i32
    %dma_start3A_261 = arith.constant 0 : i32
    %dma_start3A_262 = tpu.memref_slice %arg12[%dma_start3A_260, %dma_start3A_261] : memref<64x256xf32, #tpu.memory_space<vmem>> -> memref<64x128xf32, #tpu.memory_space<vmem>>
    tpu.enqueue_dma source(%dma_start3A_262 : memref<64x128xf32, #tpu.memory_space<vmem>>) target(%dma_start3A_259 : memref<64x128xf32, #tpu.memory_space<hbm>>) target_semaphore(%arg20 : memref<!tpu.dma_semaphore, #tpu.memory_space<semaphore_mem>>)
    %dma_start3A_263 = arith.constant 0 : i32
    %dma_start3A_264 = arith.constant 128 : i32
    %dma_start3A_265 = tpu.memref_slice %arg12[%dma_start3A_263, %dma_start3A_264] : memref<64x256xf32, #tpu.memory_space<vmem>> -> memref<64x128xf32, #tpu.memory_space<vmem>>
    %dma_start3A_266 = arith.constant 0 : i32
    %dma_start3A_267 = tpu.memref_slice %arg7[%add3A_252, %dma_start3A_266] : memref<8192x128xf32, #tpu.memory_space<hbm>> -> memref<64x128xf32, #tpu.memory_space<hbm>>
    %dma_start3A_268 = arith.constant 0 : i32
    %dma_start3A_269 = tpu.memref_slice %arg7[%add3A_252, %dma_start3A_268] : memref<8192x128xf32, #tpu.memory_space<hbm>> -> memref<64x128xf32, #tpu.memory_space<hbm>>
    %dma_start3A_270 = arith.constant 0 : i32
    %dma_start3A_271 = arith.constant 128 : i32
    %dma_start3A_272 = tpu.memref_slice %arg12[%dma_start3A_270, %dma_start3A_271] : memref<64x256xf32, #tpu.memory_space<vmem>> -> memref<64x128xf32, #tpu.memory_space<vmem>>
    tpu.enqueue_dma source(%dma_start3A_272 : memref<64x128xf32, #tpu.memory_space<vmem>>) target(%dma_start3A_269 : memref<64x128xf32, #tpu.memory_space<hbm>>) target_semaphore(%arg20 : memref<!tpu.dma_semaphore, #tpu.memory_space<semaphore_mem>>)
    %dma_start3A_273 = arith.constant 0 : i32
    %dma_start3A_274 = arith.constant 0 : i32
    %dma_start3A_275 = tpu.memref_slice %arg15[%dma_start3A_273, %dma_start3A_274] : memref<64x256xf32, #tpu.memory_space<vmem>> -> memref<64x128xf32, #tpu.memory_space<vmem>>
    %dma_start3A_276 = arith.constant 0 : i32
    %dma_start3A_277 = tpu.memref_slice %arg8[%add3A_252, %dma_start3A_276] : memref<8192x128xf32, #tpu.memory_space<hbm>> -> memref<64x128xf32, #tpu.memory_space<hbm>>
    %dma_start3A_278 = arith.constant 0 : i32
    %dma_start3A_279 = tpu.memref_slice %arg8[%add3A_252, %dma_start3A_278] : memref<8192x128xf32, #tpu.memory_space<hbm>> -> memref<64x128xf32, #tpu.memory_space<hbm>>
    %dma_start3A_280 = arith.constant 0 : i32
    %dma_start3A_281 = arith.constant 0 : i32
    %dma_start3A_282 = tpu.memref_slice %arg15[%dma_start3A_280, %dma_start3A_281] : memref<64x256xf32, #tpu.memory_space<vmem>> -> memref<64x128xf32, #tpu.memory_space<vmem>>
    tpu.enqueue_dma source(%dma_start3A_282 : memref<64x128xf32, #tpu.memory_space<vmem>>) target(%dma_start3A_279 : memref<64x128xf32, #tpu.memory_space<hbm>>) target_semaphore(%arg20 : memref<!tpu.dma_semaphore, #tpu.memory_space<semaphore_mem>>)
    %dma_start3A_283 = arith.constant 0 : i32
    %dma_start3A_284 = arith.constant 128 : i32
    %dma_start3A_285 = tpu.memref_slice %arg15[%dma_start3A_283, %dma_start3A_284] : memref<64x256xf32, #tpu.memory_space<vmem>> -> memref<64x128xf32, #tpu.memory_space<vmem>>
    %dma_start3A_286 = arith.constant 0 : i32
    %dma_start3A_287 = tpu.memref_slice %arg9[%add3A_252, %dma_start3A_286] : memref<8192x128xf32, #tpu.memory_space<hbm>> -> memref<64x128xf32, #tpu.memory_space<hbm>>
    %dma_start3A_288 = arith.constant 0 : i32
    %dma_start3A_289 = tpu.memref_slice %arg9[%add3A_252, %dma_start3A_288] : memref<8192x128xf32, #tpu.memory_space<hbm>> -> memref<64x128xf32, #tpu.memory_space<hbm>>
    %dma_start3A_290 = arith.constant 0 : i32
    %dma_start3A_291 = arith.constant 128 : i32
    %dma_start3A_292 = tpu.memref_slice %arg15[%dma_start3A_290, %dma_start3A_291] : memref<64x256xf32, #tpu.memory_space<vmem>> -> memref<64x128xf32, #tpu.memory_space<vmem>>
    tpu.enqueue_dma source(%dma_start3A_292 : memref<64x128xf32, #tpu.memory_space<vmem>>) target(%dma_start3A_289 : memref<64x128xf32, #tpu.memory_space<hbm>>) target_semaphore(%arg20 : memref<!tpu.dma_semaphore, #tpu.memory_space<semaphore_mem>>)
    %dma_wait3A_293 = arith.constant 0 : i32
    %dma_wait3A_294 = arith.constant 0 : i32
    %dma_wait3A_295 = tpu.memref_slice %arg13[%dma_wait3A_293, %dma_wait3A_294] : memref<64x256xf32, #tpu.memory_space<vmem>> -> memref<64x128xf32, #tpu.memory_space<vmem>>
    %dma_wait3A_296 = arith.constant 0 : i32
    %dma_wait3A_297 = tpu.memref_slice %arg6[%add3A_148, %dma_wait3A_296] : memref<8192x128xf32, #tpu.memory_space<hbm>> -> memref<64x128xf32, #tpu.memory_space<hbm>>
    %dma_wait3A_298 = arith.constant 0 : i32
    %dma_wait3A_299 = tpu.memref_slice %arg6[%add3A_148, %dma_wait3A_298] : memref<8192x128xf32, #tpu.memory_space<hbm>> -> memref<64x128xf32, #tpu.memory_space<hbm>>
    %dma_wait3A_300 = arith.constant 0 : i32
    %dma_wait3A_301 = arith.constant 0 : i32
    %dma_wait3A_302 = tpu.memref_slice %arg13[%dma_wait3A_300, %dma_wait3A_301] : memref<64x256xf32, #tpu.memory_space<vmem>> -> memref<64x128xf32, #tpu.memory_space<vmem>>
    tpu.wait_dma2 semaphore(%arg20 : memref<!tpu.dma_semaphore, #tpu.memory_space<semaphore_mem>>) src(%dma_wait3A_302 : memref<64x128xf32, #tpu.memory_space<vmem>>) dst(%dma_wait3A_299 : memref<64x128xf32, #tpu.memory_space<hbm>>)
    %dma_wait3A_303 = arith.constant 0 : i32
    %dma_wait3A_304 = arith.constant 128 : i32
    %dma_wait3A_305 = tpu.memref_slice %arg13[%dma_wait3A_303, %dma_wait3A_304] : memref<64x256xf32, #tpu.memory_space<vmem>> -> memref<64x128xf32, #tpu.memory_space<vmem>>
    %dma_wait3A_306 = arith.constant 0 : i32
    %dma_wait3A_307 = tpu.memref_slice %arg7[%add3A_148, %dma_wait3A_306] : memref<8192x128xf32, #tpu.memory_space<hbm>> -> memref<64x128xf32, #tpu.memory_space<hbm>>
    %dma_wait3A_308 = arith.constant 0 : i32
    %dma_wait3A_309 = tpu.memref_slice %arg7[%add3A_148, %dma_wait3A_308] : memref<8192x128xf32, #tpu.memory_space<hbm>> -> memref<64x128xf32, #tpu.memory_space<hbm>>
    %dma_wait3A_310 = arith.constant 0 : i32
    %dma_wait3A_311 = arith.constant 128 : i32
    %dma_wait3A_312 = tpu.memref_slice %arg13[%dma_wait3A_310, %dma_wait3A_311] : memref<64x256xf32, #tpu.memory_space<vmem>> -> memref<64x128xf32, #tpu.memory_space<vmem>>
    tpu.wait_dma2 semaphore(%arg20 : memref<!tpu.dma_semaphore, #tpu.memory_space<semaphore_mem>>) src(%dma_wait3A_312 : memref<64x128xf32, #tpu.memory_space<vmem>>) dst(%dma_wait3A_309 : memref<64x128xf32, #tpu.memory_space<hbm>>)
    %dma_wait3A_313 = arith.constant 0 : i32
    %dma_wait3A_314 = arith.constant 0 : i32
    %dma_wait3A_315 = tpu.memref_slice %arg16[%dma_wait3A_313, %dma_wait3A_314] : memref<64x256xf32, #tpu.memory_space<vmem>> -> memref<64x128xf32, #tpu.memory_space<vmem>>
    %dma_wait3A_316 = arith.constant 0 : i32
    %dma_wait3A_317 = tpu.memref_slice %arg8[%add3A_148, %dma_wait3A_316] : memref<8192x128xf32, #tpu.memory_space<hbm>> -> memref<64x128xf32, #tpu.memory_space<hbm>>
    %dma_wait3A_318 = arith.constant 0 : i32
    %dma_wait3A_319 = tpu.memref_slice %arg8[%add3A_148, %dma_wait3A_318] : memref<8192x128xf32, #tpu.memory_space<hbm>> -> memref<64x128xf32, #tpu.memory_space<hbm>>
    %dma_wait3A_320 = arith.constant 0 : i32
    %dma_wait3A_321 = arith.constant 0 : i32
    %dma_wait3A_322 = tpu.memref_slice %arg16[%dma_wait3A_320, %dma_wait3A_321] : memref<64x256xf32, #tpu.memory_space<vmem>> -> memref<64x128xf32, #tpu.memory_space<vmem>>
    tpu.wait_dma2 semaphore(%arg20 : memref<!tpu.dma_semaphore, #tpu.memory_space<semaphore_mem>>) src(%dma_wait3A_322 : memref<64x128xf32, #tpu.memory_space<vmem>>) dst(%dma_wait3A_319 : memref<64x128xf32, #tpu.memory_space<hbm>>)
    %dma_wait3A_323 = arith.constant 0 : i32
    %dma_wait3A_324 = arith.constant 128 : i32
    %dma_wait3A_325 = tpu.memref_slice %arg16[%dma_wait3A_323, %dma_wait3A_324] : memref<64x256xf32, #tpu.memory_space<vmem>> -> memref<64x128xf32, #tpu.memory_space<vmem>>
    %dma_wait3A_326 = arith.constant 0 : i32
    %dma_wait3A_327 = tpu.memref_slice %arg9[%add3A_148, %dma_wait3A_326] : memref<8192x128xf32, #tpu.memory_space<hbm>> -> memref<64x128xf32, #tpu.memory_space<hbm>>
    %dma_wait3A_328 = arith.constant 0 : i32
    %dma_wait3A_329 = tpu.memref_slice %arg9[%add3A_148, %dma_wait3A_328] : memref<8192x128xf32, #tpu.memory_space<hbm>> -> memref<64x128xf32, #tpu.memory_space<hbm>>
    %dma_wait3A_330 = arith.constant 0 : i32
    %dma_wait3A_331 = arith.constant 128 : i32
    %dma_wait3A_332 = tpu.memref_slice %arg16[%dma_wait3A_330, %dma_wait3A_331] : memref<64x256xf32, #tpu.memory_space<vmem>> -> memref<64x128xf32, #tpu.memory_space<vmem>>
    tpu.wait_dma2 semaphore(%arg20 : memref<!tpu.dma_semaphore, #tpu.memory_space<semaphore_mem>>) src(%dma_wait3A_332 : memref<64x128xf32, #tpu.memory_space<vmem>>) dst(%dma_wait3A_329 : memref<64x128xf32, #tpu.memory_space<hbm>>)
    %dma_wait3A_333 = arith.constant 0 : i32
    %dma_wait3A_334 = arith.constant 0 : i32
    %dma_wait3A_335 = tpu.memref_slice %arg14[%dma_wait3A_333, %dma_wait3A_334] : memref<64x256xf32, #tpu.memory_space<vmem>> -> memref<64x128xf32, #tpu.memory_space<vmem>>
    %dma_wait3A_336 = arith.constant 0 : i32
    %dma_wait3A_337 = tpu.memref_slice %arg6[%add3A_200, %dma_wait3A_336] : memref<8192x128xf32, #tpu.memory_space<hbm>> -> memref<64x128xf32, #tpu.memory_space<hbm>>
    %dma_wait3A_338 = arith.constant 0 : i32
    %dma_wait3A_339 = tpu.memref_slice %arg6[%add3A_200, %dma_wait3A_338] : memref<8192x128xf32, #tpu.memory_space<hbm>> -> memref<64x128xf32, #tpu.memory_space<hbm>>
    %dma_wait3A_340 = arith.constant 0 : i32
    %dma_wait3A_341 = arith.constant 0 : i32
    %dma_wait3A_342 = tpu.memref_slice %arg14[%dma_wait3A_340, %dma_wait3A_341] : memref<64x256xf32, #tpu.memory_space<vmem>> -> memref<64x128xf32, #tpu.memory_space<vmem>>
    tpu.wait_dma2 semaphore(%arg20 : memref<!tpu.dma_semaphore, #tpu.memory_space<semaphore_mem>>) src(%dma_wait3A_342 : memref<64x128xf32, #tpu.memory_space<vmem>>) dst(%dma_wait3A_339 : memref<64x128xf32, #tpu.memory_space<hbm>>)
    %dma_wait3A_343 = arith.constant 0 : i32
    %dma_wait3A_344 = arith.constant 128 : i32
    %dma_wait3A_345 = tpu.memref_slice %arg14[%dma_wait3A_343, %dma_wait3A_344] : memref<64x256xf32, #tpu.memory_space<vmem>> -> memref<64x128xf32, #tpu.memory_space<vmem>>
    %dma_wait3A_346 = arith.constant 0 : i32
    %dma_wait3A_347 = tpu.memref_slice %arg7[%add3A_200, %dma_wait3A_346] : memref<8192x128xf32, #tpu.memory_space<hbm>> -> memref<64x128xf32, #tpu.memory_space<hbm>>
    %dma_wait3A_348 = arith.constant 0 : i32
    %dma_wait3A_349 = tpu.memref_slice %arg7[%add3A_200, %dma_wait3A_348] : memref<8192x128xf32, #tpu.memory_space<hbm>> -> memref<64x128xf32, #tpu.memory_space<hbm>>
    %dma_wait3A_350 = arith.constant 0 : i32
    %dma_wait3A_351 = arith.constant 128 : i32
    %dma_wait3A_352 = tpu.memref_slice %arg14[%dma_wait3A_350, %dma_wait3A_351] : memref<64x256xf32, #tpu.memory_space<vmem>> -> memref<64x128xf32, #tpu.memory_space<vmem>>
    tpu.wait_dma2 semaphore(%arg20 : memref<!tpu.dma_semaphore, #tpu.memory_space<semaphore_mem>>) src(%dma_wait3A_352 : memref<64x128xf32, #tpu.memory_space<vmem>>) dst(%dma_wait3A_349 : memref<64x128xf32, #tpu.memory_space<hbm>>)
    %dma_wait3A_353 = arith.constant 0 : i32
    %dma_wait3A_354 = arith.constant 0 : i32
    %dma_wait3A_355 = tpu.memref_slice %arg17[%dma_wait3A_353, %dma_wait3A_354] : memref<64x256xf32, #tpu.memory_space<vmem>> -> memref<64x128xf32, #tpu.memory_space<vmem>>
    %dma_wait3A_356 = arith.constant 0 : i32
    %dma_wait3A_357 = tpu.memref_slice %arg8[%add3A_200, %dma_wait3A_356] : memref<8192x128xf32, #tpu.memory_space<hbm>> -> memref<64x128xf32, #tpu.memory_space<hbm>>
    %dma_wait3A_358 = arith.constant 0 : i32
    %dma_wait3A_359 = tpu.memref_slice %arg8[%add3A_200, %dma_wait3A_358] : memref<8192x128xf32, #tpu.memory_space<hbm>> -> memref<64x128xf32, #tpu.memory_space<hbm>>
    %dma_wait3A_360 = arith.constant 0 : i32
    %dma_wait3A_361 = arith.constant 0 : i32
    %dma_wait3A_362 = tpu.memref_slice %arg17[%dma_wait3A_360, %dma_wait3A_361] : memref<64x256xf32, #tpu.memory_space<vmem>> -> memref<64x128xf32, #tpu.memory_space<vmem>>
    tpu.wait_dma2 semaphore(%arg20 : memref<!tpu.dma_semaphore, #tpu.memory_space<semaphore_mem>>) src(%dma_wait3A_362 : memref<64x128xf32, #tpu.memory_space<vmem>>) dst(%dma_wait3A_359 : memref<64x128xf32, #tpu.memory_space<hbm>>)
    %dma_wait3A_363 = arith.constant 0 : i32
    %dma_wait3A_364 = arith.constant 128 : i32
    %dma_wait3A_365 = tpu.memref_slice %arg17[%dma_wait3A_363, %dma_wait3A_364] : memref<64x256xf32, #tpu.memory_space<vmem>> -> memref<64x128xf32, #tpu.memory_space<vmem>>
    %dma_wait3A_366 = arith.constant 0 : i32
    %dma_wait3A_367 = tpu.memref_slice %arg9[%add3A_200, %dma_wait3A_366] : memref<8192x128xf32, #tpu.memory_space<hbm>> -> memref<64x128xf32, #tpu.memory_space<hbm>>
    %dma_wait3A_368 = arith.constant 0 : i32
    %dma_wait3A_369 = tpu.memref_slice %arg9[%add3A_200, %dma_wait3A_368] : memref<8192x128xf32, #tpu.memory_space<hbm>> -> memref<64x128xf32, #tpu.memory_space<hbm>>
    %dma_wait3A_370 = arith.constant 0 : i32
    %dma_wait3A_371 = arith.constant 128 : i32
    %dma_wait3A_372 = tpu.memref_slice %arg17[%dma_wait3A_370, %dma_wait3A_371] : memref<64x256xf32, #tpu.memory_space<vmem>> -> memref<64x128xf32, #tpu.memory_space<vmem>>
    tpu.wait_dma2 semaphore(%arg20 : memref<!tpu.dma_semaphore, #tpu.memory_space<semaphore_mem>>) src(%dma_wait3A_372 : memref<64x128xf32, #tpu.memory_space<vmem>>) dst(%dma_wait3A_369 : memref<64x128xf32, #tpu.memory_space<hbm>>)
    %dma_wait3A_373 = arith.constant 0 : i32
    %dma_wait3A_374 = arith.constant 0 : i32
    %dma_wait3A_375 = tpu.memref_slice %arg12[%dma_wait3A_373, %dma_wait3A_374] : memref<64x256xf32, #tpu.memory_space<vmem>> -> memref<64x128xf32, #tpu.memory_space<vmem>>
    %dma_wait3A_376 = arith.constant 0 : i32
    %dma_wait3A_377 = tpu.memref_slice %arg6[%add3A_252, %dma_wait3A_376] : memref<8192x128xf32, #tpu.memory_space<hbm>> -> memref<64x128xf32, #tpu.memory_space<hbm>>
    %dma_wait3A_378 = arith.constant 0 : i32
    %dma_wait3A_379 = tpu.memref_slice %arg6[%add3A_252, %dma_wait3A_378] : memref<8192x128xf32, #tpu.memory_space<hbm>> -> memref<64x128xf32, #tpu.memory_space<hbm>>
    %dma_wait3A_380 = arith.constant 0 : i32
    %dma_wait3A_381 = arith.constant 0 : i32
    %dma_wait3A_382 = tpu.memref_slice %arg12[%dma_wait3A_380, %dma_wait3A_381] : memref<64x256xf32, #tpu.memory_space<vmem>> -> memref<64x128xf32, #tpu.memory_space<vmem>>
    tpu.wait_dma2 semaphore(%arg20 : memref<!tpu.dma_semaphore, #tpu.memory_space<semaphore_mem>>) src(%dma_wait3A_382 : memref<64x128xf32, #tpu.memory_space<vmem>>) dst(%dma_wait3A_379 : memref<64x128xf32, #tpu.memory_space<hbm>>)
    %dma_wait3A_383 = arith.constant 0 : i32
    %dma_wait3A_384 = arith.constant 128 : i32
    %dma_wait3A_385 = tpu.memref_slice %arg12[%dma_wait3A_383, %dma_wait3A_384] : memref<64x256xf32, #tpu.memory_space<vmem>> -> memref<64x128xf32, #tpu.memory_space<vmem>>
    %dma_wait3A_386 = arith.constant 0 : i32
    %dma_wait3A_387 = tpu.memref_slice %arg7[%add3A_252, %dma_wait3A_386] : memref<8192x128xf32, #tpu.memory_space<hbm>> -> memref<64x128xf32, #tpu.memory_space<hbm>>
    %dma_wait3A_388 = arith.constant 0 : i32
    %dma_wait3A_389 = tpu.memref_slice %arg7[%add3A_252, %dma_wait3A_388] : memref<8192x128xf32, #tpu.memory_space<hbm>> -> memref<64x128xf32, #tpu.memory_space<hbm>>
    %dma_wait3A_390 = arith.constant 0 : i32
    %dma_wait3A_391 = arith.constant 128 : i32
    %dma_wait3A_392 = tpu.memref_slice %arg12[%dma_wait3A_390, %dma_wait3A_391] : memref<64x256xf32, #tpu.memory_space<vmem>> -> memref<64x128xf32, #tpu.memory_space<vmem>>
    tpu.wait_dma2 semaphore(%arg20 : memref<!tpu.dma_semaphore, #tpu.memory_space<semaphore_mem>>) src(%dma_wait3A_392 : memref<64x128xf32, #tpu.memory_space<vmem>>) dst(%dma_wait3A_389 : memref<64x128xf32, #tpu.memory_space<hbm>>)
    %dma_wait3A_393 = arith.constant 0 : i32
    %dma_wait3A_394 = arith.constant 0 : i32
    %dma_wait3A_395 = tpu.memref_slice %arg15[%dma_wait3A_393, %dma_wait3A_394] : memref<64x256xf32, #tpu.memory_space<vmem>> -> memref<64x128xf32, #tpu.memory_space<vmem>>
    %dma_wait3A_396 = arith.constant 0 : i32
    %dma_wait3A_397 = tpu.memref_slice %arg8[%add3A_252, %dma_wait3A_396] : memref<8192x128xf32, #tpu.memory_space<hbm>> -> memref<64x128xf32, #tpu.memory_space<hbm>>
    %dma_wait3A_398 = arith.constant 0 : i32
    %dma_wait3A_399 = tpu.memref_slice %arg8[%add3A_252, %dma_wait3A_398] : memref<8192x128xf32, #tpu.memory_space<hbm>> -> memref<64x128xf32, #tpu.memory_space<hbm>>
    %dma_wait3A_400 = arith.constant 0 : i32
    %dma_wait3A_401 = arith.constant 0 : i32
    %dma_wait3A_402 = tpu.memref_slice %arg15[%dma_wait3A_400, %dma_wait3A_401] : memref<64x256xf32, #tpu.memory_space<vmem>> -> memref<64x128xf32, #tpu.memory_space<vmem>>
    tpu.wait_dma2 semaphore(%arg20 : memref<!tpu.dma_semaphore, #tpu.memory_space<semaphore_mem>>) src(%dma_wait3A_402 : memref<64x128xf32, #tpu.memory_space<vmem>>) dst(%dma_wait3A_399 : memref<64x128xf32, #tpu.memory_space<hbm>>)
    %dma_wait3A_403 = arith.constant 0 : i32
    %dma_wait3A_404 = arith.constant 128 : i32
    %dma_wait3A_405 = tpu.memref_slice %arg15[%dma_wait3A_403, %dma_wait3A_404] : memref<64x256xf32, #tpu.memory_space<vmem>> -> memref<64x128xf32, #tpu.memory_space<vmem>>
    %dma_wait3A_406 = arith.constant 0 : i32
    %dma_wait3A_407 = tpu.memref_slice %arg9[%add3A_252, %dma_wait3A_406] : memref<8192x128xf32, #tpu.memory_space<hbm>> -> memref<64x128xf32, #tpu.memory_space<hbm>>
    %dma_wait3A_408 = arith.constant 0 : i32
    %dma_wait3A_409 = tpu.memref_slice %arg9[%add3A_252, %dma_wait3A_408] : memref<8192x128xf32, #tpu.memory_space<hbm>> -> memref<64x128xf32, #tpu.memory_space<hbm>>
    %dma_wait3A_410 = arith.constant 0 : i32
    %dma_wait3A_411 = arith.constant 128 : i32
    %dma_wait3A_412 = tpu.memref_slice %arg15[%dma_wait3A_410, %dma_wait3A_411] : memref<64x256xf32, #tpu.memory_space<vmem>> -> memref<64x128xf32, #tpu.memory_space<vmem>>
    tpu.wait_dma2 semaphore(%arg20 : memref<!tpu.dma_semaphore, #tpu.memory_space<semaphore_mem>>) src(%dma_wait3A_412 : memref<64x128xf32, #tpu.memory_space<vmem>>) dst(%dma_wait3A_409 : memref<64x128xf32, #tpu.memory_space<hbm>>)
    return
  }
}

#map = affine_map<(d0, d1) -> (0)>
#map1 = affine_map<(d0, d1) -> (0, 0)>
module attributes {stable_mosaic.version = 14 : i64} {
  func.func @k(%arg0: i32, %arg1: i32, %arg2: memref<16384xi32, #tpu.memory_space<hbm>>, %arg3: memref<16384xi32, #tpu.memory_space<hbm>>, %arg4: memref<100000x256xf32, #tpu.memory_space<hbm>>, %arg5: memref<100000x256xf32, #tpu.memory_space<hbm>>, %arg6: memref<8192x128xf32, #tpu.memory_space<hbm>>, %arg7: memref<8192x128xf32, #tpu.memory_space<hbm>>, %arg8: memref<8192x128xf32, #tpu.memory_space<hbm>>, %arg9: memref<8192x128xf32, #tpu.memory_space<hbm>>, %arg10: memref<256xi32, #tpu.memory_space<vmem>>, %arg11: memref<256xi32, #tpu.memory_space<vmem>>, %arg12: memref<64x256xf32, #tpu.memory_space<vmem>>, %arg13: memref<64x256xf32, #tpu.memory_space<vmem>>, %arg14: memref<64x256xf32, #tpu.memory_space<vmem>>, %arg15: memref<64x256xf32, #tpu.memory_space<vmem>>, %arg16: memref<64x256xf32, #tpu.memory_space<vmem>>, %arg17: memref<64x256xf32, #tpu.memory_space<vmem>>, %arg18: memref<!tpu.dma_semaphore, #tpu.memory_space<semaphore_mem>>, %arg19: memref<!tpu.dma_semaphore, #tpu.memory_space<semaphore_mem>>, %arg20: memref<!tpu.dma_semaphore, #tpu.memory_space<semaphore_mem>>) attributes {dimension_semantics = [#tpu.dimension_semantics<core_parallel>, #tpu.dimension_semantics<subcore_parallel>], iteration_bounds = array<i64: 2, 16>, scalar_prefetch = 0 : i64, scratch_operands = 11 : i64, tpu.core_type = #tpu.core_type<sc_vector_subcore>, window_params = [{transform_indices = #map}, {transform_indices = #map}, {transform_indices = #map1}, {transform_indices = #map1}, {transform_indices = #map1}, {transform_indices = #map1}, {transform_indices = #map1}, {transform_indices = #map1}]} {
    %mul3A = arith.constant 2 : i32
    %mul3A_0 = arith.muli %arg1, %mul3A : i32
    %add3A = arith.addi %mul3A_0, %arg0 : i32
    %mul3A_1 = arith.constant 256 : i32
    %mul3A_2 = arith.muli %add3A, %mul3A_1 : i32
    %add3A_3 = arith.constant 8192 : i32
    %add3A_4 = arith.addi %add3A_3, %mul3A_2 : i32
    "tpu.region"() ({
      %run_scoped3A = tpu.sem_alloc : memref<!tpu.dma_semaphore, #tpu.memory_space<semaphore_mem>>
      %dma_start3A_413 = tpu.memref_slice %arg2[%add3A_4] : memref<16384xi32, #tpu.memory_space<hbm>> -> memref<256xi32, #tpu.memory_space<hbm>>
      %dma_start3A_414 = tpu.memref_slice %arg2[%add3A_4] : memref<16384xi32, #tpu.memory_space<hbm>> -> memref<256xi32, #tpu.memory_space<hbm>>
      tpu.enqueue_dma source(%dma_start3A_414 : memref<256xi32, #tpu.memory_space<hbm>>) target(%arg10 : memref<256xi32, #tpu.memory_space<vmem>>) target_semaphore(%run_scoped3A : memref<!tpu.dma_semaphore, #tpu.memory_space<semaphore_mem>>)
      %dma_wait3A_415 = tpu.memref_slice %arg2[%add3A_4] : memref<16384xi32, #tpu.memory_space<hbm>> -> memref<256xi32, #tpu.memory_space<hbm>>
      %dma_wait3A_416 = tpu.memref_slice %arg2[%add3A_4] : memref<16384xi32, #tpu.memory_space<hbm>> -> memref<256xi32, #tpu.memory_space<hbm>>
      tpu.wait_dma2 semaphore(%run_scoped3A : memref<!tpu.dma_semaphore, #tpu.memory_space<semaphore_mem>>) src(%dma_wait3A_416 : memref<256xi32, #tpu.memory_space<hbm>>) dst(%arg10 : memref<256xi32, #tpu.memory_space<vmem>>)
      tpu.yield
    }) : () -> ()
    %add3A_5 = arith.constant 8192 : i32
    %add3A_6 = arith.addi %add3A_5, %mul3A_2 : i32
    "tpu.region"() ({
      %run_scoped3A = tpu.sem_alloc : memref<!tpu.dma_semaphore, #tpu.memory_space<semaphore_mem>>
      %dma_start3A_413 = tpu.memref_slice %arg3[%add3A_6] : memref<16384xi32, #tpu.memory_space<hbm>> -> memref<256xi32, #tpu.memory_space<hbm>>
      %dma_start3A_414 = tpu.memref_slice %arg3[%add3A_6] : memref<16384xi32, #tpu.memory_space<hbm>> -> memref<256xi32, #tpu.memory_space<hbm>>
      tpu.enqueue_dma source(%dma_start3A_414 : memref<256xi32, #tpu.memory_space<hbm>>) target(%arg11 : memref<256xi32, #tpu.memory_space<vmem>>) target_semaphore(%run_scoped3A : memref<!tpu.dma_semaphore, #tpu.memory_space<semaphore_mem>>)
      %dma_wait3A_415 = tpu.memref_slice %arg3[%add3A_6] : memref<16384xi32, #tpu.memory_space<hbm>> -> memref<256xi32, #tpu.memory_space<hbm>>
      %dma_wait3A_416 = tpu.memref_slice %arg3[%add3A_6] : memref<16384xi32, #tpu.memory_space<hbm>> -> memref<256xi32, #tpu.memory_space<hbm>>
      tpu.wait_dma2 semaphore(%run_scoped3A : memref<!tpu.dma_semaphore, #tpu.memory_space<semaphore_mem>>) src(%dma_wait3A_416 : memref<256xi32, #tpu.memory_space<hbm>>) dst(%arg11 : memref<256xi32, #tpu.memory_space<vmem>>)
      tpu.yield
    }) : () -> ()
    %dma_start3A = arith.constant 0 : i32
    %dma_start3A_7 = tpu.memref_slice %arg10[%dma_start3A] : memref<256xi32, #tpu.memory_space<vmem>> -> memref<64xi32, #tpu.memory_space<vmem>>
    %dma_start3A_8 = arith.constant 0 : i32
    %dma_start3A_9 = arith.constant 0 : i32
    %dma_start3A_10 = tpu.memref_slice %arg4[%dma_start3A_8, %dma_start3A_9] : memref<100000x256xf32, #tpu.memory_space<hbm>> -> memref<100000x256xf32, #tpu.memory_space<hbm>>
    tpu.enqueue_indirect_dma source(%dma_start3A_10 : memref<100000x256xf32, #tpu.memory_space<hbm>>) target(%arg12 : memref<64x256xf32, #tpu.memory_space<vmem>>) offsets(%dma_start3A_7 : memref<64xi32, #tpu.memory_space<vmem>>) semaphore(%arg18 : memref<!tpu.dma_semaphore, #tpu.memory_space<semaphore_mem>>)
    %dma_start3A_11 = arith.constant 0 : i32
    %dma_start3A_12 = tpu.memref_slice %arg11[%dma_start3A_11] : memref<256xi32, #tpu.memory_space<vmem>> -> memref<64xi32, #tpu.memory_space<vmem>>
    %dma_start3A_13 = arith.constant 0 : i32
    %dma_start3A_14 = arith.constant 0 : i32
    %dma_start3A_15 = tpu.memref_slice %arg5[%dma_start3A_13, %dma_start3A_14] : memref<100000x256xf32, #tpu.memory_space<hbm>> -> memref<100000x256xf32, #tpu.memory_space<hbm>>
    tpu.enqueue_indirect_dma source(%dma_start3A_15 : memref<100000x256xf32, #tpu.memory_space<hbm>>) target(%arg15 : memref<64x256xf32, #tpu.memory_space<vmem>>) offsets(%dma_start3A_12 : memref<64xi32, #tpu.memory_space<vmem>>) semaphore(%arg19 : memref<!tpu.dma_semaphore, #tpu.memory_space<semaphore_mem>>)
    %dma_start3A_16 = arith.constant 64 : i32
    %dma_start3A_17 = tpu.memref_slice %arg10[%dma_start3A_16] : memref<256xi32, #tpu.memory_space<vmem>> -> memref<64xi32, #tpu.memory_space<vmem>>
    %dma_start3A_18 = arith.constant 0 : i32
    %dma_start3A_19 = arith.constant 0 : i32
    %dma_start3A_20 = tpu.memref_slice %arg4[%dma_start3A_18, %dma_start3A_19] : memref<100000x256xf32, #tpu.memory_space<hbm>> -> memref<100000x256xf32, #tpu.memory_space<hbm>>
    tpu.enqueue_indirect_dma source(%dma_start3A_20 : memref<100000x256xf32, #tpu.memory_space<hbm>>) target(%arg13 : memref<64x256xf32, #tpu.memory_space<vmem>>) offsets(%dma_start3A_17 : memref<64xi32, #tpu.memory_space<vmem>>) semaphore(%arg18 : memref<!tpu.dma_semaphore, #tpu.memory_space<semaphore_mem>>)
    %dma_start3A_21 = arith.constant 64 : i32
    %dma_start3A_22 = tpu.memref_slice %arg11[%dma_start3A_21] : memref<256xi32, #tpu.memory_space<vmem>> -> memref<64xi32, #tpu.memory_space<vmem>>
    %dma_start3A_23 = arith.constant 0 : i32
    %dma_start3A_24 = arith.constant 0 : i32
    %dma_start3A_25 = tpu.memref_slice %arg5[%dma_start3A_23, %dma_start3A_24] : memref<100000x256xf32, #tpu.memory_space<hbm>> -> memref<100000x256xf32, #tpu.memory_space<hbm>>
    tpu.enqueue_indirect_dma source(%dma_start3A_25 : memref<100000x256xf32, #tpu.memory_space<hbm>>) target(%arg16 : memref<64x256xf32, #tpu.memory_space<vmem>>) offsets(%dma_start3A_22 : memref<64xi32, #tpu.memory_space<vmem>>) semaphore(%arg19 : memref<!tpu.dma_semaphore, #tpu.memory_space<semaphore_mem>>)
    %dma_start3A_26 = arith.constant 128 : i32
    %dma_start3A_27 = tpu.memref_slice %arg10[%dma_start3A_26] : memref<256xi32, #tpu.memory_space<vmem>> -> memref<64xi32, #tpu.memory_space<vmem>>
    %dma_start3A_28 = arith.constant 0 : i32
    %dma_start3A_29 = arith.constant 0 : i32
    %dma_start3A_30 = tpu.memref_slice %arg4[%dma_start3A_28, %dma_start3A_29] : memref<100000x256xf32, #tpu.memory_space<hbm>> -> memref<100000x256xf32, #tpu.memory_space<hbm>>
    tpu.enqueue_indirect_dma source(%dma_start3A_30 : memref<100000x256xf32, #tpu.memory_space<hbm>>) target(%arg14 : memref<64x256xf32, #tpu.memory_space<vmem>>) offsets(%dma_start3A_27 : memref<64xi32, #tpu.memory_space<vmem>>) semaphore(%arg18 : memref<!tpu.dma_semaphore, #tpu.memory_space<semaphore_mem>>)
    %dma_start3A_31 = arith.constant 128 : i32
    %dma_start3A_32 = tpu.memref_slice %arg11[%dma_start3A_31] : memref<256xi32, #tpu.memory_space<vmem>> -> memref<64xi32, #tpu.memory_space<vmem>>
    %dma_start3A_33 = arith.constant 0 : i32
    %dma_start3A_34 = arith.constant 0 : i32
    %dma_start3A_35 = tpu.memref_slice %arg5[%dma_start3A_33, %dma_start3A_34] : memref<100000x256xf32, #tpu.memory_space<hbm>> -> memref<100000x256xf32, #tpu.memory_space<hbm>>
    tpu.enqueue_indirect_dma source(%dma_start3A_35 : memref<100000x256xf32, #tpu.memory_space<hbm>>) target(%arg17 : memref<64x256xf32, #tpu.memory_space<vmem>>) offsets(%dma_start3A_32 : memref<64xi32, #tpu.memory_space<vmem>>) semaphore(%arg19 : memref<!tpu.dma_semaphore, #tpu.memory_space<semaphore_mem>>)
    %dma_wait3A = arith.constant 0 : i32
    %dma_wait3A_36 = tpu.memref_slice %arg10[%dma_wait3A] : memref<256xi32, #tpu.memory_space<vmem>> -> memref<64xi32, #tpu.memory_space<vmem>>
    %dma_wait3A_37 = arith.constant 0 : i32
    %dma_wait3A_38 = arith.constant 0 : i32
    %dma_wait3A_39 = tpu.memref_slice %arg4[%dma_wait3A_37, %dma_wait3A_38] : memref<100000x256xf32, #tpu.memory_space<hbm>> -> memref<100000x256xf32, #tpu.memory_space<hbm>>
    tpu.wait_indirect_dma semaphore(%arg18 : memref<!tpu.dma_semaphore, #tpu.memory_space<semaphore_mem>>) src(%dma_wait3A_39 : memref<100000x256xf32, #tpu.memory_space<hbm>>) dst(%arg12 : memref<64x256xf32, #tpu.memory_space<vmem>>)
    %dma_wait3A_40 = arith.constant 0 : i32
    %dma_wait3A_41 = tpu.memref_slice %arg11[%dma_wait3A_40] : memref<256xi32, #tpu.memory_space<vmem>> -> memref<64xi32, #tpu.memory_space<vmem>>
    %dma_wait3A_42 = arith.constant 0 : i32
    %dma_wait3A_43 = arith.constant 0 : i32
    %dma_wait3A_44 = tpu.memref_slice %arg5[%dma_wait3A_42, %dma_wait3A_43] : memref<100000x256xf32, #tpu.memory_space<hbm>> -> memref<100000x256xf32, #tpu.memory_space<hbm>>
    tpu.wait_indirect_dma semaphore(%arg19 : memref<!tpu.dma_semaphore, #tpu.memory_space<semaphore_mem>>) src(%dma_wait3A_44 : memref<100000x256xf32, #tpu.memory_space<hbm>>) dst(%arg15 : memref<64x256xf32, #tpu.memory_space<vmem>>)
    %add3A_45 = arith.constant 0 : i32
    %add3A_46 = arith.addi %mul3A_2, %add3A_45 : i32
    %dma_start3A_47 = arith.constant 0 : i32
    %dma_start3A_48 = arith.constant 0 : i32
    %dma_start3A_49 = tpu.memref_slice %arg12[%dma_start3A_47, %dma_start3A_48] : memref<64x256xf32, #tpu.memory_space<vmem>> -> memref<64x128xf32, #tpu.memory_space<vmem>>
    %dma_start3A_50 = arith.constant 0 : i32
    %dma_start3A_51 = tpu.memref_slice %arg6[%add3A_46, %dma_start3A_50] : memref<8192x128xf32, #tpu.memory_space<hbm>> -> memref<64x128xf32, #tpu.memory_space<hbm>>
    %dma_start3A_52 = arith.constant 0 : i32
    %dma_start3A_53 = tpu.memref_slice %arg6[%add3A_46, %dma_start3A_52] : memref<8192x128xf32, #tpu.memory_space<hbm>> -> memref<64x128xf32, #tpu.memory_space<hbm>>
    %dma_start3A_54 = arith.constant 0 : i32
    %dma_start3A_55 = arith.constant 0 : i32
    %dma_start3A_56 = tpu.memref_slice %arg12[%dma_start3A_54, %dma_start3A_55] : memref<64x256xf32, #tpu.memory_space<vmem>> -> memref<64x128xf32, #tpu.memory_space<vmem>>
    tpu.enqueue_dma source(%dma_start3A_56 : memref<64x128xf32, #tpu.memory_space<vmem>>) target(%dma_start3A_53 : memref<64x128xf32, #tpu.memory_space<hbm>>) target_semaphore(%arg20 : memref<!tpu.dma_semaphore, #tpu.memory_space<semaphore_mem>>)
    %dma_start3A_57 = arith.constant 0 : i32
    %dma_start3A_58 = arith.constant 128 : i32
    %dma_start3A_59 = tpu.memref_slice %arg12[%dma_start3A_57, %dma_start3A_58] : memref<64x256xf32, #tpu.memory_space<vmem>> -> memref<64x128xf32, #tpu.memory_space<vmem>>
    %dma_start3A_60 = arith.constant 0 : i32
    %dma_start3A_61 = tpu.memref_slice %arg7[%add3A_46, %dma_start3A_60] : memref<8192x128xf32, #tpu.memory_space<hbm>> -> memref<64x128xf32, #tpu.memory_space<hbm>>
    %dma_start3A_62 = arith.constant 0 : i32
    %dma_start3A_63 = tpu.memref_slice %arg7[%add3A_46, %dma_start3A_62] : memref<8192x128xf32, #tpu.memory_space<hbm>> -> memref<64x128xf32, #tpu.memory_space<hbm>>
    %dma_start3A_64 = arith.constant 0 : i32
    %dma_start3A_65 = arith.constant 128 : i32
    %dma_start3A_66 = tpu.memref_slice %arg12[%dma_start3A_64, %dma_start3A_65] : memref<64x256xf32, #tpu.memory_space<vmem>> -> memref<64x128xf32, #tpu.memory_space<vmem>>
    tpu.enqueue_dma source(%dma_start3A_66 : memref<64x128xf32, #tpu.memory_space<vmem>>) target(%dma_start3A_63 : memref<64x128xf32, #tpu.memory_space<hbm>>) target_semaphore(%arg20 : memref<!tpu.dma_semaphore, #tpu.memory_space<semaphore_mem>>)
    %dma_start3A_67 = arith.constant 0 : i32
    %dma_start3A_68 = arith.constant 0 : i32
    %dma_start3A_69 = tpu.memref_slice %arg15[%dma_start3A_67, %dma_start3A_68] : memref<64x256xf32, #tpu.memory_space<vmem>> -> memref<64x128xf32, #tpu.memory_space<vmem>>
    %dma_start3A_70 = arith.constant 0 : i32
    %dma_start3A_71 = tpu.memref_slice %arg8[%add3A_46, %dma_start3A_70] : memref<8192x128xf32, #tpu.memory_space<hbm>> -> memref<64x128xf32, #tpu.memory_space<hbm>>
    %dma_start3A_72 = arith.constant 0 : i32
    %dma_start3A_73 = tpu.memref_slice %arg8[%add3A_46, %dma_start3A_72] : memref<8192x128xf32, #tpu.memory_space<hbm>> -> memref<64x128xf32, #tpu.memory_space<hbm>>
    %dma_start3A_74 = arith.constant 0 : i32
    %dma_start3A_75 = arith.constant 0 : i32
    %dma_start3A_76 = tpu.memref_slice %arg15[%dma_start3A_74, %dma_start3A_75] : memref<64x256xf32, #tpu.memory_space<vmem>> -> memref<64x128xf32, #tpu.memory_space<vmem>>
    tpu.enqueue_dma source(%dma_start3A_76 : memref<64x128xf32, #tpu.memory_space<vmem>>) target(%dma_start3A_73 : memref<64x128xf32, #tpu.memory_space<hbm>>) target_semaphore(%arg20 : memref<!tpu.dma_semaphore, #tpu.memory_space<semaphore_mem>>)
    %dma_start3A_77 = arith.constant 0 : i32
    %dma_start3A_78 = arith.constant 128 : i32
    %dma_start3A_79 = tpu.memref_slice %arg15[%dma_start3A_77, %dma_start3A_78] : memref<64x256xf32, #tpu.memory_space<vmem>> -> memref<64x128xf32, #tpu.memory_space<vmem>>
    %dma_start3A_80 = arith.constant 0 : i32
    %dma_start3A_81 = tpu.memref_slice %arg9[%add3A_46, %dma_start3A_80] : memref<8192x128xf32, #tpu.memory_space<hbm>> -> memref<64x128xf32, #tpu.memory_space<hbm>>
    %dma_start3A_82 = arith.constant 0 : i32
    %dma_start3A_83 = tpu.memref_slice %arg9[%add3A_46, %dma_start3A_82] : memref<8192x128xf32, #tpu.memory_space<hbm>> -> memref<64x128xf32, #tpu.memory_space<hbm>>
    %dma_start3A_84 = arith.constant 0 : i32
    %dma_start3A_85 = arith.constant 128 : i32
    %dma_start3A_86 = tpu.memref_slice %arg15[%dma_start3A_84, %dma_start3A_85] : memref<64x256xf32, #tpu.memory_space<vmem>> -> memref<64x128xf32, #tpu.memory_space<vmem>>
    tpu.enqueue_dma source(%dma_start3A_86 : memref<64x128xf32, #tpu.memory_space<vmem>>) target(%dma_start3A_83 : memref<64x128xf32, #tpu.memory_space<hbm>>) target_semaphore(%arg20 : memref<!tpu.dma_semaphore, #tpu.memory_space<semaphore_mem>>)
    %dma_wait3A_87 = arith.constant 0 : i32
    %dma_wait3A_88 = arith.constant 0 : i32
    %dma_wait3A_89 = tpu.memref_slice %arg12[%dma_wait3A_87, %dma_wait3A_88] : memref<64x256xf32, #tpu.memory_space<vmem>> -> memref<64x128xf32, #tpu.memory_space<vmem>>
    %dma_wait3A_90 = arith.constant 0 : i32
    %dma_wait3A_91 = tpu.memref_slice %arg6[%add3A_46, %dma_wait3A_90] : memref<8192x128xf32, #tpu.memory_space<hbm>> -> memref<64x128xf32, #tpu.memory_space<hbm>>
    %dma_wait3A_92 = arith.constant 0 : i32
    %dma_wait3A_93 = tpu.memref_slice %arg6[%add3A_46, %dma_wait3A_92] : memref<8192x128xf32, #tpu.memory_space<hbm>> -> memref<64x128xf32, #tpu.memory_space<hbm>>
    %dma_wait3A_94 = arith.constant 0 : i32
    %dma_wait3A_95 = arith.constant 0 : i32
    %dma_wait3A_96 = tpu.memref_slice %arg12[%dma_wait3A_94, %dma_wait3A_95] : memref<64x256xf32, #tpu.memory_space<vmem>> -> memref<64x128xf32, #tpu.memory_space<vmem>>
    tpu.wait_dma2 semaphore(%arg20 : memref<!tpu.dma_semaphore, #tpu.memory_space<semaphore_mem>>) src(%dma_wait3A_96 : memref<64x128xf32, #tpu.memory_space<vmem>>) dst(%dma_wait3A_93 : memref<64x128xf32, #tpu.memory_space<hbm>>)
    %dma_wait3A_97 = arith.constant 0 : i32
    %dma_wait3A_98 = arith.constant 128 : i32
    %dma_wait3A_99 = tpu.memref_slice %arg12[%dma_wait3A_97, %dma_wait3A_98] : memref<64x256xf32, #tpu.memory_space<vmem>> -> memref<64x128xf32, #tpu.memory_space<vmem>>
    %dma_wait3A_100 = arith.constant 0 : i32
    %dma_wait3A_101 = tpu.memref_slice %arg7[%add3A_46, %dma_wait3A_100] : memref<8192x128xf32, #tpu.memory_space<hbm>> -> memref<64x128xf32, #tpu.memory_space<hbm>>
    %dma_wait3A_102 = arith.constant 0 : i32
    %dma_wait3A_103 = tpu.memref_slice %arg7[%add3A_46, %dma_wait3A_102] : memref<8192x128xf32, #tpu.memory_space<hbm>> -> memref<64x128xf32, #tpu.memory_space<hbm>>
    %dma_wait3A_104 = arith.constant 0 : i32
    %dma_wait3A_105 = arith.constant 128 : i32
    %dma_wait3A_106 = tpu.memref_slice %arg12[%dma_wait3A_104, %dma_wait3A_105] : memref<64x256xf32, #tpu.memory_space<vmem>> -> memref<64x128xf32, #tpu.memory_space<vmem>>
    tpu.wait_dma2 semaphore(%arg20 : memref<!tpu.dma_semaphore, #tpu.memory_space<semaphore_mem>>) src(%dma_wait3A_106 : memref<64x128xf32, #tpu.memory_space<vmem>>) dst(%dma_wait3A_103 : memref<64x128xf32, #tpu.memory_space<hbm>>)
    %dma_wait3A_107 = arith.constant 0 : i32
    %dma_wait3A_108 = arith.constant 0 : i32
    %dma_wait3A_109 = tpu.memref_slice %arg15[%dma_wait3A_107, %dma_wait3A_108] : memref<64x256xf32, #tpu.memory_space<vmem>> -> memref<64x128xf32, #tpu.memory_space<vmem>>
    %dma_wait3A_110 = arith.constant 0 : i32
    %dma_wait3A_111 = tpu.memref_slice %arg8[%add3A_46, %dma_wait3A_110] : memref<8192x128xf32, #tpu.memory_space<hbm>> -> memref<64x128xf32, #tpu.memory_space<hbm>>
    %dma_wait3A_112 = arith.constant 0 : i32
    %dma_wait3A_113 = tpu.memref_slice %arg8[%add3A_46, %dma_wait3A_112] : memref<8192x128xf32, #tpu.memory_space<hbm>> -> memref<64x128xf32, #tpu.memory_space<hbm>>
    %dma_wait3A_114 = arith.constant 0 : i32
    %dma_wait3A_115 = arith.constant 0 : i32
    %dma_wait3A_116 = tpu.memref_slice %arg15[%dma_wait3A_114, %dma_wait3A_115] : memref<64x256xf32, #tpu.memory_space<vmem>> -> memref<64x128xf32, #tpu.memory_space<vmem>>
    tpu.wait_dma2 semaphore(%arg20 : memref<!tpu.dma_semaphore, #tpu.memory_space<semaphore_mem>>) src(%dma_wait3A_116 : memref<64x128xf32, #tpu.memory_space<vmem>>) dst(%dma_wait3A_113 : memref<64x128xf32, #tpu.memory_space<hbm>>)
    %dma_wait3A_117 = arith.constant 0 : i32
    %dma_wait3A_118 = arith.constant 128 : i32
    %dma_wait3A_119 = tpu.memref_slice %arg15[%dma_wait3A_117, %dma_wait3A_118] : memref<64x256xf32, #tpu.memory_space<vmem>> -> memref<64x128xf32, #tpu.memory_space<vmem>>
    %dma_wait3A_120 = arith.constant 0 : i32
    %dma_wait3A_121 = tpu.memref_slice %arg9[%add3A_46, %dma_wait3A_120] : memref<8192x128xf32, #tpu.memory_space<hbm>> -> memref<64x128xf32, #tpu.memory_space<hbm>>
    %dma_wait3A_122 = arith.constant 0 : i32
    %dma_wait3A_123 = tpu.memref_slice %arg9[%add3A_46, %dma_wait3A_122] : memref<8192x128xf32, #tpu.memory_space<hbm>> -> memref<64x128xf32, #tpu.memory_space<hbm>>
    %dma_wait3A_124 = arith.constant 0 : i32
    %dma_wait3A_125 = arith.constant 128 : i32
    %dma_wait3A_126 = tpu.memref_slice %arg15[%dma_wait3A_124, %dma_wait3A_125] : memref<64x256xf32, #tpu.memory_space<vmem>> -> memref<64x128xf32, #tpu.memory_space<vmem>>
    tpu.wait_dma2 semaphore(%arg20 : memref<!tpu.dma_semaphore, #tpu.memory_space<semaphore_mem>>) src(%dma_wait3A_126 : memref<64x128xf32, #tpu.memory_space<vmem>>) dst(%dma_wait3A_123 : memref<64x128xf32, #tpu.memory_space<hbm>>)
    %dma_start3A_127 = arith.constant 192 : i32
    %dma_start3A_128 = tpu.memref_slice %arg10[%dma_start3A_127] : memref<256xi32, #tpu.memory_space<vmem>> -> memref<64xi32, #tpu.memory_space<vmem>>
    %dma_start3A_129 = arith.constant 0 : i32
    %dma_start3A_130 = arith.constant 0 : i32
    %dma_start3A_131 = tpu.memref_slice %arg4[%dma_start3A_129, %dma_start3A_130] : memref<100000x256xf32, #tpu.memory_space<hbm>> -> memref<100000x256xf32, #tpu.memory_space<hbm>>
    tpu.enqueue_indirect_dma source(%dma_start3A_131 : memref<100000x256xf32, #tpu.memory_space<hbm>>) target(%arg12 : memref<64x256xf32, #tpu.memory_space<vmem>>) offsets(%dma_start3A_128 : memref<64xi32, #tpu.memory_space<vmem>>) semaphore(%arg18 : memref<!tpu.dma_semaphore, #tpu.memory_space<semaphore_mem>>)
    %dma_start3A_132 = arith.constant 192 : i32
    %dma_start3A_133 = tpu.memref_slice %arg11[%dma_start3A_132] : memref<256xi32, #tpu.memory_space<vmem>> -> memref<64xi32, #tpu.memory_space<vmem>>
    %dma_start3A_134 = arith.constant 0 : i32
    %dma_start3A_135 = arith.constant 0 : i32
    %dma_start3A_136 = tpu.memref_slice %arg5[%dma_start3A_134, %dma_start3A_135] : memref<100000x256xf32, #tpu.memory_space<hbm>> -> memref<100000x256xf32, #tpu.memory_space<hbm>>
    tpu.enqueue_indirect_dma source(%dma_start3A_136 : memref<100000x256xf32, #tpu.memory_space<hbm>>) target(%arg15 : memref<64x256xf32, #tpu.memory_space<vmem>>) offsets(%dma_start3A_133 : memref<64xi32, #tpu.memory_space<vmem>>) semaphore(%arg19 : memref<!tpu.dma_semaphore, #tpu.memory_space<semaphore_mem>>)
    %dma_wait3A_137 = arith.constant 64 : i32
    %dma_wait3A_138 = tpu.memref_slice %arg10[%dma_wait3A_137] : memref<256xi32, #tpu.memory_space<vmem>> -> memref<64xi32, #tpu.memory_space<vmem>>
    %dma_wait3A_139 = arith.constant 0 : i32
    %dma_wait3A_140 = arith.constant 0 : i32
    %dma_wait3A_141 = tpu.memref_slice %arg4[%dma_wait3A_139, %dma_wait3A_140] : memref<100000x256xf32, #tpu.memory_space<hbm>> -> memref<100000x256xf32, #tpu.memory_space<hbm>>
    tpu.wait_indirect_dma semaphore(%arg18 : memref<!tpu.dma_semaphore, #tpu.memory_space<semaphore_mem>>) src(%dma_wait3A_141 : memref<100000x256xf32, #tpu.memory_space<hbm>>) dst(%arg13 : memref<64x256xf32, #tpu.memory_space<vmem>>)
    %dma_wait3A_142 = arith.constant 64 : i32
    %dma_wait3A_143 = tpu.memref_slice %arg11[%dma_wait3A_142] : memref<256xi32, #tpu.memory_space<vmem>> -> memref<64xi32, #tpu.memory_space<vmem>>
    %dma_wait3A_144 = arith.constant 0 : i32
    %dma_wait3A_145 = arith.constant 0 : i32
    %dma_wait3A_146 = tpu.memref_slice %arg5[%dma_wait3A_144, %dma_wait3A_145] : memref<100000x256xf32, #tpu.memory_space<hbm>> -> memref<100000x256xf32, #tpu.memory_space<hbm>>
    tpu.wait_indirect_dma semaphore(%arg19 : memref<!tpu.dma_semaphore, #tpu.memory_space<semaphore_mem>>) src(%dma_wait3A_146 : memref<100000x256xf32, #tpu.memory_space<hbm>>) dst(%arg16 : memref<64x256xf32, #tpu.memory_space<vmem>>)
    %add3A_147 = arith.constant 64 : i32
    %add3A_148 = arith.addi %mul3A_2, %add3A_147 : i32
    %dma_start3A_149 = arith.constant 0 : i32
    %dma_start3A_150 = arith.constant 0 : i32
    %dma_start3A_151 = tpu.memref_slice %arg13[%dma_start3A_149, %dma_start3A_150] : memref<64x256xf32, #tpu.memory_space<vmem>> -> memref<64x128xf32, #tpu.memory_space<vmem>>
    %dma_start3A_152 = arith.constant 0 : i32
    %dma_start3A_153 = tpu.memref_slice %arg6[%add3A_148, %dma_start3A_152] : memref<8192x128xf32, #tpu.memory_space<hbm>> -> memref<64x128xf32, #tpu.memory_space<hbm>>
    %dma_start3A_154 = arith.constant 0 : i32
    %dma_start3A_155 = tpu.memref_slice %arg6[%add3A_148, %dma_start3A_154] : memref<8192x128xf32, #tpu.memory_space<hbm>> -> memref<64x128xf32, #tpu.memory_space<hbm>>
    %dma_start3A_156 = arith.constant 0 : i32
    %dma_start3A_157 = arith.constant 0 : i32
    %dma_start3A_158 = tpu.memref_slice %arg13[%dma_start3A_156, %dma_start3A_157] : memref<64x256xf32, #tpu.memory_space<vmem>> -> memref<64x128xf32, #tpu.memory_space<vmem>>
    tpu.enqueue_dma source(%dma_start3A_158 : memref<64x128xf32, #tpu.memory_space<vmem>>) target(%dma_start3A_155 : memref<64x128xf32, #tpu.memory_space<hbm>>) target_semaphore(%arg20 : memref<!tpu.dma_semaphore, #tpu.memory_space<semaphore_mem>>)
    %dma_start3A_159 = arith.constant 0 : i32
    %dma_start3A_160 = arith.constant 128 : i32
    %dma_start3A_161 = tpu.memref_slice %arg13[%dma_start3A_159, %dma_start3A_160] : memref<64x256xf32, #tpu.memory_space<vmem>> -> memref<64x128xf32, #tpu.memory_space<vmem>>
    %dma_start3A_162 = arith.constant 0 : i32
    %dma_start3A_163 = tpu.memref_slice %arg7[%add3A_148, %dma_start3A_162] : memref<8192x128xf32, #tpu.memory_space<hbm>> -> memref<64x128xf32, #tpu.memory_space<hbm>>
    %dma_start3A_164 = arith.constant 0 : i32
    %dma_start3A_165 = tpu.memref_slice %arg7[%add3A_148, %dma_start3A_164] : memref<8192x128xf32, #tpu.memory_space<hbm>> -> memref<64x128xf32, #tpu.memory_space<hbm>>
    %dma_start3A_166 = arith.constant 0 : i32
    %dma_start3A_167 = arith.constant 128 : i32
    %dma_start3A_168 = tpu.memref_slice %arg13[%dma_start3A_166, %dma_start3A_167] : memref<64x256xf32, #tpu.memory_space<vmem>> -> memref<64x128xf32, #tpu.memory_space<vmem>>
    tpu.enqueue_dma source(%dma_start3A_168 : memref<64x128xf32, #tpu.memory_space<vmem>>) target(%dma_start3A_165 : memref<64x128xf32, #tpu.memory_space<hbm>>) target_semaphore(%arg20 : memref<!tpu.dma_semaphore, #tpu.memory_space<semaphore_mem>>)
    %dma_start3A_169 = arith.constant 0 : i32
    %dma_start3A_170 = arith.constant 0 : i32
    %dma_start3A_171 = tpu.memref_slice %arg16[%dma_start3A_169, %dma_start3A_170] : memref<64x256xf32, #tpu.memory_space<vmem>> -> memref<64x128xf32, #tpu.memory_space<vmem>>
    %dma_start3A_172 = arith.constant 0 : i32
    %dma_start3A_173 = tpu.memref_slice %arg8[%add3A_148, %dma_start3A_172] : memref<8192x128xf32, #tpu.memory_space<hbm>> -> memref<64x128xf32, #tpu.memory_space<hbm>>
    %dma_start3A_174 = arith.constant 0 : i32
    %dma_start3A_175 = tpu.memref_slice %arg8[%add3A_148, %dma_start3A_174] : memref<8192x128xf32, #tpu.memory_space<hbm>> -> memref<64x128xf32, #tpu.memory_space<hbm>>
    %dma_start3A_176 = arith.constant 0 : i32
    %dma_start3A_177 = arith.constant 0 : i32
    %dma_start3A_178 = tpu.memref_slice %arg16[%dma_start3A_176, %dma_start3A_177] : memref<64x256xf32, #tpu.memory_space<vmem>> -> memref<64x128xf32, #tpu.memory_space<vmem>>
    tpu.enqueue_dma source(%dma_start3A_178 : memref<64x128xf32, #tpu.memory_space<vmem>>) target(%dma_start3A_175 : memref<64x128xf32, #tpu.memory_space<hbm>>) target_semaphore(%arg20 : memref<!tpu.dma_semaphore, #tpu.memory_space<semaphore_mem>>)
    %dma_start3A_179 = arith.constant 0 : i32
    %dma_start3A_180 = arith.constant 128 : i32
    %dma_start3A_181 = tpu.memref_slice %arg16[%dma_start3A_179, %dma_start3A_180] : memref<64x256xf32, #tpu.memory_space<vmem>> -> memref<64x128xf32, #tpu.memory_space<vmem>>
    %dma_start3A_182 = arith.constant 0 : i32
    %dma_start3A_183 = tpu.memref_slice %arg9[%add3A_148, %dma_start3A_182] : memref<8192x128xf32, #tpu.memory_space<hbm>> -> memref<64x128xf32, #tpu.memory_space<hbm>>
    %dma_start3A_184 = arith.constant 0 : i32
    %dma_start3A_185 = tpu.memref_slice %arg9[%add3A_148, %dma_start3A_184] : memref<8192x128xf32, #tpu.memory_space<hbm>> -> memref<64x128xf32, #tpu.memory_space<hbm>>
    %dma_start3A_186 = arith.constant 0 : i32
    %dma_start3A_187 = arith.constant 128 : i32
    %dma_start3A_188 = tpu.memref_slice %arg16[%dma_start3A_186, %dma_start3A_187] : memref<64x256xf32, #tpu.memory_space<vmem>> -> memref<64x128xf32, #tpu.memory_space<vmem>>
    tpu.enqueue_dma source(%dma_start3A_188 : memref<64x128xf32, #tpu.memory_space<vmem>>) target(%dma_start3A_185 : memref<64x128xf32, #tpu.memory_space<hbm>>) target_semaphore(%arg20 : memref<!tpu.dma_semaphore, #tpu.memory_space<semaphore_mem>>)
    %dma_wait3A_189 = arith.constant 128 : i32
    %dma_wait3A_190 = tpu.memref_slice %arg10[%dma_wait3A_189] : memref<256xi32, #tpu.memory_space<vmem>> -> memref<64xi32, #tpu.memory_space<vmem>>
    %dma_wait3A_191 = arith.constant 0 : i32
    %dma_wait3A_192 = arith.constant 0 : i32
    %dma_wait3A_193 = tpu.memref_slice %arg4[%dma_wait3A_191, %dma_wait3A_192] : memref<100000x256xf32, #tpu.memory_space<hbm>> -> memref<100000x256xf32, #tpu.memory_space<hbm>>
    tpu.wait_indirect_dma semaphore(%arg18 : memref<!tpu.dma_semaphore, #tpu.memory_space<semaphore_mem>>) src(%dma_wait3A_193 : memref<100000x256xf32, #tpu.memory_space<hbm>>) dst(%arg14 : memref<64x256xf32, #tpu.memory_space<vmem>>)
    %dma_wait3A_194 = arith.constant 128 : i32
    %dma_wait3A_195 = tpu.memref_slice %arg11[%dma_wait3A_194] : memref<256xi32, #tpu.memory_space<vmem>> -> memref<64xi32, #tpu.memory_space<vmem>>
    %dma_wait3A_196 = arith.constant 0 : i32
    %dma_wait3A_197 = arith.constant 0 : i32
    %dma_wait3A_198 = tpu.memref_slice %arg5[%dma_wait3A_196, %dma_wait3A_197] : memref<100000x256xf32, #tpu.memory_space<hbm>> -> memref<100000x256xf32, #tpu.memory_space<hbm>>
    tpu.wait_indirect_dma semaphore(%arg19 : memref<!tpu.dma_semaphore, #tpu.memory_space<semaphore_mem>>) src(%dma_wait3A_198 : memref<100000x256xf32, #tpu.memory_space<hbm>>) dst(%arg17 : memref<64x256xf32, #tpu.memory_space<vmem>>)
    %add3A_199 = arith.constant 128 : i32
    %add3A_200 = arith.addi %mul3A_2, %add3A_199 : i32
    %dma_start3A_201 = arith.constant 0 : i32
    %dma_start3A_202 = arith.constant 0 : i32
    %dma_start3A_203 = tpu.memref_slice %arg14[%dma_start3A_201, %dma_start3A_202] : memref<64x256xf32, #tpu.memory_space<vmem>> -> memref<64x128xf32, #tpu.memory_space<vmem>>
    %dma_start3A_204 = arith.constant 0 : i32
    %dma_start3A_205 = tpu.memref_slice %arg6[%add3A_200, %dma_start3A_204] : memref<8192x128xf32, #tpu.memory_space<hbm>> -> memref<64x128xf32, #tpu.memory_space<hbm>>
    %dma_start3A_206 = arith.constant 0 : i32
    %dma_start3A_207 = tpu.memref_slice %arg6[%add3A_200, %dma_start3A_206] : memref<8192x128xf32, #tpu.memory_space<hbm>> -> memref<64x128xf32, #tpu.memory_space<hbm>>
    %dma_start3A_208 = arith.constant 0 : i32
    %dma_start3A_209 = arith.constant 0 : i32
    %dma_start3A_210 = tpu.memref_slice %arg14[%dma_start3A_208, %dma_start3A_209] : memref<64x256xf32, #tpu.memory_space<vmem>> -> memref<64x128xf32, #tpu.memory_space<vmem>>
    tpu.enqueue_dma source(%dma_start3A_210 : memref<64x128xf32, #tpu.memory_space<vmem>>) target(%dma_start3A_207 : memref<64x128xf32, #tpu.memory_space<hbm>>) target_semaphore(%arg20 : memref<!tpu.dma_semaphore, #tpu.memory_space<semaphore_mem>>)
    %dma_start3A_211 = arith.constant 0 : i32
    %dma_start3A_212 = arith.constant 128 : i32
    %dma_start3A_213 = tpu.memref_slice %arg14[%dma_start3A_211, %dma_start3A_212] : memref<64x256xf32, #tpu.memory_space<vmem>> -> memref<64x128xf32, #tpu.memory_space<vmem>>
    %dma_start3A_214 = arith.constant 0 : i32
    %dma_start3A_215 = tpu.memref_slice %arg7[%add3A_200, %dma_start3A_214] : memref<8192x128xf32, #tpu.memory_space<hbm>> -> memref<64x128xf32, #tpu.memory_space<hbm>>
    %dma_start3A_216 = arith.constant 0 : i32
    %dma_start3A_217 = tpu.memref_slice %arg7[%add3A_200, %dma_start3A_216] : memref<8192x128xf32, #tpu.memory_space<hbm>> -> memref<64x128xf32, #tpu.memory_space<hbm>>
    %dma_start3A_218 = arith.constant 0 : i32
    %dma_start3A_219 = arith.constant 128 : i32
    %dma_start3A_220 = tpu.memref_slice %arg14[%dma_start3A_218, %dma_start3A_219] : memref<64x256xf32, #tpu.memory_space<vmem>> -> memref<64x128xf32, #tpu.memory_space<vmem>>
    tpu.enqueue_dma source(%dma_start3A_220 : memref<64x128xf32, #tpu.memory_space<vmem>>) target(%dma_start3A_217 : memref<64x128xf32, #tpu.memory_space<hbm>>) target_semaphore(%arg20 : memref<!tpu.dma_semaphore, #tpu.memory_space<semaphore_mem>>)
    %dma_start3A_221 = arith.constant 0 : i32
    %dma_start3A_222 = arith.constant 0 : i32
    %dma_start3A_223 = tpu.memref_slice %arg17[%dma_start3A_221, %dma_start3A_222] : memref<64x256xf32, #tpu.memory_space<vmem>> -> memref<64x128xf32, #tpu.memory_space<vmem>>
    %dma_start3A_224 = arith.constant 0 : i32
    %dma_start3A_225 = tpu.memref_slice %arg8[%add3A_200, %dma_start3A_224] : memref<8192x128xf32, #tpu.memory_space<hbm>> -> memref<64x128xf32, #tpu.memory_space<hbm>>
    %dma_start3A_226 = arith.constant 0 : i32
    %dma_start3A_227 = tpu.memref_slice %arg8[%add3A_200, %dma_start3A_226] : memref<8192x128xf32, #tpu.memory_space<hbm>> -> memref<64x128xf32, #tpu.memory_space<hbm>>
    %dma_start3A_228 = arith.constant 0 : i32
    %dma_start3A_229 = arith.constant 0 : i32
    %dma_start3A_230 = tpu.memref_slice %arg17[%dma_start3A_228, %dma_start3A_229] : memref<64x256xf32, #tpu.memory_space<vmem>> -> memref<64x128xf32, #tpu.memory_space<vmem>>
    tpu.enqueue_dma source(%dma_start3A_230 : memref<64x128xf32, #tpu.memory_space<vmem>>) target(%dma_start3A_227 : memref<64x128xf32, #tpu.memory_space<hbm>>) target_semaphore(%arg20 : memref<!tpu.dma_semaphore, #tpu.memory_space<semaphore_mem>>)
    %dma_start3A_231 = arith.constant 0 : i32
    %dma_start3A_232 = arith.constant 128 : i32
    %dma_start3A_233 = tpu.memref_slice %arg17[%dma_start3A_231, %dma_start3A_232] : memref<64x256xf32, #tpu.memory_space<vmem>> -> memref<64x128xf32, #tpu.memory_space<vmem>>
    %dma_start3A_234 = arith.constant 0 : i32
    %dma_start3A_235 = tpu.memref_slice %arg9[%add3A_200, %dma_start3A_234] : memref<8192x128xf32, #tpu.memory_space<hbm>> -> memref<64x128xf32, #tpu.memory_space<hbm>>
    %dma_start3A_236 = arith.constant 0 : i32
    %dma_start3A_237 = tpu.memref_slice %arg9[%add3A_200, %dma_start3A_236] : memref<8192x128xf32, #tpu.memory_space<hbm>> -> memref<64x128xf32, #tpu.memory_space<hbm>>
    %dma_start3A_238 = arith.constant 0 : i32
    %dma_start3A_239 = arith.constant 128 : i32
    %dma_start3A_240 = tpu.memref_slice %arg17[%dma_start3A_238, %dma_start3A_239] : memref<64x256xf32, #tpu.memory_space<vmem>> -> memref<64x128xf32, #tpu.memory_space<vmem>>
    tpu.enqueue_dma source(%dma_start3A_240 : memref<64x128xf32, #tpu.memory_space<vmem>>) target(%dma_start3A_237 : memref<64x128xf32, #tpu.memory_space<hbm>>) target_semaphore(%arg20 : memref<!tpu.dma_semaphore, #tpu.memory_space<semaphore_mem>>)
    %dma_wait3A_241 = arith.constant 192 : i32
    %dma_wait3A_242 = tpu.memref_slice %arg10[%dma_wait3A_241] : memref<256xi32, #tpu.memory_space<vmem>> -> memref<64xi32, #tpu.memory_space<vmem>>
    %dma_wait3A_243 = arith.constant 0 : i32
    %dma_wait3A_244 = arith.constant 0 : i32
    %dma_wait3A_245 = tpu.memref_slice %arg4[%dma_wait3A_243, %dma_wait3A_244] : memref<100000x256xf32, #tpu.memory_space<hbm>> -> memref<100000x256xf32, #tpu.memory_space<hbm>>
    tpu.wait_indirect_dma semaphore(%arg18 : memref<!tpu.dma_semaphore, #tpu.memory_space<semaphore_mem>>) src(%dma_wait3A_245 : memref<100000x256xf32, #tpu.memory_space<hbm>>) dst(%arg12 : memref<64x256xf32, #tpu.memory_space<vmem>>)
    %dma_wait3A_246 = arith.constant 192 : i32
    %dma_wait3A_247 = tpu.memref_slice %arg11[%dma_wait3A_246] : memref<256xi32, #tpu.memory_space<vmem>> -> memref<64xi32, #tpu.memory_space<vmem>>
    %dma_wait3A_248 = arith.constant 0 : i32
    %dma_wait3A_249 = arith.constant 0 : i32
    %dma_wait3A_250 = tpu.memref_slice %arg5[%dma_wait3A_248, %dma_wait3A_249] : memref<100000x256xf32, #tpu.memory_space<hbm>> -> memref<100000x256xf32, #tpu.memory_space<hbm>>
    tpu.wait_indirect_dma semaphore(%arg19 : memref<!tpu.dma_semaphore, #tpu.memory_space<semaphore_mem>>) src(%dma_wait3A_250 : memref<100000x256xf32, #tpu.memory_space<hbm>>) dst(%arg15 : memref<64x256xf32, #tpu.memory_space<vmem>>)
    %add3A_251 = arith.constant 192 : i32
    %add3A_252 = arith.addi %mul3A_2, %add3A_251 : i32
    %dma_start3A_253 = arith.constant 0 : i32
    %dma_start3A_254 = arith.constant 0 : i32
    %dma_start3A_255 = tpu.memref_slice %arg12[%dma_start3A_253, %dma_start3A_254] : memref<64x256xf32, #tpu.memory_space<vmem>> -> memref<64x128xf32, #tpu.memory_space<vmem>>
    %dma_start3A_256 = arith.constant 0 : i32
    %dma_start3A_257 = tpu.memref_slice %arg6[%add3A_252, %dma_start3A_256] : memref<8192x128xf32, #tpu.memory_space<hbm>> -> memref<64x128xf32, #tpu.memory_space<hbm>>
    %dma_start3A_258 = arith.constant 0 : i32
    %dma_start3A_259 = tpu.memref_slice %arg6[%add3A_252, %dma_start3A_258] : memref<8192x128xf32, #tpu.memory_space<hbm>> -> memref<64x128xf32, #tpu.memory_space<hbm>>
    %dma_start3A_260 = arith.constant 0 : i32
    %dma_start3A_261 = arith.constant 0 : i32
    %dma_start3A_262 = tpu.memref_slice %arg12[%dma_start3A_260, %dma_start3A_261] : memref<64x256xf32, #tpu.memory_space<vmem>> -> memref<64x128xf32, #tpu.memory_space<vmem>>
    tpu.enqueue_dma source(%dma_start3A_262 : memref<64x128xf32, #tpu.memory_space<vmem>>) target(%dma_start3A_259 : memref<64x128xf32, #tpu.memory_space<hbm>>) target_semaphore(%arg20 : memref<!tpu.dma_semaphore, #tpu.memory_space<semaphore_mem>>)
    %dma_start3A_263 = arith.constant 0 : i32
    %dma_start3A_264 = arith.constant 128 : i32
    %dma_start3A_265 = tpu.memref_slice %arg12[%dma_start3A_263, %dma_start3A_264] : memref<64x256xf32, #tpu.memory_space<vmem>> -> memref<64x128xf32, #tpu.memory_space<vmem>>
    %dma_start3A_266 = arith.constant 0 : i32
    %dma_start3A_267 = tpu.memref_slice %arg7[%add3A_252, %dma_start3A_266] : memref<8192x128xf32, #tpu.memory_space<hbm>> -> memref<64x128xf32, #tpu.memory_space<hbm>>
    %dma_start3A_268 = arith.constant 0 : i32
    %dma_start3A_269 = tpu.memref_slice %arg7[%add3A_252, %dma_start3A_268] : memref<8192x128xf32, #tpu.memory_space<hbm>> -> memref<64x128xf32, #tpu.memory_space<hbm>>
    %dma_start3A_270 = arith.constant 0 : i32
    %dma_start3A_271 = arith.constant 128 : i32
    %dma_start3A_272 = tpu.memref_slice %arg12[%dma_start3A_270, %dma_start3A_271] : memref<64x256xf32, #tpu.memory_space<vmem>> -> memref<64x128xf32, #tpu.memory_space<vmem>>
    tpu.enqueue_dma source(%dma_start3A_272 : memref<64x128xf32, #tpu.memory_space<vmem>>) target(%dma_start3A_269 : memref<64x128xf32, #tpu.memory_space<hbm>>) target_semaphore(%arg20 : memref<!tpu.dma_semaphore, #tpu.memory_space<semaphore_mem>>)
    %dma_start3A_273 = arith.constant 0 : i32
    %dma_start3A_274 = arith.constant 0 : i32
    %dma_start3A_275 = tpu.memref_slice %arg15[%dma_start3A_273, %dma_start3A_274] : memref<64x256xf32, #tpu.memory_space<vmem>> -> memref<64x128xf32, #tpu.memory_space<vmem>>
    %dma_start3A_276 = arith.constant 0 : i32
    %dma_start3A_277 = tpu.memref_slice %arg8[%add3A_252, %dma_start3A_276] : memref<8192x128xf32, #tpu.memory_space<hbm>> -> memref<64x128xf32, #tpu.memory_space<hbm>>
    %dma_start3A_278 = arith.constant 0 : i32
    %dma_start3A_279 = tpu.memref_slice %arg8[%add3A_252, %dma_start3A_278] : memref<8192x128xf32, #tpu.memory_space<hbm>> -> memref<64x128xf32, #tpu.memory_space<hbm>>
    %dma_start3A_280 = arith.constant 0 : i32
    %dma_start3A_281 = arith.constant 0 : i32
    %dma_start3A_282 = tpu.memref_slice %arg15[%dma_start3A_280, %dma_start3A_281] : memref<64x256xf32, #tpu.memory_space<vmem>> -> memref<64x128xf32, #tpu.memory_space<vmem>>
    tpu.enqueue_dma source(%dma_start3A_282 : memref<64x128xf32, #tpu.memory_space<vmem>>) target(%dma_start3A_279 : memref<64x128xf32, #tpu.memory_space<hbm>>) target_semaphore(%arg20 : memref<!tpu.dma_semaphore, #tpu.memory_space<semaphore_mem>>)
    %dma_start3A_283 = arith.constant 0 : i32
    %dma_start3A_284 = arith.constant 128 : i32
    %dma_start3A_285 = tpu.memref_slice %arg15[%dma_start3A_283, %dma_start3A_284] : memref<64x256xf32, #tpu.memory_space<vmem>> -> memref<64x128xf32, #tpu.memory_space<vmem>>
    %dma_start3A_286 = arith.constant 0 : i32
    %dma_start3A_287 = tpu.memref_slice %arg9[%add3A_252, %dma_start3A_286] : memref<8192x128xf32, #tpu.memory_space<hbm>> -> memref<64x128xf32, #tpu.memory_space<hbm>>
    %dma_start3A_288 = arith.constant 0 : i32
    %dma_start3A_289 = tpu.memref_slice %arg9[%add3A_252, %dma_start3A_288] : memref<8192x128xf32, #tpu.memory_space<hbm>> -> memref<64x128xf32, #tpu.memory_space<hbm>>
    %dma_start3A_290 = arith.constant 0 : i32
    %dma_start3A_291 = arith.constant 128 : i32
    %dma_start3A_292 = tpu.memref_slice %arg15[%dma_start3A_290, %dma_start3A_291] : memref<64x256xf32, #tpu.memory_space<vmem>> -> memref<64x128xf32, #tpu.memory_space<vmem>>
    tpu.enqueue_dma source(%dma_start3A_292 : memref<64x128xf32, #tpu.memory_space<vmem>>) target(%dma_start3A_289 : memref<64x128xf32, #tpu.memory_space<hbm>>) target_semaphore(%arg20 : memref<!tpu.dma_semaphore, #tpu.memory_space<semaphore_mem>>)
    %dma_wait3A_293 = arith.constant 0 : i32
    %dma_wait3A_294 = arith.constant 0 : i32
    %dma_wait3A_295 = tpu.memref_slice %arg13[%dma_wait3A_293, %dma_wait3A_294] : memref<64x256xf32, #tpu.memory_space<vmem>> -> memref<64x128xf32, #tpu.memory_space<vmem>>
    %dma_wait3A_296 = arith.constant 0 : i32
    %dma_wait3A_297 = tpu.memref_slice %arg6[%add3A_148, %dma_wait3A_296] : memref<8192x128xf32, #tpu.memory_space<hbm>> -> memref<64x128xf32, #tpu.memory_space<hbm>>
    %dma_wait3A_298 = arith.constant 0 : i32
    %dma_wait3A_299 = tpu.memref_slice %arg6[%add3A_148, %dma_wait3A_298] : memref<8192x128xf32, #tpu.memory_space<hbm>> -> memref<64x128xf32, #tpu.memory_space<hbm>>
    %dma_wait3A_300 = arith.constant 0 : i32
    %dma_wait3A_301 = arith.constant 0 : i32
    %dma_wait3A_302 = tpu.memref_slice %arg13[%dma_wait3A_300, %dma_wait3A_301] : memref<64x256xf32, #tpu.memory_space<vmem>> -> memref<64x128xf32, #tpu.memory_space<vmem>>
    tpu.wait_dma2 semaphore(%arg20 : memref<!tpu.dma_semaphore, #tpu.memory_space<semaphore_mem>>) src(%dma_wait3A_302 : memref<64x128xf32, #tpu.memory_space<vmem>>) dst(%dma_wait3A_299 : memref<64x128xf32, #tpu.memory_space<hbm>>)
    %dma_wait3A_303 = arith.constant 0 : i32
    %dma_wait3A_304 = arith.constant 128 : i32
    %dma_wait3A_305 = tpu.memref_slice %arg13[%dma_wait3A_303, %dma_wait3A_304] : memref<64x256xf32, #tpu.memory_space<vmem>> -> memref<64x128xf32, #tpu.memory_space<vmem>>
    %dma_wait3A_306 = arith.constant 0 : i32
    %dma_wait3A_307 = tpu.memref_slice %arg7[%add3A_148, %dma_wait3A_306] : memref<8192x128xf32, #tpu.memory_space<hbm>> -> memref<64x128xf32, #tpu.memory_space<hbm>>
    %dma_wait3A_308 = arith.constant 0 : i32
    %dma_wait3A_309 = tpu.memref_slice %arg7[%add3A_148, %dma_wait3A_308] : memref<8192x128xf32, #tpu.memory_space<hbm>> -> memref<64x128xf32, #tpu.memory_space<hbm>>
    %dma_wait3A_310 = arith.constant 0 : i32
    %dma_wait3A_311 = arith.constant 128 : i32
    %dma_wait3A_312 = tpu.memref_slice %arg13[%dma_wait3A_310, %dma_wait3A_311] : memref<64x256xf32, #tpu.memory_space<vmem>> -> memref<64x128xf32, #tpu.memory_space<vmem>>
    tpu.wait_dma2 semaphore(%arg20 : memref<!tpu.dma_semaphore, #tpu.memory_space<semaphore_mem>>) src(%dma_wait3A_312 : memref<64x128xf32, #tpu.memory_space<vmem>>) dst(%dma_wait3A_309 : memref<64x128xf32, #tpu.memory_space<hbm>>)
    %dma_wait3A_313 = arith.constant 0 : i32
    %dma_wait3A_314 = arith.constant 0 : i32
    %dma_wait3A_315 = tpu.memref_slice %arg16[%dma_wait3A_313, %dma_wait3A_314] : memref<64x256xf32, #tpu.memory_space<vmem>> -> memref<64x128xf32, #tpu.memory_space<vmem>>
    %dma_wait3A_316 = arith.constant 0 : i32
    %dma_wait3A_317 = tpu.memref_slice %arg8[%add3A_148, %dma_wait3A_316] : memref<8192x128xf32, #tpu.memory_space<hbm>> -> memref<64x128xf32, #tpu.memory_space<hbm>>
    %dma_wait3A_318 = arith.constant 0 : i32
    %dma_wait3A_319 = tpu.memref_slice %arg8[%add3A_148, %dma_wait3A_318] : memref<8192x128xf32, #tpu.memory_space<hbm>> -> memref<64x128xf32, #tpu.memory_space<hbm>>
    %dma_wait3A_320 = arith.constant 0 : i32
    %dma_wait3A_321 = arith.constant 0 : i32
    %dma_wait3A_322 = tpu.memref_slice %arg16[%dma_wait3A_320, %dma_wait3A_321] : memref<64x256xf32, #tpu.memory_space<vmem>> -> memref<64x128xf32, #tpu.memory_space<vmem>>
    tpu.wait_dma2 semaphore(%arg20 : memref<!tpu.dma_semaphore, #tpu.memory_space<semaphore_mem>>) src(%dma_wait3A_322 : memref<64x128xf32, #tpu.memory_space<vmem>>) dst(%dma_wait3A_319 : memref<64x128xf32, #tpu.memory_space<hbm>>)
    %dma_wait3A_323 = arith.constant 0 : i32
    %dma_wait3A_324 = arith.constant 128 : i32
    %dma_wait3A_325 = tpu.memref_slice %arg16[%dma_wait3A_323, %dma_wait3A_324] : memref<64x256xf32, #tpu.memory_space<vmem>> -> memref<64x128xf32, #tpu.memory_space<vmem>>
    %dma_wait3A_326 = arith.constant 0 : i32
    %dma_wait3A_327 = tpu.memref_slice %arg9[%add3A_148, %dma_wait3A_326] : memref<8192x128xf32, #tpu.memory_space<hbm>> -> memref<64x128xf32, #tpu.memory_space<hbm>>
    %dma_wait3A_328 = arith.constant 0 : i32
    %dma_wait3A_329 = tpu.memref_slice %arg9[%add3A_148, %dma_wait3A_328] : memref<8192x128xf32, #tpu.memory_space<hbm>> -> memref<64x128xf32, #tpu.memory_space<hbm>>
    %dma_wait3A_330 = arith.constant 0 : i32
    %dma_wait3A_331 = arith.constant 128 : i32
    %dma_wait3A_332 = tpu.memref_slice %arg16[%dma_wait3A_330, %dma_wait3A_331] : memref<64x256xf32, #tpu.memory_space<vmem>> -> memref<64x128xf32, #tpu.memory_space<vmem>>
    tpu.wait_dma2 semaphore(%arg20 : memref<!tpu.dma_semaphore, #tpu.memory_space<semaphore_mem>>) src(%dma_wait3A_332 : memref<64x128xf32, #tpu.memory_space<vmem>>) dst(%dma_wait3A_329 : memref<64x128xf32, #tpu.memory_space<hbm>>)
    %dma_wait3A_333 = arith.constant 0 : i32
    %dma_wait3A_334 = arith.constant 0 : i32
    %dma_wait3A_335 = tpu.memref_slice %arg14[%dma_wait3A_333, %dma_wait3A_334] : memref<64x256xf32, #tpu.memory_space<vmem>> -> memref<64x128xf32, #tpu.memory_space<vmem>>
    %dma_wait3A_336 = arith.constant 0 : i32
    %dma_wait3A_337 = tpu.memref_slice %arg6[%add3A_200, %dma_wait3A_336] : memref<8192x128xf32, #tpu.memory_space<hbm>> -> memref<64x128xf32, #tpu.memory_space<hbm>>
    %dma_wait3A_338 = arith.constant 0 : i32
    %dma_wait3A_339 = tpu.memref_slice %arg6[%add3A_200, %dma_wait3A_338] : memref<8192x128xf32, #tpu.memory_space<hbm>> -> memref<64x128xf32, #tpu.memory_space<hbm>>
    %dma_wait3A_340 = arith.constant 0 : i32
    %dma_wait3A_341 = arith.constant 0 : i32
    %dma_wait3A_342 = tpu.memref_slice %arg14[%dma_wait3A_340, %dma_wait3A_341] : memref<64x256xf32, #tpu.memory_space<vmem>> -> memref<64x128xf32, #tpu.memory_space<vmem>>
    tpu.wait_dma2 semaphore(%arg20 : memref<!tpu.dma_semaphore, #tpu.memory_space<semaphore_mem>>) src(%dma_wait3A_342 : memref<64x128xf32, #tpu.memory_space<vmem>>) dst(%dma_wait3A_339 : memref<64x128xf32, #tpu.memory_space<hbm>>)
    %dma_wait3A_343 = arith.constant 0 : i32
    %dma_wait3A_344 = arith.constant 128 : i32
    %dma_wait3A_345 = tpu.memref_slice %arg14[%dma_wait3A_343, %dma_wait3A_344] : memref<64x256xf32, #tpu.memory_space<vmem>> -> memref<64x128xf32, #tpu.memory_space<vmem>>
    %dma_wait3A_346 = arith.constant 0 : i32
    %dma_wait3A_347 = tpu.memref_slice %arg7[%add3A_200, %dma_wait3A_346] : memref<8192x128xf32, #tpu.memory_space<hbm>> -> memref<64x128xf32, #tpu.memory_space<hbm>>
    %dma_wait3A_348 = arith.constant 0 : i32
    %dma_wait3A_349 = tpu.memref_slice %arg7[%add3A_200, %dma_wait3A_348] : memref<8192x128xf32, #tpu.memory_space<hbm>> -> memref<64x128xf32, #tpu.memory_space<hbm>>
    %dma_wait3A_350 = arith.constant 0 : i32
    %dma_wait3A_351 = arith.constant 128 : i32
    %dma_wait3A_352 = tpu.memref_slice %arg14[%dma_wait3A_350, %dma_wait3A_351] : memref<64x256xf32, #tpu.memory_space<vmem>> -> memref<64x128xf32, #tpu.memory_space<vmem>>
    tpu.wait_dma2 semaphore(%arg20 : memref<!tpu.dma_semaphore, #tpu.memory_space<semaphore_mem>>) src(%dma_wait3A_352 : memref<64x128xf32, #tpu.memory_space<vmem>>) dst(%dma_wait3A_349 : memref<64x128xf32, #tpu.memory_space<hbm>>)
    %dma_wait3A_353 = arith.constant 0 : i32
    %dma_wait3A_354 = arith.constant 0 : i32
    %dma_wait3A_355 = tpu.memref_slice %arg17[%dma_wait3A_353, %dma_wait3A_354] : memref<64x256xf32, #tpu.memory_space<vmem>> -> memref<64x128xf32, #tpu.memory_space<vmem>>
    %dma_wait3A_356 = arith.constant 0 : i32
    %dma_wait3A_357 = tpu.memref_slice %arg8[%add3A_200, %dma_wait3A_356] : memref<8192x128xf32, #tpu.memory_space<hbm>> -> memref<64x128xf32, #tpu.memory_space<hbm>>
    %dma_wait3A_358 = arith.constant 0 : i32
    %dma_wait3A_359 = tpu.memref_slice %arg8[%add3A_200, %dma_wait3A_358] : memref<8192x128xf32, #tpu.memory_space<hbm>> -> memref<64x128xf32, #tpu.memory_space<hbm>>
    %dma_wait3A_360 = arith.constant 0 : i32
    %dma_wait3A_361 = arith.constant 0 : i32
    %dma_wait3A_362 = tpu.memref_slice %arg17[%dma_wait3A_360, %dma_wait3A_361] : memref<64x256xf32, #tpu.memory_space<vmem>> -> memref<64x128xf32, #tpu.memory_space<vmem>>
    tpu.wait_dma2 semaphore(%arg20 : memref<!tpu.dma_semaphore, #tpu.memory_space<semaphore_mem>>) src(%dma_wait3A_362 : memref<64x128xf32, #tpu.memory_space<vmem>>) dst(%dma_wait3A_359 : memref<64x128xf32, #tpu.memory_space<hbm>>)
    %dma_wait3A_363 = arith.constant 0 : i32
    %dma_wait3A_364 = arith.constant 128 : i32
    %dma_wait3A_365 = tpu.memref_slice %arg17[%dma_wait3A_363, %dma_wait3A_364] : memref<64x256xf32, #tpu.memory_space<vmem>> -> memref<64x128xf32, #tpu.memory_space<vmem>>
    %dma_wait3A_366 = arith.constant 0 : i32
    %dma_wait3A_367 = tpu.memref_slice %arg9[%add3A_200, %dma_wait3A_366] : memref<8192x128xf32, #tpu.memory_space<hbm>> -> memref<64x128xf32, #tpu.memory_space<hbm>>
    %dma_wait3A_368 = arith.constant 0 : i32
    %dma_wait3A_369 = tpu.memref_slice %arg9[%add3A_200, %dma_wait3A_368] : memref<8192x128xf32, #tpu.memory_space<hbm>> -> memref<64x128xf32, #tpu.memory_space<hbm>>
    %dma_wait3A_370 = arith.constant 0 : i32
    %dma_wait3A_371 = arith.constant 128 : i32
    %dma_wait3A_372 = tpu.memref_slice %arg17[%dma_wait3A_370, %dma_wait3A_371] : memref<64x256xf32, #tpu.memory_space<vmem>> -> memref<64x128xf32, #tpu.memory_space<vmem>>
    tpu.wait_dma2 semaphore(%arg20 : memref<!tpu.dma_semaphore, #tpu.memory_space<semaphore_mem>>) src(%dma_wait3A_372 : memref<64x128xf32, #tpu.memory_space<vmem>>) dst(%dma_wait3A_369 : memref<64x128xf32, #tpu.memory_space<hbm>>)
    %dma_wait3A_373 = arith.constant 0 : i32
    %dma_wait3A_374 = arith.constant 0 : i32
    %dma_wait3A_375 = tpu.memref_slice %arg12[%dma_wait3A_373, %dma_wait3A_374] : memref<64x256xf32, #tpu.memory_space<vmem>> -> memref<64x128xf32, #tpu.memory_space<vmem>>
    %dma_wait3A_376 = arith.constant 0 : i32
    %dma_wait3A_377 = tpu.memref_slice %arg6[%add3A_252, %dma_wait3A_376] : memref<8192x128xf32, #tpu.memory_space<hbm>> -> memref<64x128xf32, #tpu.memory_space<hbm>>
    %dma_wait3A_378 = arith.constant 0 : i32
    %dma_wait3A_379 = tpu.memref_slice %arg6[%add3A_252, %dma_wait3A_378] : memref<8192x128xf32, #tpu.memory_space<hbm>> -> memref<64x128xf32, #tpu.memory_space<hbm>>
    %dma_wait3A_380 = arith.constant 0 : i32
    %dma_wait3A_381 = arith.constant 0 : i32
    %dma_wait3A_382 = tpu.memref_slice %arg12[%dma_wait3A_380, %dma_wait3A_381] : memref<64x256xf32, #tpu.memory_space<vmem>> -> memref<64x128xf32, #tpu.memory_space<vmem>>
    tpu.wait_dma2 semaphore(%arg20 : memref<!tpu.dma_semaphore, #tpu.memory_space<semaphore_mem>>) src(%dma_wait3A_382 : memref<64x128xf32, #tpu.memory_space<vmem>>) dst(%dma_wait3A_379 : memref<64x128xf32, #tpu.memory_space<hbm>>)
    %dma_wait3A_383 = arith.constant 0 : i32
    %dma_wait3A_384 = arith.constant 128 : i32
    %dma_wait3A_385 = tpu.memref_slice %arg12[%dma_wait3A_383, %dma_wait3A_384] : memref<64x256xf32, #tpu.memory_space<vmem>> -> memref<64x128xf32, #tpu.memory_space<vmem>>
    %dma_wait3A_386 = arith.constant 0 : i32
    %dma_wait3A_387 = tpu.memref_slice %arg7[%add3A_252, %dma_wait3A_386] : memref<8192x128xf32, #tpu.memory_space<hbm>> -> memref<64x128xf32, #tpu.memory_space<hbm>>
    %dma_wait3A_388 = arith.constant 0 : i32
    %dma_wait3A_389 = tpu.memref_slice %arg7[%add3A_252, %dma_wait3A_388] : memref<8192x128xf32, #tpu.memory_space<hbm>> -> memref<64x128xf32, #tpu.memory_space<hbm>>
    %dma_wait3A_390 = arith.constant 0 : i32
    %dma_wait3A_391 = arith.constant 128 : i32
    %dma_wait3A_392 = tpu.memref_slice %arg12[%dma_wait3A_390, %dma_wait3A_391] : memref<64x256xf32, #tpu.memory_space<vmem>> -> memref<64x128xf32, #tpu.memory_space<vmem>>
    tpu.wait_dma2 semaphore(%arg20 : memref<!tpu.dma_semaphore, #tpu.memory_space<semaphore_mem>>) src(%dma_wait3A_392 : memref<64x128xf32, #tpu.memory_space<vmem>>) dst(%dma_wait3A_389 : memref<64x128xf32, #tpu.memory_space<hbm>>)
    %dma_wait3A_393 = arith.constant 0 : i32
    %dma_wait3A_394 = arith.constant 0 : i32
    %dma_wait3A_395 = tpu.memref_slice %arg15[%dma_wait3A_393, %dma_wait3A_394] : memref<64x256xf32, #tpu.memory_space<vmem>> -> memref<64x128xf32, #tpu.memory_space<vmem>>
    %dma_wait3A_396 = arith.constant 0 : i32
    %dma_wait3A_397 = tpu.memref_slice %arg8[%add3A_252, %dma_wait3A_396] : memref<8192x128xf32, #tpu.memory_space<hbm>> -> memref<64x128xf32, #tpu.memory_space<hbm>>
    %dma_wait3A_398 = arith.constant 0 : i32
    %dma_wait3A_399 = tpu.memref_slice %arg8[%add3A_252, %dma_wait3A_398] : memref<8192x128xf32, #tpu.memory_space<hbm>> -> memref<64x128xf32, #tpu.memory_space<hbm>>
    %dma_wait3A_400 = arith.constant 0 : i32
    %dma_wait3A_401 = arith.constant 0 : i32
    %dma_wait3A_402 = tpu.memref_slice %arg15[%dma_wait3A_400, %dma_wait3A_401] : memref<64x256xf32, #tpu.memory_space<vmem>> -> memref<64x128xf32, #tpu.memory_space<vmem>>
    tpu.wait_dma2 semaphore(%arg20 : memref<!tpu.dma_semaphore, #tpu.memory_space<semaphore_mem>>) src(%dma_wait3A_402 : memref<64x128xf32, #tpu.memory_space<vmem>>) dst(%dma_wait3A_399 : memref<64x128xf32, #tpu.memory_space<hbm>>)
    %dma_wait3A_403 = arith.constant 0 : i32
    %dma_wait3A_404 = arith.constant 128 : i32
    %dma_wait3A_405 = tpu.memref_slice %arg15[%dma_wait3A_403, %dma_wait3A_404] : memref<64x256xf32, #tpu.memory_space<vmem>> -> memref<64x128xf32, #tpu.memory_space<vmem>>
    %dma_wait3A_406 = arith.constant 0 : i32
    %dma_wait3A_407 = tpu.memref_slice %arg9[%add3A_252, %dma_wait3A_406] : memref<8192x128xf32, #tpu.memory_space<hbm>> -> memref<64x128xf32, #tpu.memory_space<hbm>>
    %dma_wait3A_408 = arith.constant 0 : i32
    %dma_wait3A_409 = tpu.memref_slice %arg9[%add3A_252, %dma_wait3A_408] : memref<8192x128xf32, #tpu.memory_space<hbm>> -> memref<64x128xf32, #tpu.memory_space<hbm>>
    %dma_wait3A_410 = arith.constant 0 : i32
    %dma_wait3A_411 = arith.constant 128 : i32
    %dma_wait3A_412 = tpu.memref_slice %arg15[%dma_wait3A_410, %dma_wait3A_411] : memref<64x256xf32, #tpu.memory_space<vmem>> -> memref<64x128xf32, #tpu.memory_space<vmem>>
    tpu.wait_dma2 semaphore(%arg20 : memref<!tpu.dma_semaphore, #tpu.memory_space<semaphore_mem>>) src(%dma_wait3A_412 : memref<64x128xf32, #tpu.memory_space<vmem>>) dst(%dma_wait3A_409 : memref<64x128xf32, #tpu.memory_space<hbm>>)
    return
  }
}

module attributes {stable_mosaic.version = 14 : i64} {
  func.func @_tc_body(%arg0: i32, %arg1: memref<2048x128xf32, #tpu.memory_space<vmem>>, %arg2: memref<2048x128xf32, #tpu.memory_space<vmem>>, %arg3: memref<2048x128xf32, #tpu.memory_space<vmem>>, %arg4: memref<2048x128xf32, #tpu.memory_space<vmem>>, %arg5: memref<2048xf32, #tpu.memory_space<vmem>>, %arg6: memref<2048xf32, #tpu.memory_space<vmem>>, %arg7: memref<2048xf32, #tpu.memory_space<vmem>>) attributes {dimension_semantics = [#tpu.dimension_semantics<arbitrary>], iteration_bounds = array<i64: 4>, scalar_prefetch = 0 : i64, scratch_operands = 0 : i64, tpu.core_type = #tpu.core_type<tc>, window_params = [{transform_indices = @transform_0, window_bounds = array<i64: 2048, 128>}, {transform_indices = @transform_1, window_bounds = array<i64: 2048, 128>}, {transform_indices = @transform_2, window_bounds = array<i64: 2048, 128>}, {transform_indices = @transform_3, window_bounds = array<i64: 2048, 128>}, {transform_indices = @transform_4, window_bounds = array<i64: 2048>}, {transform_indices = @transform_5, window_bounds = array<i64: 2048>}, {transform_indices = @transform_6, window_bounds = array<i64: 2048>}]} {
    %get3A = arith.constant 0 : index
    %get3A_0 = arith.constant 0 : index
    %get3A_1 = vector.load %arg1[%get3A, %get3A_0] : memref<2048x128xf32, #tpu.memory_space<vmem>>, vector<2048x128xf32>
    %get3A_2 = arith.constant 0 : index
    %get3A_3 = arith.constant 0 : index
    %get3A_4 = vector.load %arg3[%get3A_2, %get3A_3] : memref<2048x128xf32, #tpu.memory_space<vmem>>, vector<2048x128xf32>
    %get3A_5 = arith.constant 0 : index
    %get3A_6 = arith.constant 0 : index
    %get3A_7 = vector.load %arg2[%get3A_5, %get3A_6] : memref<2048x128xf32, #tpu.memory_space<vmem>>, vector<2048x128xf32>
    %exp3A = math.exp %get3A_7 : vector<2048x128xf32>
    %get3A_8 = arith.constant 0 : index
    %get3A_9 = arith.constant 0 : index
    %get3A_10 = vector.load %arg4[%get3A_8, %get3A_9] : memref<2048x128xf32, #tpu.memory_space<vmem>>, vector<2048x128xf32>
    %exp3A_11 = math.exp %get3A_10 : vector<2048x128xf32>
    %add3A = arith.constant 2.000000e+00 : f32
    %add3A_12 = vector.broadcast %add3A : f32 to vector<2048x128xf32>
    %add3A_13 = arith.addf %add3A_12, %exp3A : vector<2048x128xf32>
    %log3A = math.log %add3A_13 : vector<2048x128xf32>
    %log3A_14 = math.log %log3A : vector<2048x128xf32>
    %transpose3A = tpu.transpose %log3A_14, [1, 0] : vector<2048x128xf32> -> vector<128x2048xf32>
    %reduce_sum3A = arith.constant dense<0.000000e+00> : vector<2048xf32>
    %reduce_sum3A_15 = vector.multi_reduction <add>, %transpose3A, %reduce_sum3A [0] : vector<128x2048xf32> to vector<2048xf32>
    %swap3A = arith.constant 0 : index
    %swap3A_16 = vector.load %arg5[%swap3A] : memref<2048xf32, #tpu.memory_space<vmem>>, vector<2048xf32>
    tpu.vector_store %arg5[%swap3A], %reduce_sum3A_15 {strides = array<i32>} : memref<2048xf32, #tpu.memory_space<vmem>>, vector<2048xf32>,
    %add3A_17 = arith.constant 2.000000e+00 : f32
    %add3A_18 = vector.broadcast %add3A_17 : f32 to vector<2048x128xf32>
    %add3A_19 = arith.addf %add3A_18, %exp3A_11 : vector<2048x128xf32>
    %log3A_20 = math.log %add3A_19 : vector<2048x128xf32>
    %log3A_21 = math.log %log3A_20 : vector<2048x128xf32>
    %transpose3A_22 = tpu.transpose %log3A_21, [1, 0] : vector<2048x128xf32> -> vector<128x2048xf32>
    %reduce_sum3A_23 = arith.constant dense<0.000000e+00> : vector<2048xf32>
    %reduce_sum3A_24 = vector.multi_reduction <add>, %transpose3A_22, %reduce_sum3A_23 [0] : vector<128x2048xf32> to vector<2048xf32>
    %swap3A_25 = arith.constant 0 : index
    %swap3A_26 = vector.load %arg6[%swap3A_25] : memref<2048xf32, #tpu.memory_space<vmem>>, vector<2048xf32>
    tpu.vector_store %arg6[%swap3A_25], %reduce_sum3A_24 {strides = array<i32>} : memref<2048xf32, #tpu.memory_space<vmem>>, vector<2048xf32>,
    %exp3A_27 = math.exp %get3A_1 : vector<2048x128xf32>
    %exp3A_28 = math.exp %get3A_4 : vector<2048x128xf32>
    %add3A_29 = arith.constant 1.000000e+00 : f32
    %add3A_30 = vector.broadcast %add3A_29 : f32 to vector<2048x128xf32>
    %add3A_31 = arith.addf %add3A_30, %exp3A : vector<2048x128xf32>
    %mul3A = arith.mulf %exp3A_27, %add3A_31 : vector<2048x128xf32>
    %add3A_32 = arith.constant 1.000000e+00 : f32
    %add3A_33 = vector.broadcast %add3A_32 : f32 to vector<2048x128xf32>
    %add3A_34 = arith.addf %add3A_33, %exp3A_11 : vector<2048x128xf32>
    %mul3A_35 = arith.mulf %exp3A_28, %add3A_34 : vector<2048x128xf32>
    %min3A = arith.minimumf %mul3A, %mul3A_35 : vector<2048x128xf32>
    %max3A = arith.maximumf %exp3A_27, %exp3A_28 : vector<2048x128xf32>
    %div3A = arith.divf %min3A, %max3A : vector<2048x128xf32>
    %log1p3A = math.log1p %div3A : vector<2048x128xf32>
    %add3A_36 = arith.constant 9.99999999E-24 : f32
    %add3A_37 = vector.broadcast %add3A_36 : f32 to vector<2048x128xf32>
    %add3A_38 = arith.addf %log1p3A, %add3A_37 : vector<2048x128xf32>
    %log3A_39 = math.log %add3A_38 : vector<2048x128xf32>
    %transpose3A_40 = tpu.transpose %log3A_39, [1, 0] : vector<2048x128xf32> -> vector<128x2048xf32>
    %reduce_sum3A_41 = arith.constant dense<0.000000e+00> : vector<2048xf32>
    %reduce_sum3A_42 = vector.multi_reduction <add>, %transpose3A_40, %reduce_sum3A_41 [0] : vector<128x2048xf32> to vector<2048xf32>
    %swap3A_43 = arith.constant 0 : index
    %swap3A_44 = vector.load %arg7[%swap3A_43] : memref<2048xf32, #tpu.memory_space<vmem>>, vector<2048xf32>
    tpu.vector_store %arg7[%swap3A_43], %reduce_sum3A_42 {strides = array<i32>} : memref<2048xf32, #tpu.memory_space<vmem>>, vector<2048xf32>,
    return
  }
  func.func @transform_0(%arg0: i32) -> (i32, i32) {
    %c0_i32 = arith.constant 0 : i32
    %c0_i32_0 = arith.constant 0 : i32
    return %arg0, %c0_i32 : i32, i32
  }
  func.func @transform_1(%arg0: i32) -> (i32, i32) {
    %c0_i32 = arith.constant 0 : i32
    %c0_i32_0 = arith.constant 0 : i32
    return %arg0, %c0_i32 : i32, i32
  }
  func.func @transform_2(%arg0: i32) -> (i32, i32) {
    %c0_i32 = arith.constant 0 : i32
    %c0_i32_0 = arith.constant 0 : i32
    return %arg0, %c0_i32 : i32, i32
  }
  func.func @transform_3(%arg0: i32) -> (i32, i32) {
    %c0_i32 = arith.constant 0 : i32
    %c0_i32_0 = arith.constant 0 : i32
    return %arg0, %c0_i32 : i32, i32
  }
  func.func @transform_4(%arg0: i32) -> i32 {
    %add3A = arith.constant 0 : i32
    %add3A_0 = arith.addi %arg0, %add3A : i32
    %c0_i32 = arith.constant 0 : i32
    return %add3A_0 : i32
  }
  func.func @transform_5(%arg0: i32) -> i32 {
    %add3A = arith.constant 0 : i32
    %add3A_0 = arith.addi %arg0, %add3A : i32
    %c0_i32 = arith.constant 0 : i32
    return %add3A_0 : i32
  }
  func.func @transform_6(%arg0: i32) -> i32 {
    %add3A = arith.constant 0 : i32
    %add3A_0 = arith.addi %arg0, %add3A : i32
    %c0_i32 = arith.constant 0 : i32
    return %add3A_0 : i32
  }
}

module attributes {stable_mosaic.version = 14 : i64} {
  func.func @_tc_body(%arg0: i32, %arg1: memref<2048x128xf32, #tpu.memory_space<vmem>>, %arg2: memref<2048x128xf32, #tpu.memory_space<vmem>>, %arg3: memref<2048x128xf32, #tpu.memory_space<vmem>>, %arg4: memref<2048x128xf32, #tpu.memory_space<vmem>>, %arg5: memref<2048xf32, #tpu.memory_space<vmem>>, %arg6: memref<2048xf32, #tpu.memory_space<vmem>>, %arg7: memref<2048xf32, #tpu.memory_space<vmem>>, %arg8: memref<2048xf32, #tpu.memory_space<vmem>>, %arg9: memref<2048xf32, #tpu.memory_space<vmem>>, %arg10: memref<2048xf32, #tpu.memory_space<vmem>>) attributes {dimension_semantics = [#tpu.dimension_semantics<arbitrary>], iteration_bounds = array<i64: 4>, scalar_prefetch = 0 : i64, scratch_operands = 0 : i64, tpu.core_type = #tpu.core_type<tc>, window_params = [{transform_indices = @transform_0, window_bounds = array<i64: 2048, 128>}, {transform_indices = @transform_1, window_bounds = array<i64: 2048, 128>}, {transform_indices = @transform_2, window_bounds = array<i64: 2048, 128>}, {transform_indices = @transform_3, window_bounds = array<i64: 2048, 128>}, {transform_indices = @transform_4, window_bounds = array<i64: 2048>}, {transform_indices = @transform_5, window_bounds = array<i64: 2048>}, {transform_indices = @transform_6, window_bounds = array<i64: 2048>}, {transform_indices = @transform_7, window_bounds = array<i64: 2048>}, {transform_indices = @transform_8, window_bounds = array<i64: 2048>}, {transform_indices = @transform_9, window_bounds = array<i64: 2048>}]} {
    %get3A = arith.constant 0 : index
    %get3A_0 = arith.constant 0 : index
    %get3A_1 = vector.load %arg1[%get3A, %get3A_0] : memref<2048x128xf32, #tpu.memory_space<vmem>>, vector<2048x128xf32>
    %get3A_2 = arith.constant 0 : index
    %get3A_3 = arith.constant 0 : index
    %get3A_4 = vector.load %arg3[%get3A_2, %get3A_3] : memref<2048x128xf32, #tpu.memory_space<vmem>>, vector<2048x128xf32>
    %get3A_5 = arith.constant 0 : index
    %get3A_6 = arith.constant 0 : index
    %get3A_7 = vector.load %arg2[%get3A_5, %get3A_6] : memref<2048x128xf32, #tpu.memory_space<vmem>>, vector<2048x128xf32>
    %exp3A = math.exp %get3A_7 : vector<2048x128xf32>
    %get3A_8 = arith.constant 0 : index
    %get3A_9 = arith.constant 0 : index
    %get3A_10 = vector.load %arg4[%get3A_8, %get3A_9] : memref<2048x128xf32, #tpu.memory_space<vmem>>, vector<2048x128xf32>
    %exp3A_11 = math.exp %get3A_10 : vector<2048x128xf32>
    %add3A = arith.constant 2.000000e+00 : f32
    %add3A_12 = vector.broadcast %add3A : f32 to vector<2048x128xf32>
    %add3A_13 = arith.addf %add3A_12, %exp3A : vector<2048x128xf32>
    %log3A = math.log %add3A_13 : vector<2048x128xf32>
    %log3A_14 = math.log %log3A : vector<2048x128xf32>
    %transpose3A = tpu.transpose %log3A_14, [1, 0] : vector<2048x128xf32> -> vector<128x2048xf32>
    %reduce_sum3A = arith.constant dense<0.000000e+00> : vector<2048xf32>
    %reduce_sum3A_15 = vector.multi_reduction <add>, %transpose3A, %reduce_sum3A [0] : vector<128x2048xf32> to vector<2048xf32>
    %swap3A = arith.constant 0 : index
    %swap3A_16 = vector.load %arg8[%swap3A] : memref<2048xf32, #tpu.memory_space<vmem>>, vector<2048xf32>
    tpu.vector_store %arg8[%swap3A], %reduce_sum3A_15 {strides = array<i32>} : memref<2048xf32, #tpu.memory_space<vmem>>, vector<2048xf32>,
    %add3A_17 = arith.constant 2.000000e+00 : f32
    %add3A_18 = vector.broadcast %add3A_17 : f32 to vector<2048x128xf32>
    %add3A_19 = arith.addf %add3A_18, %exp3A_11 : vector<2048x128xf32>
    %log3A_20 = math.log %add3A_19 : vector<2048x128xf32>
    %log3A_21 = math.log %log3A_20 : vector<2048x128xf32>
    %transpose3A_22 = tpu.transpose %log3A_21, [1, 0] : vector<2048x128xf32> -> vector<128x2048xf32>
    %reduce_sum3A_23 = arith.constant dense<0.000000e+00> : vector<2048xf32>
    %reduce_sum3A_24 = vector.multi_reduction <add>, %transpose3A_22, %reduce_sum3A_23 [0] : vector<128x2048xf32> to vector<2048xf32>
    %swap3A_25 = arith.constant 0 : index
    %swap3A_26 = vector.load %arg9[%swap3A_25] : memref<2048xf32, #tpu.memory_space<vmem>>, vector<2048xf32>
    tpu.vector_store %arg9[%swap3A_25], %reduce_sum3A_24 {strides = array<i32>} : memref<2048xf32, #tpu.memory_space<vmem>>, vector<2048xf32>,
    %exp3A_27 = math.exp %get3A_1 : vector<2048x128xf32>
    %exp3A_28 = math.exp %get3A_4 : vector<2048x128xf32>
    %add3A_29 = arith.constant 1.000000e+00 : f32
    %add3A_30 = vector.broadcast %add3A_29 : f32 to vector<2048x128xf32>
    %add3A_31 = arith.addf %add3A_30, %exp3A : vector<2048x128xf32>
    %mul3A = arith.mulf %exp3A_27, %add3A_31 : vector<2048x128xf32>
    %add3A_32 = arith.constant 1.000000e+00 : f32
    %add3A_33 = vector.broadcast %add3A_32 : f32 to vector<2048x128xf32>
    %add3A_34 = arith.addf %add3A_33, %exp3A_11 : vector<2048x128xf32>
    %mul3A_35 = arith.mulf %exp3A_28, %add3A_34 : vector<2048x128xf32>
    %min3A = arith.minimumf %mul3A, %mul3A_35 : vector<2048x128xf32>
    %max3A = arith.maximumf %exp3A_27, %exp3A_28 : vector<2048x128xf32>
    %div3A = arith.divf %min3A, %max3A : vector<2048x128xf32>
    %log1p3A = math.log1p %div3A : vector<2048x128xf32>
    %add3A_36 = arith.constant 9.99999999E-24 : f32
    %add3A_37 = vector.broadcast %add3A_36 : f32 to vector<2048x128xf32>
    %add3A_38 = arith.addf %log1p3A, %add3A_37 : vector<2048x128xf32>
    %log3A_39 = math.log %add3A_38 : vector<2048x128xf32>
    %transpose3A_40 = tpu.transpose %log3A_39, [1, 0] : vector<2048x128xf32> -> vector<128x2048xf32>
    %reduce_sum3A_41 = arith.constant dense<0.000000e+00> : vector<2048xf32>
    %reduce_sum3A_42 = vector.multi_reduction <add>, %transpose3A_40, %reduce_sum3A_41 [0] : vector<128x2048xf32> to vector<2048xf32>
    %swap3A_43 = arith.constant 0 : index
    %swap3A_44 = vector.load %arg10[%swap3A_43] : memref<2048xf32, #tpu.memory_space<vmem>>, vector<2048xf32>
    tpu.vector_store %arg10[%swap3A_43], %reduce_sum3A_42 {strides = array<i32>} : memref<2048xf32, #tpu.memory_space<vmem>>, vector<2048xf32>,
    return
  }
  func.func @transform_0(%arg0: i32) -> (i32, i32) {
    %c0_i32 = arith.constant 0 : i32
    %c0_i32_0 = arith.constant 0 : i32
    return %arg0, %c0_i32 : i32, i32
  }
  func.func @transform_1(%arg0: i32) -> (i32, i32) {
    %c0_i32 = arith.constant 0 : i32
    %c0_i32_0 = arith.constant 0 : i32
    return %arg0, %c0_i32 : i32, i32
  }
  func.func @transform_2(%arg0: i32) -> (i32, i32) {
    %c0_i32 = arith.constant 0 : i32
    %c0_i32_0 = arith.constant 0 : i32
    return %arg0, %c0_i32 : i32, i32
  }
  func.func @transform_3(%arg0: i32) -> (i32, i32) {
    %c0_i32 = arith.constant 0 : i32
    %c0_i32_0 = arith.constant 0 : i32
    return %arg0, %c0_i32 : i32, i32
  }
  func.func @transform_4(%arg0: i32) -> i32 {
    %add3A = arith.constant 4 : i32
    %add3A_0 = arith.addi %arg0, %add3A : i32
    %c0_i32 = arith.constant 0 : i32
    return %add3A_0 : i32
  }
  func.func @transform_5(%arg0: i32) -> i32 {
    %add3A = arith.constant 4 : i32
    %add3A_0 = arith.addi %arg0, %add3A : i32
    %c0_i32 = arith.constant 0 : i32
    return %add3A_0 : i32
  }
  func.func @transform_6(%arg0: i32) -> i32 {
    %add3A = arith.constant 4 : i32
    %add3A_0 = arith.addi %arg0, %add3A : i32
    %c0_i32 = arith.constant 0 : i32
    return %add3A_0 : i32
  }
  func.func @transform_7(%arg0: i32) -> i32 {
    %add3A = arith.constant 4 : i32
    %add3A_0 = arith.addi %arg0, %add3A : i32
    %c0_i32 = arith.constant 0 : i32
    return %add3A_0 : i32
  }
  func.func @transform_8(%arg0: i32) -> i32 {
    %add3A = arith.constant 4 : i32
    %add3A_0 = arith.addi %arg0, %add3A : i32
    %c0_i32 = arith.constant 0 : i32
    return %add3A_0 : i32
  }
  func.func @transform_9(%arg0: i32) -> i32 {
    %add3A = arith.constant 4 : i32
    %add3A_0 = arith.addi %arg0, %add3A : i32
    %c0_i32 = arith.constant 0 : i32
    return %add3A_0 : i32
  }
}

</mosaic_0001>

<sc_bundles>
// kernel: kernel.6.cloned.1.call-start
scs
__scs_entry_jumppad:
0x0: {  	(pc) =	sbr.rel $0x88, $3  }
0x1: {  	(tag) =	ssettag $0x0;
	lr =	simm.s32 $0x1  }
0x2: {  	[smem:$0x3F9D] =	sst lr;
	_ =	strace $0xD0000000  }
0x3: {  	_ = 	snop  }
0x4: {  	_ = 	snop  }
0x5: {  	_ = 	snop  }
0x6: {  	_ = 	snop  }
0x7: {  	_ = 	snop  }
__scs_overlays_trampoline_lowered:
0x8: {  	[smem:$0x3FAC] =	sst s0  }
0x9: {  	[smem:$0x3FAD] =	sst s1  }
0xa: {  	[smem:$0x3FAE] =	sst s2  }
0xb: {  	[smem:$0x3FAF] =	sst s3  }
0xc: {  	[smem:$0x3FB0] =	sst s4  }
0xd: {  	[smem:$0x3FB1] =	sst s5  }
0xe: {  	[smem:$0x3FB2] =	sst s6  }
0xf: {  	[smem:$0x3FB3] =	sst s7  }
0x10: {  	[smem:$0x3FB4] =	sst s8  }
0x11: {  	[smem:$0x3FB5] =	sst s9;
	s0 =	simm.s32 @!p0 $0x0  }
0x12: {  	s1 =	sld [smem:$0x3F9B];
	s0 =	simm.s32 @p0 $0x1  }
0x13: {  	[smem:$0x3FB6] =	sst s0;
	s0 =	simm.s32 @!p1 $0x0  }
0x14: {  	s2 =	sld [smem:$0x3F9A];
	s0 =	simm.s32 @p1 $0x1  }
0x15: {  	[smem:$0x3FB7] =	sst s0;
	s0 =	simm.s32 @!p2 $0x0  }
0x16: {  	s3 =	sld [smem:$0x3FDB];
	s0 =	simm.s32 @p2 $0x1  }
0x17: {  	s4 =	simm.s32 $0x1BF5;
	[smem:$0x3FB9] =	sst s0  }
0x18: {  	s0 =	sld [smem:$0x3F9C];
	_ =	swait.ge [sflag:s4], $0x0  }
0x19: {  	s7 =	sld [smem:$0x3F9D]  }
0x1a: {  	s8 =	sadd.s32 $0xFFFFE003, lr  }
0x1b: {  	s9 =	sadd.s32 $0xFFFFFEF7, lr;
	s5 =	simm.s32 $0xFFFFFFFF;
	p2 =	slt.u32 s8, $0xFFFFF086  }
0x1c: {  	p1 =	slt.u32 s9, $0xF7A;
	s5 =	simm.s32 @!p2 $0x0  }
0x1d: {  	s5 =	simm.s32 @p1 $0x1;
	p0 =	seq.s32 s7, s2  }
0x1e: {  	s7 =	smul.u32 @!p0 $0xF7A, s2;
	p2 =	seq.s32 @!p0 s5, $0x0  }
0x1f: {  	s9 =	smul.u32 $0xF7A, s1;
	s8 =	simm.s32 @!p0 $0x1BF5;
	p2 =	por !p2, p0  }
0x20: {  	[sflag:s8] =	ssyncset.s32 @!p0 $0xFFFFF086;
	s6 =	sadd.s32 @!p0 s3, s7;
	s7 =	simm.s32 @!p0 $0x108  }
0x21: {  	s3 =	sadd.s32 s3, s9;
	s6 =	sadd.s32 @!p0 $0x88, s6;
	s7 =	simm.s32 @p2 $0x1082  }
0x22: {  	[simem:s7], [sflag:s8] =	dma.local @!p0 [hbm:s6], $0xF7A  }
0x23: {  	s9 =	sor.u32 $0xD0000000, s2;
	s6 =	simm.s32 $0x108;
	_ =	swait.ge @!p0 [sflag:s8], $0x0  }
0x24: {  	s3 =	sadd.s32 $0x88, s3;
	s6 =	simm.s32 @!p1 $0x1082;
	[sflag:s4] =	ssyncset.s32 $0xFFFFF086  }
0x25: {  	[simem:s6], [sflag:s4] =	dma.local [hbm:s3], $0xF7A  }
0x26: {  	[smem:$0x3F9D] =	sst s1;
	(tag) =	ssettag s2;
	_ =	strace s9  }
0x27: {  	s1 =	sld [smem:$0x3FAD]  }
0x28: {  	s2 =	sld [smem:$0x3FAE]  }
0x29: {  	s4 =	sld [smem:$0x3FB0]  }
0x2a: {  	p0 =	seq.s32 s5, $0x0;
	s5 =	sld [smem:$0x3FB1]  }
0x2b: {  	s6 =	sld [smem:$0x3FB2]  }
0x2c: {  	s7 =	sld [smem:$0x3FB3]  }
0x2d: {  	s3 =	simm.s32 $0x108;
	s8 =	sld [smem:$0x3FB4]  }
0x2e: {  	s3 =	simm.s32 @!p0 $0x1082;
	s9 =	sld [smem:$0x3FB5]  }
0x2f: {  	lr =	sadd.s32 s0, s3;
	s0 =	sld [smem:$0x3FAC]  }
0x30: {  	s3 =	sld [smem:$0x3FAF]  }
0x31: {  	[smem:$0x3FB8] =	sst s10  }
0x32: {  	s10 =	sld [smem:$0x3FB6];
	_ =	sdelay $0x3  }
0x33: {  	p0 =	seq.s32 s10, $0x1;
	s10 =	sld [smem:$0x3FB8];
	_ =	sdelay $0x3  }
0x34: {  	[smem:$0x3FB8] =	sst s10  }
0x35: {  	s10 =	sld [smem:$0x3FB7];
	_ =	sdelay $0x3  }
0x36: {  	p1 =	seq.s32 s10, $0x1;
	s10 =	sld [smem:$0x3FB8];
	_ =	sdelay $0x3  }
0x37: {  	[smem:$0x3FB8] =	sst s10  }
0x38: {  	s10 =	sld [smem:$0x3FB9]  }
0x39: {  	_ = 	snop;
	(pc) =	sbr.ind lr, $3  }
0x3a: {  	_ = 	snop  }
0x3b: {  	_ = 	snop  }
0x3c: {  	p2 =	seq.s32 s10, $0x1;
	s10 =	sld [smem:$0x3FB8]  }
0x3d: {  	_ =	shalt  }
0x3e: {  	_ =	shalt  }
0x3f: {  	_ =	shalt  }
0x40: {  	_ =	shalt  }
0x41: {  	_ =	shalt  }
0x42: {  	_ =	shalt  }
0x43: {  	_ =	shalt  }
0x44: {  	_ =	shalt  }
0x45: {  	_ =	shalt  }
0x46: {  	_ =	shalt  }
0x47: {  	_ =	shalt  }
0x48: {  	_ =	shalt  }
0x49: {  	_ =	shalt  }
0x4a: {  	_ =	shalt  }
0x4b: {  	_ =	shalt  }
0x4c: {  	_ =	shalt  }
0x4d: {  	_ =	shalt  }
0x4e: {  	_ =	shalt  }
0x4f: {  	_ =	shalt  }
0x50: {  	_ =	shalt  }
0x51: {  	_ =	shalt  }
0x52: {  	_ =	shalt  }
0x53: {  	_ =	shalt  }
0x54: {  	_ =	shalt  }
0x55: {  	_ =	shalt  }
0x56: {  	_ =	shalt  }
0x57: {  	_ =	shalt  }
0x58: {  	_ =	shalt  }
0x59: {  	_ =	shalt  }
0x5a: {  	_ =	shalt  }
0x5b: {  	_ =	shalt  }
0x5c: {  	_ =	shalt  }
0x5d: {  	_ =	shalt  }
0x5e: {  	_ =	shalt  }
0x5f: {  	_ =	shalt  }
0x60: {  	_ =	shalt  }
0x61: {  	_ =	shalt  }
0x62: {  	_ =	shalt  }
0x63: {  	_ =	shalt  }
0x64: {  	_ =	shalt  }
0x65: {  	_ =	shalt  }
0x66: {  	_ =	shalt  }
0x67: {  	_ =	shalt  }
0x68: {  	_ =	shalt  }
0x69: {  	_ =	shalt  }
0x6a: {  	_ =	shalt  }
0x6b: {  	_ =	shalt  }
0x6c: {  	_ =	shalt  }
0x6d: {  	_ =	shalt  }
0x6e: {  	_ =	shalt  }
0x6f: {  	_ =	shalt  }
0x70: {  	_ =	shalt  }
0x71: {  	_ =	shalt  }
0x72: {  	_ =	shalt  }
0x73: {  	_ =	shalt  }
0x74: {  	_ =	shalt  }
0x75: {  	_ =	shalt  }
0x76: {  	_ =	shalt  }
0x77: {  	_ =	shalt  }
0x78: {  	_ =	shalt  }
0x79: {  	_ =	shalt  }
0x7a: {  	_ =	shalt  }
0x7b: {  	_ =	shalt  }
0x7c: {  	_ =	shalt  }
0x7d: {  	_ =	shalt  }
0x7e: {  	_ =	shalt  }
0x7f: {  	_ =	shalt  }
0x80: {  	_ =	shalt  }
0x81: {  	_ =	shalt  }
0x82: {  	_ =	shalt  }
0x83: {  	_ =	shalt  }
0x84: {  	_ =	shalt  }
0x85: {  	_ =	shalt  }
0x86: {  	_ =	shalt  }
0x87: {  	_ =	shalt  }
.Lfunc_end0:
.L_simem_size_0:
called_computation_lowered:
.L_overlay_start_0:
0x88: {  	s2 =	sld [smem:$0x3FD9]  }
0x89: {  	s3 =	sld [smem:$0x3FFE];
	_ =	sdelay $0x1  }
0x8a: {  	s1 =	srdreg.scid  }
0x8b: {  	s0 =	sand.u32 $0x1, s1  }
0x8c: {  	s17 =	sshll.u32 s0, $0xA;
	s2 =	sadd.s32 s3, s2  }
0x8d: {  	s2 =	sadd.s32 s2, s17  }
0x8e: {  	[smem:$0x3FC4] =	sst s2  }
0x8f: {  	_ = 	snop  }
0x90: {  	s2 =	sld [smem:$0x3FC9]  }
0x91: {  	s18 =	sld [smem:$0x3FC8]  }
0x92: {  	s4 =	sld [smem:$0x3FC7]  }
0x93: {  	s5 =	sld [smem:$0x3FC6];
	(tm) =	ssettm $0x1  }
0x94: {  	s6 =	sld [smem:$0x3FFB];
	_ =	sdelay $0x3  }
0x95: {  	_ =	strace s6  }
0x96: {  	s6 =	sld [smem:$0x3FFC];
	_ =	sdelay $0x3  }
0x97: {  	_ =	strace s6  }
0x98: {  	s6 =	sld [smem:$0x3FFD];
	_ =	sdelay $0x3  }
0x99: {  	_ =	strace s6  }
0x9a: {  	_ =	strace $0x8FFFFFFF  }
0x9b: {  	s19 =	sld [smem:$0x3FDB];
	_ =	sdelay $0x1  }
0x9c: {  	s7 =	simm.s32 $_scs_section_size  }
0x9d: {  	s8 =	simm.s32 $_size__tile_overlayer_lowered;
	s9 =	simm.s32 $_tile_overlayer_lowered  }
0x9e: {  	s22 =	simm.s32 $0x1BFF;
	s21 =	sshll.u32 s9, $0x1;
	s6 =	sadd.s32 s7, s19  }
0x9f: {  	s10 =	simm.s32 $0x0;
	s20 =	sshll.u32 s8, $0x1;
	s8 =	sadd.s32 s21, s6  }
0xa0: {  	[timem:s10], [sflag:s22] =	dma.local [hbm:s8], s20  }
0xa1: {  	_ =	swait.ge [sflag:s22], s20  }
0xa2: {  	s7 =	ssub.s32 $0x0, s20;
	[sflag:s22] =	ssyncset.done $0x0  }
0xa3: {  	[sflag:s22] =	ssyncadd.s32 s7;
	_ =	sdelay $0x1  }
0xa4: {  	s23 =	simm.s32 $0x1B8B  }
0xa5: {  	_ =	swait.ge [sflag:s23], $0x1  }
0xa6: {  	[sflag:s23] =	ssyncset.done $0x0  }
0xa7: {  	s25 =	simm.s32 $0x1B8E;
	s24 =	sld [smem:$0x3FFE];
	[sflag:s23] =	ssyncadd.s32 $0xFFFFFFFF  }
0xa8: {  	s26 =	simm.s32 $execute0_lowered;
	[smem:$0x3FD2] =	sst s25  }
0xa9: {  	s8 =	sshll.u32 s26, $0x1;
	_ =	strace $0x80000046;
	[dreg:$0x1] =	wrdreg $0xFFFFFFFF  }
0xaa: {  	s28 =	simm.s32 $_size_execute0_lowered;
	s6 =	sadd.s32 s6, s8;
	[dreg:$0x0] =	wrdreg $0x0  }
0xab: {  	s8 =	sshll.u32 s28, $0x1;
	[dreg:$0x2] =	wrdreg s6  }
0xac: {  	[dreg:$0x3] =	wrdreg s8  }
0xad: {  	[dreg:$0x4] =	wrdreg $0xC0  }
0xae: {  	_ =	task [dreg:s10], $0x5FFFF  }
0xaf: {  	[dreg:$0x1] =	wrdreg $0xFFFFFFFF  }
0xb0: {  	[dreg:$0x0] =	wrdreg $0x60  }
0xb1: {  	[dreg:$0x2] =	wrdreg s2  }
0xb2: {  	[dreg:$0x3] =	wrdreg s18  }
0xb3: {  	[dreg:$0x4] =	wrdreg s4  }
0xb4: {  	[dreg:$0x5] =	wrdreg s5  }
0xb5: {  	[dreg:$0x6] =	wrdreg s24  }
0xb6: {  	[dreg:$0x7] =	wrdreg $0x9  }
0xb7: {  	_ =	task.clear_ibuf [dreg:s10], $0x8FFFF;
	_ =	strace $0x90000046  }
0xb8: {  	s29 =	simm.s32 $0x9;
	_ =	strace $0x80000048  }
0xb9: {  	_ =	swait.ge [sflag:s29], $0x1  }
0xba: {  	[sflag:s29] =	ssyncadd.s32 $0xFFFFFFFF  }
0xbb: {  	_ =	strace $0x90000048  }
0xbc: {  	_ =	sfence  }
0xbd: {  	s30 =	sld [smem:$0x0];
	_ =	sdelay $0x2  }
0xbe: {  	s31 =	sshll.u32 s1, $0xD;
	s1 =	sshrl.u32 s1, $0x2  }
0xbf: {  	s3 =	sand.u32 $0x4000, s31;
	s1 =	sadd.s32 s1, s30  }
0xc0: {  	s0 =	sor.u32 s3, s0;
	s1 =	sshll.u32 s1, $0x11  }
0xc1: {  	s0 =	sor.u32 s1, s0  }
0xc2: {  	s0 =	sadd.s32 $0x8F2B, s0  }
0xc3: {  	[sflag:s0] =	ssyncadd.remote.s32 $0x1  }
0xc4: {  	_ =	sfence.sel $0xFFFF  }
0xc5: {  	[dreg:$0x0] =	wrdreg $0xFFFFFFFF;
	(pc) =	sbr.abs _section_cstart, $3  }
0xc6: {  	[dreg:$0x1] =	wrdreg $0xFFFFFFFF  }
0xc7: {  	_ =	task.clear_ibuf [dreg:s10], $0x2FFFF;
	_ =	strace $0x9FFFFFFF  }
0xc8: {  	(tm) =	ssettm $0x7FFFFFFF  }
0xc9: {  	_ =	shalt  }
tec
execute0_lowered:
.L_overlay_start_1:
0x0: {  	(tag) =	ssettag $0x1  }
0x1: {  	s0 =	rddreg [dreg:$0x0]  }
0x2: {  	s2 =	rddreg [dreg:$0x1]  }
0x3: {  	s1 =	rddreg [dreg:$0x2]  }
0x4: {  	s4 =	srdreg.scid;
	s3 =	rddreg [dreg:$0x3]  }
0x5: {  	s6 =	rddreg [dreg:$0x4];
	s5 =	sand.u32 $0x1, s4;
	s4 =	simm.s32 $0x0  }
0x6: {  	s26 =	simm.s32 $0x100;
	[smem:$0x7FF] =	sst s4  }
0x7: {  	s28 =	simm.s32 $0x4600;
	_ =	strace $0x80000047;
	[dreg:$0x8] =	wrdreg s26  }
0x8: {  	s29 =	simm.s32 $0x4E00;
	[dreg:$0x9] =	wrdreg s28  }
0x9: {  	s30 =	simm.s32 $0x5600;
	[dreg:$0xa] =	wrdreg s29  }
0xa: {  	s9 =	simm.s32 $0x5E00;
	[dreg:$0xb] =	wrdreg s30  }
0xb: {  	s10 =	simm.s32 $0x6600;
	[dreg:$0xc] =	wrdreg s9  }
0xc: {  	s11 =	simm.s32 $0x6E00;
	[dreg:$0xd] =	wrdreg s10  }
0xd: {  	s13 =	simm.s32 $0x7600;
	[dreg:$0xe] =	wrdreg s11  }
0xe: {  	s14 =	simm.s32 $0x7E00;
	[dreg:$0xf] =	wrdreg s13  }
0xf: {  	s15 =	simm.s32 $0x10600;
	[dreg:$0x10] =	wrdreg s14  }
0x10: {  	s18 =	simm.s32 $0x10E00;
	[dreg:$0x11] =	wrdreg s15  }
0x11: {  	s23 =	simm.s32 $0x11600;
	[dreg:$0x12] =	wrdreg s18  }
0x12: {  	[dreg:$0x13] =	wrdreg s23;
	s9 =	simm.s32 $0x11E00  }
0x13: {  	s26 =	simm.s32 $0x12600;
	[dreg:$0x14] =	wrdreg s9  }
0x14: {  	s10 =	simm.s32 $0x12E00;
	[dreg:$0x15] =	wrdreg s26  }
0x15: {  	s11 =	simm.s32 $0x13600;
	[dreg:$0x16] =	wrdreg s10  }
0x16: {  	s13 =	simm.s32 $0x13E00;
	[dreg:$0x17] =	wrdreg s11  }
0x17: {  	s7 =	stileid.u32;
	s14 =	simm.s32 $0x9600;
	[dreg:$0x18] =	wrdreg s13  }
0x18: {  	s7 =	sshll.u32 s7, $0x9;
	s15 =	simm.s32 $0x9E00;
	[dreg:$0x1b] =	wrdreg s14  }
0x19: {  	s19 =	sadd.s32 $0x42200, s6;
	s18 =	simm.s32 $0xA600;
	[dreg:$0x1c] =	wrdreg s15  }
0x1a: {  	s20 =	sadd.s32 $0x62200, s6;
	s23 =	simm.s32 $0x14E00;
	[dreg:$0x1d] =	wrdreg s18  }
0x1b: {  	s8 =	sshll.u32 s5, $0x8;
	s14 =	simm.s32 $0xB600;
	[smem:$0x7F7] =	sst s23  }
0x1c: {  	s7 =	sor.u32 s8, s7;
	s15 =	simm.s32 $0xBE00;
	[dreg:$0x1f] =	wrdreg s14  }
0x1d: {  	s8 =	sshrl.u32 s7, $0x3;
	s26 =	simm.s32 $0x16600;
	[smem:$0x7F5] =	sst s15  }
0x1e: {  	s5 =	ssub.s32 $0x2, s5;
	s0 =	sadd.s32 s0, s8;
	[smem:$0x7FA] =	sst s26  }
0x1f: {  	s17 =	sshll.u32 s7, $0x4;
	s25 =	sadd.s32 s2, s8;
	[dreg:$0x6] =	wrdreg s0  }
0x20: {  	s12 =	sshrl.u32 s5, $0x1;
	s24 =	sadd.s32 s19, s17;
	[dreg:$0x7] =	wrdreg s25  }
0x21: {  	s2 =	sadd.s32 $0x22200, s6;
	s8 =	simm.s32 $0x8E00;
	[smem:$0x7EB] =	sst s24  }
0x22: {  	s21 =	ssub.s32 s5, s12;
	s22 =	sadd.s32 s2, s17;
	[dreg:$0x1a] =	wrdreg s8  }
0x23: {  	s12 =	sor.u32 $0x400, s17;
	s25 =	sadd.s32 s20, s17;
	[smem:$0x7EA] =	sst s22  }
0x24: {  	s29 =	sadd.s32 s2, s12;
	[smem:$0x7EC] =	sst s25  }
0x25: {  	s30 =	sadd.s32 s19, s12;
	[smem:$0x7EE] =	sst s29  }
0x26: {  	s7 =	sadd.s32 s20, s12;
	[smem:$0x7EF] =	sst s30  }
0x27: {  	s0 =	sadd.s32 $0x2200, s6;
	s6 =	simm.s32 $0x8600;
	[smem:$0x7F0] =	sst s7  }
0x28: {  	s24 =	simm.s32 $0x15600;
	[dreg:$0x19] =	wrdreg s6  }
0x29: {  	s16 =	sadd.s32 s0, s17;
	[smem:$0x7F8] =	sst s24  }
0x2a: {  	s28 =	sadd.s32 s0, s12;
	[smem:$0x7E9] =	sst s16  }
0x2b: {  	s12 =	simm.s32 $0xAE00;
	[smem:$0x7ED] =	sst s28  }
0x2c: {  	s25 =	simm.s32 $0x15E00;
	[dreg:$0x1e] =	wrdreg s12  }
0x2d: {  	s31 =	simm.s32 $0x1;
	s29 =	simm.s32 $0x17600;
	[smem:$0x7F9] =	sst s25  }
0x2e: {  	s21 =	smax.u32 s21, $0x1;
	s30 =	simm.s32 $0x17E00;
	[smem:$0x7FC] =	sst s29  }
0x2f: {  	s16 =	sor.u32 $0x800, s17;
	s28 =	simm.s32 $0x16E00;
	[smem:$0x7FD] =	sst s30  }
0x30: {  	s22 =	sor.u32 $0xC00, s17;
	s9 =	sadd.s32 s0, s16;
	[smem:$0x7FB] =	sst s28  }
0x31: {  	s17 =	sadd.s32 s0, s22;
	s10 =	sadd.s32 s2, s16;
	[smem:$0x7F1] =	sst s9  }
0x32: {  	s18 =	sadd.s32 s2, s22;
	s11 =	sadd.s32 s19, s16;
	[smem:$0x7F2] =	sst s10  }
0x33: {  	v2 =	vlaneseq.u32;
	s13 =	sadd.s32 s20, s16;
	s16 =	simm.s32 $0x14600;
	[smem:$0x7F3] =	sst s11  }
0x34: {  	vm0 =	vmmov $0xffff;
	v1 =	vshrl.u32 v2, $0x3;
	s19 =	sadd.s32 s19, s22;
	s20 =	sadd.s32 s20, s22;
	[smem:$0x7F4] =	sst s13  }
0x35: {  	v0 =	vand.u32 $0x7, v2;
	v2 =	vor.u32 $0x8, v2;
	v1 =	vmul.u32 $0x8, v1;
	s2 =	simm.s32 $0x3;
	[smem:$0x7F6] =	sst s16;
	s16 =	simm.s32 $0xF200  }
.LBB2_1:
0x36: {  	s0 =	rddreg [dreg:$0x6];
	s22 =	simm.s32 $0x4  }
0x37: {  	[tilespmem:s4], [sflag:$0x4] =	stream.linear.gather [hbm4b:s0+s4], $0x100, $0x38;
	[tilespmem:$0x18200] =	vst v63  }
0x38: {  	_ =	swait.ge [sflag:s22], $0x100  }
0x39: {  	s15 =	rddreg [dreg:$0x7];
	[sflag:s22] =	ssyncset.done $0x0  }
0x3a: {  	s23 =	rddreg [dreg:$0x8];
	[sflag:s22] =	ssyncadd.s32 $0xFFFFFF00  }
0x3b: {  	[tilespmem:s23], [sflag:$0x4] =	stream.linear.gather [hbm4b:s15+s4], $0x100, $0x38;
	[tilespmem:$0x18200] =	vst v63  }
0x3c: {  	_ =	swait.ge [sflag:s22], $0x100  }
0x3d: {  	[sflag:s22] =	ssyncset.done $0x0  }
0x3e: {  	[sflag:s22] =	ssyncadd.s32 $0xFFFFFF00  }
0x3f: {  	v3 =	vld [tilespmem:$0x0];
	_ =	sdelay $0x4  }
0x40: {  	v4 =	vshll.u32 v3, $0x1  }
0x41: {  	v3 =	vand.u32 $0x7, v3;
	v4 =	vand.u32 $0xFFFFFFF0, v4  }
0x42: {  	v3 =	vor.u32 v3, v4  }
0x43: {  	v4 =	vperm.xlane v3, v0;
	_ =	sdelay $0x1  }
0x44: {  	v3 =	vperm.xlane v3, v2;
	v4 =	vadd.s32 v1, v4;
	_ =	sdelay $0x1  }
0x45: {  	v3 =	vadd.s32 v1, v3;
	_ =	sdelay $0x1  }
0x46: {  	s23 =	simm.s32 $0x200  }
0x47: {  	[tilespmem:s23], [sflag:$0x1] =	stream.indirect_vreg.gather [hbm4b:s1+s4], $0x80, v4, vm0, $0xb8;
	[tilespmem:$0x18200] =	vst v63  }
0x48: {  	s24 =	simm.s32 $0xA00  }
0x49: {  	[tilespmem:s24], [sflag:$0x1] =	stream.indirect_vreg.gather [hbm4b:s1+s4], $0x80, v3, vm0, $0xb8;
	[tilespmem:$0x18200] =	vst v63  }
0x4a: {  	v3 =	vld [tilespmem:$0x10];
	_ =	sdelay $0x4  }
0x4b: {  	v33 =	vshll.u32 v3, $0x1  }
0x4c: {  	v3 =	vand.u32 $0x7, v3;
	v4 =	vand.u32 $0xFFFFFFF0, v33  }
0x4d: {  	v3 =	vor.u32 v3, v4  }
0x4e: {  	v4 =	vperm.xlane v3, v0;
	_ =	sdelay $0x1  }
0x4f: {  	v3 =	vperm.xlane v3, v2;
	v4 =	vadd.s32 v1, v4;
	_ =	sdelay $0x1  }
0x50: {  	v3 =	vadd.s32 v1, v3;
	_ =	sdelay $0x1  }
0x51: {  	s25 =	simm.s32 $0x1200  }
0x52: {  	[tilespmem:s25], [sflag:$0x1] =	stream.indirect_vreg.gather [hbm4b:s1+s4], $0x80, v4, vm0, $0xb8;
	[tilespmem:$0x18200] =	vst v63  }
0x53: {  	s26 =	simm.s32 $0x1A00  }
0x54: {  	[tilespmem:s26], [sflag:$0x1] =	stream.indirect_vreg.gather [hbm4b:s1+s4], $0x80, v3, vm0, $0xb8;
	[tilespmem:$0x18200] =	vst v63  }
0x55: {  	v3 =	vld [tilespmem:$0x20];
	_ =	sdelay $0x4  }
0x56: {  	v34 =	vshll.u32 v3, $0x1  }
0x57: {  	v3 =	vand.u32 $0x7, v3;
	v4 =	vand.u32 $0xFFFFFFF0, v34  }
0x58: {  	v3 =	vor.u32 v3, v4  }
0x59: {  	v4 =	vperm.xlane v3, v0;
	_ =	sdelay $0x1  }
0x5a: {  	v3 =	vperm.xlane v3, v2;
	v4 =	vadd.s32 v1, v4;
	_ =	sdelay $0x1  }
0x5b: {  	v3 =	vadd.s32 v1, v3;
	_ =	sdelay $0x1  }
0x5c: {  	s28 =	simm.s32 $0x2200  }
0x5d: {  	[tilespmem:s28], [sflag:$0x1] =	stream.indirect_vreg.gather [hbm4b:s1+s4], $0x80, v4, vm0, $0xb8;
	[tilespmem:$0x18200] =	vst v63  }
0x5e: {  	s29 =	simm.s32 $0x2A00  }
0x5f: {  	[tilespmem:s29], [sflag:$0x1] =	stream.indirect_vreg.gather [hbm4b:s1+s4], $0x80, v3, vm0, $0xb8;
	[tilespmem:$0x18200] =	vst v63  }
0x60: {  	v3 =	vld [tilespmem:$0x30];
	_ =	sdelay $0x4  }
0x61: {  	v35 =	vshll.u32 v3, $0x1  }
0x62: {  	v3 =	vand.u32 $0x7, v3;
	v4 =	vand.u32 $0xFFFFFFF0, v35  }
0x63: {  	v3 =	vor.u32 v3, v4  }
0x64: {  	v4 =	vperm.xlane v3, v0;
	_ =	sdelay $0x1  }
0x65: {  	v3 =	vperm.xlane v3, v2;
	v4 =	vadd.s32 v1, v4;
	_ =	sdelay $0x1  }
0x66: {  	v3 =	vadd.s32 v1, v3;
	_ =	sdelay $0x1  }
0x67: {  	s30 =	simm.s32 $0x3200  }
0x68: {  	[tilespmem:s30], [sflag:$0x1] =	stream.indirect_vreg.gather [hbm4b:s1+s4], $0x80, v4, vm0, $0xb8;
	[tilespmem:$0x18200] =	vst v63  }
0x69: {  	s5 =	simm.s32 $0x3A00  }
0x6a: {  	[tilespmem:s5], [sflag:$0x1] =	stream.indirect_vreg.gather [hbm4b:s1+s4], $0x80, v3, vm0, $0xb8;
	[tilespmem:$0x18200] =	vst v63  }
0x6b: {  	v3 =	vld [tilespmem:$0x100];
	_ =	sdelay $0x4  }
0x6c: {  	v36 =	vshll.u32 v3, $0x1  }
0x6d: {  	v3 =	vand.u32 $0x7, v3;
	v4 =	vand.u32 $0xFFFFFFF0, v36  }
0x6e: {  	v3 =	vor.u32 v3, v4  }
0x6f: {  	v4 =	vperm.xlane v3, v0;
	_ =	sdelay $0x1  }
0x70: {  	v3 =	vperm.xlane v3, v2;
	v4 =	vadd.s32 v1, v4;
	_ =	sdelay $0x1  }
0x71: {  	v3 =	vadd.s32 v1, v3;
	_ =	sdelay $0x1  }
0x72: {  	s6 =	simm.s32 $0xC200  }
0x73: {  	[tilespmem:s6], [sflag:$0x2] =	stream.indirect_vreg.gather [hbm4b:s3+s4], $0x80, v4, vm0, $0xb8;
	[tilespmem:$0x18200] =	vst v63  }
0x74: {  	s7 =	simm.s32 $0xCA00  }
0x75: {  	[tilespmem:s7], [sflag:$0x2] =	stream.indirect_vreg.gather [hbm4b:s3+s4], $0x80, v3, vm0, $0xb8;
	[tilespmem:$0x18200] =	vst v63  }
0x76: {  	v3 =	vld [tilespmem:$0x110];
	_ =	sdelay $0x4  }
0x77: {  	v37 =	vshll.u32 v3, $0x1  }
0x78: {  	v3 =	vand.u32 $0x7, v3;
	v4 =	vand.u32 $0xFFFFFFF0, v37  }
0x79: {  	v3 =	vor.u32 v3, v4  }
0x7a: {  	v4 =	vperm.xlane v3, v0;
	_ =	sdelay $0x1  }
0x7b: {  	v3 =	vperm.xlane v3, v2;
	v4 =	vadd.s32 v1, v4;
	_ =	sdelay $0x1  }
0x7c: {  	v3 =	vadd.s32 v1, v3;
	_ =	sdelay $0x1  }
0x7d: {  	s8 =	simm.s32 $0xD200  }
0x7e: {  	[tilespmem:s8], [sflag:$0x2] =	stream.indirect_vreg.gather [hbm4b:s3+s4], $0x80, v4, vm0, $0xb8;
	[tilespmem:$0x18200] =	vst v63  }
0x7f: {  	s9 =	simm.s32 $0xDA00  }
0x80: {  	[tilespmem:s9], [sflag:$0x2] =	stream.indirect_vreg.gather [hbm4b:s3+s4], $0x80, v3, vm0, $0xb8;
	[tilespmem:$0x18200] =	vst v63  }
0x81: {  	v3 =	vld [tilespmem:$0x120];
	_ =	sdelay $0x4  }
0x82: {  	v38 =	vshll.u32 v3, $0x1  }
0x83: {  	v3 =	vand.u32 $0x7, v3;
	v4 =	vand.u32 $0xFFFFFFF0, v38  }
0x84: {  	v3 =	vor.u32 v3, v4  }
0x85: {  	v4 =	vperm.xlane v3, v0;
	_ =	sdelay $0x1  }
0x86: {  	v3 =	vperm.xlane v3, v2;
	v4 =	vadd.s32 v1, v4;
	_ =	sdelay $0x1  }
0x87: {  	v3 =	vadd.s32 v1, v3;
	_ =	sdelay $0x1  }
0x88: {  	s10 =	simm.s32 $0xE200  }
0x89: {  	[tilespmem:s10], [sflag:$0x2] =	stream.indirect_vreg.gather [hbm4b:s3+s4], $0x80, v4, vm0, $0xb8;
	[tilespmem:$0x18200] =	vst v63  }
0x8a: {  	s11 =	simm.s32 $0xEA00  }
0x8b: {  	[tilespmem:s11], [sflag:$0x2] =	stream.indirect_vreg.gather [hbm4b:s3+s4], $0x80, v3, vm0, $0xb8;
	[tilespmem:$0x18200] =	vst v63  }
0x8c: {  	v3 =	vld [tilespmem:$0x130];
	_ =	sdelay $0x4  }
0x8d: {  	v39 =	vshll.u32 v3, $0x1  }
0x8e: {  	v3 =	vand.u32 $0x7, v3;
	v4 =	vand.u32 $0xFFFFFFF0, v39  }
0x8f: {  	v3 =	vor.u32 v3, v4  }
0x90: {  	v4 =	vperm.xlane v3, v0;
	_ =	sdelay $0x1  }
0x91: {  	v3 =	vperm.xlane v3, v2;
	v4 =	vadd.s32 v1, v4;
	_ =	sdelay $0x1  }
0x92: {  	v3 =	vadd.s32 v1, v3;
	_ =	sdelay $0x1  }
0x93: {  	s12 =	simm.s32 $0xF200  }
0x94: {  	[tilespmem:s12], [sflag:$0x2] =	stream.indirect_vreg.gather [hbm4b:s3+s4], $0x80, v4, vm0, $0xb8;
	[tilespmem:$0x18200] =	vst v63  }
0x95: {  	s13 =	simm.s32 $0xFA00  }
0x96: {  	[tilespmem:s13], [sflag:$0x2] =	stream.indirect_vreg.gather [hbm4b:s3+s4], $0x80, v3, vm0, $0xb8;
	[tilespmem:$0x18200] =	vst v63  }
0x97: {  	v3 =	vld [tilespmem:$0x40];
	_ =	sdelay $0x4  }
0x98: {  	v40 =	vshll.u32 v3, $0x1  }
0x99: {  	v3 =	vand.u32 $0x7, v3;
	v4 =	vand.u32 $0xFFFFFFF0, v40  }
0x9a: {  	v3 =	vor.u32 v3, v4  }
0x9b: {  	v4 =	vperm.xlane v3, v0;
	_ =	sdelay $0x1  }
0x9c: {  	v3 =	vperm.xlane v3, v2;
	v4 =	vadd.s32 v1, v4;
	_ =	sdelay $0x1  }
0x9d: {  	v3 =	vadd.s32 v1, v3;
	_ =	sdelay $0x1  }
0x9e: {  	s14 =	simm.s32 $0x4200  }
0x9f: {  	[tilespmem:s14], [sflag:$0x1] =	stream.indirect_vreg.gather [hbm4b:s1+s4], $0x80, v4, vm0, $0xb8;
	[tilespmem:$0x18200] =	vst v63  }
0xa0: {  	s15 =	simm.s32 $0x4A00  }
0xa1: {  	[tilespmem:s15], [sflag:$0x1] =	stream.indirect_vreg.gather [hbm4b:s1+s4], $0x80, v3, vm0, $0xb8;
	[tilespmem:$0x18200] =	vst v63  }
0xa2: {  	v3 =	vld [tilespmem:$0x50];
	_ =	sdelay $0x4  }
0xa3: {  	v41 =	vshll.u32 v3, $0x1  }
0xa4: {  	v3 =	vand.u32 $0x7, v3;
	v4 =	vand.u32 $0xFFFFFFF0, v41  }
0xa5: {  	v3 =	vor.u32 v3, v4  }
0xa6: {  	v4 =	vperm.xlane v3, v0;
	_ =	sdelay $0x1  }
0xa7: {  	v3 =	vperm.xlane v3, v2;
	v4 =	vadd.s32 v1, v4;
	_ =	sdelay $0x1  }
0xa8: {  	v3 =	vadd.s32 v1, v3;
	_ =	sdelay $0x1  }
0xa9: {  	s22 =	simm.s32 $0x5200  }
0xaa: {  	[tilespmem:s22], [sflag:$0x1] =	stream.indirect_vreg.gather [hbm4b:s1+s4], $0x80, v4, vm0, $0xb8;
	[tilespmem:$0x18200] =	vst v63  }
0xab: {  	s23 =	simm.s32 $0x5A00  }
0xac: {  	[tilespmem:s23], [sflag:$0x1] =	stream.indirect_vreg.gather [hbm4b:s1+s4], $0x80, v3, vm0, $0xb8;
	[tilespmem:$0x18200] =	vst v63  }
0xad: {  	v3 =	vld [tilespmem:$0x60];
	_ =	sdelay $0x4  }
0xae: {  	v42 =	vshll.u32 v3, $0x1  }
0xaf: {  	v3 =	vand.u32 $0x7, v3;
	v4 =	vand.u32 $0xFFFFFFF0, v42  }
0xb0: {  	v3 =	vor.u32 v3, v4  }
0xb1: {  	v4 =	vperm.xlane v3, v0;
	_ =	sdelay $0x1  }
0xb2: {  	v3 =	vperm.xlane v3, v2;
	v4 =	vadd.s32 v1, v4;
	_ =	sdelay $0x1  }
0xb3: {  	v3 =	vadd.s32 v1, v3;
	_ =	sdelay $0x1  }
0xb4: {  	s24 =	simm.s32 $0x6200  }
0xb5: {  	[tilespmem:s24], [sflag:$0x1] =	stream.indirect_vreg.gather [hbm4b:s1+s4], $0x80, v4, vm0, $0xb8;
	[tilespmem:$0x18200] =	vst v63  }
0xb6: {  	s25 =	simm.s32 $0x6A00  }
0xb7: {  	[tilespmem:s25], [sflag:$0x1] =	stream.indirect_vreg.gather [hbm4b:s1+s4], $0x80, v3, vm0, $0xb8;
	[tilespmem:$0x18200] =	vst v63  }
0xb8: {  	v3 =	vld [tilespmem:$0x70];
	_ =	sdelay $0x4  }
0xb9: {  	v43 =	vshll.u32 v3, $0x1  }
0xba: {  	v3 =	vand.u32 $0x7, v3;
	v4 =	vand.u32 $0xFFFFFFF0, v43  }
0xbb: {  	v3 =	vor.u32 v3, v4  }
0xbc: {  	v4 =	vperm.xlane v3, v0;
	_ =	sdelay $0x1  }
0xbd: {  	v3 =	vperm.xlane v3, v2;
	v4 =	vadd.s32 v1, v4;
	_ =	sdelay $0x1  }
0xbe: {  	v3 =	vadd.s32 v1, v3;
	_ =	sdelay $0x1  }
0xbf: {  	s23 =	simm.s32 $0x7200  }
0xc0: {  	[tilespmem:s23], [sflag:$0x1] =	stream.indirect_vreg.gather [hbm4b:s1+s4], $0x80, v4, vm0, $0xb8;
	[tilespmem:$0x18200] =	vst v63  }
0xc1: {  	s26 =	simm.s32 $0x7A00  }
0xc2: {  	[tilespmem:s26], [sflag:$0x1] =	stream.indirect_vreg.gather [hbm4b:s1+s4], $0x80, v3, vm0, $0xb8;
	[tilespmem:$0x18200] =	vst v63  }
0xc3: {  	v3 =	vld [tilespmem:$0x140];
	_ =	sdelay $0x4  }
0xc4: {  	v44 =	vshll.u32 v3, $0x1  }
0xc5: {  	v3 =	vand.u32 $0x7, v3;
	v4 =	vand.u32 $0xFFFFFFF0, v44  }
0xc6: {  	v3 =	vor.u32 v3, v4  }
0xc7: {  	v4 =	vperm.xlane v3, v0;
	_ =	sdelay $0x1  }
0xc8: {  	v3 =	vperm.xlane v3, v2;
	v4 =	vadd.s32 v1, v4;
	_ =	sdelay $0x1  }
0xc9: {  	v3 =	vadd.s32 v1, v3;
	_ =	sdelay $0x1  }
0xca: {  	s28 =	simm.s32 $0x10200  }
0xcb: {  	[tilespmem:s28], [sflag:$0x2] =	stream.indirect_vreg.gather [hbm4b:s3+s4], $0x80, v4, vm0, $0xb8;
	[tilespmem:$0x18200] =	vst v63  }
0xcc: {  	s29 =	simm.s32 $0x10A00  }
0xcd: {  	[tilespmem:s29], [sflag:$0x2] =	stream.indirect_vreg.gather [hbm4b:s3+s4], $0x80, v3, vm0, $0xb8;
	[tilespmem:$0x18200] =	vst v63  }
0xce: {  	v3 =	vld [tilespmem:$0x150];
	_ =	sdelay $0x4  }
0xcf: {  	v45 =	vshll.u32 v3, $0x1  }
0xd0: {  	v3 =	vand.u32 $0x7, v3;
	v4 =	vand.u32 $0xFFFFFFF0, v45  }
0xd1: {  	v3 =	vor.u32 v3, v4  }
0xd2: {  	v4 =	vperm.xlane v3, v0;
	_ =	sdelay $0x1  }
0xd3: {  	v3 =	vperm.xlane v3, v2;
	v4 =	vadd.s32 v1, v4;
	_ =	sdelay $0x1  }
0xd4: {  	v3 =	vadd.s32 v1, v3;
	_ =	sdelay $0x1  }
0xd5: {  	s30 =	simm.s32 $0x11200  }
0xd6: {  	[tilespmem:s30], [sflag:$0x2] =	stream.indirect_vreg.gather [hbm4b:s3+s4], $0x80, v4, vm0, $0xb8;
	[tilespmem:$0x18200] =	vst v63  }
0xd7: {  	s5 =	simm.s32 $0x11A00  }
0xd8: {  	[tilespmem:s5], [sflag:$0x2] =	stream.indirect_vreg.gather [hbm4b:s3+s4], $0x80, v3, vm0, $0xb8;
	[tilespmem:$0x18200] =	vst v63  }
0xd9: {  	v3 =	vld [tilespmem:$0x160];
	_ =	sdelay $0x4  }
0xda: {  	v46 =	vshll.u32 v3, $0x1  }
0xdb: {  	v3 =	vand.u32 $0x7, v3;
	v4 =	vand.u32 $0xFFFFFFF0, v46  }
0xdc: {  	v3 =	vor.u32 v3, v4  }
0xdd: {  	v4 =	vperm.xlane v3, v0;
	_ =	sdelay $0x1  }
0xde: {  	v3 =	vperm.xlane v3, v2;
	v4 =	vadd.s32 v1, v4;
	_ =	sdelay $0x1  }
0xdf: {  	v3 =	vadd.s32 v1, v3;
	_ =	sdelay $0x1  }
0xe0: {  	s6 =	simm.s32 $0x12200  }
0xe1: {  	[tilespmem:s6], [sflag:$0x2] =	stream.indirect_vreg.gather [hbm4b:s3+s4], $0x80, v4, vm0, $0xb8;
	[tilespmem:$0x18200] =	vst v63  }
0xe2: {  	s7 =	simm.s32 $0x12A00  }
0xe3: {  	[tilespmem:s7], [sflag:$0x2] =	stream.indirect_vreg.gather [hbm4b:s3+s4], $0x80, v3, vm0, $0xb8;
	[tilespmem:$0x18200] =	vst v63  }
0xe4: {  	v3 =	vld [tilespmem:$0x170];
	_ =	sdelay $0x4  }
0xe5: {  	v47 =	vshll.u32 v3, $0x1  }
0xe6: {  	v3 =	vand.u32 $0x7, v3;
	v4 =	vand.u32 $0xFFFFFFF0, v47  }
0xe7: {  	v3 =	vor.u32 v3, v4  }
0xe8: {  	v4 =	vperm.xlane v3, v0;
	_ =	sdelay $0x1  }
0xe9: {  	v3 =	vperm.xlane v3, v2;
	v4 =	vadd.s32 v1, v4;
	_ =	sdelay $0x1  }
0xea: {  	v3 =	vadd.s32 v1, v3;
	_ =	sdelay $0x1  }
0xeb: {  	s8 =	simm.s32 $0x13200  }
0xec: {  	[tilespmem:s8], [sflag:$0x2] =	stream.indirect_vreg.gather [hbm4b:s3+s4], $0x80, v4, vm0, $0xb8;
	[tilespmem:$0x18200] =	vst v63  }
0xed: {  	s9 =	simm.s32 $0x13A00  }
0xee: {  	[tilespmem:s9], [sflag:$0x2] =	stream.indirect_vreg.gather [hbm4b:s3+s4], $0x80, v3, vm0, $0xb8;
	[tilespmem:$0x18200] =	vst v63  }
0xef: {  	v3 =	vld [tilespmem:$0x80];
	_ =	sdelay $0x4  }
0xf0: {  	v48 =	vshll.u32 v3, $0x1  }
0xf1: {  	v3 =	vand.u32 $0x7, v3;
	v4 =	vand.u32 $0xFFFFFFF0, v48  }
0xf2: {  	v3 =	vor.u32 v3, v4  }
0xf3: {  	v4 =	vperm.xlane v3, v0;
	_ =	sdelay $0x1  }
0xf4: {  	v3 =	vperm.xlane v3, v2;
	v4 =	vadd.s32 v1, v4;
	_ =	sdelay $0x1  }
0xf5: {  	v3 =	vadd.s32 v1, v3;
	_ =	sdelay $0x1  }
0xf6: {  	s10 =	simm.s32 $0x8200  }
0xf7: {  	[tilespmem:s10], [sflag:$0x1] =	stream.indirect_vreg.gather [hbm4b:s1+s4], $0x80, v4, vm0, $0xb8;
	[tilespmem:$0x18200] =	vst v63  }
0xf8: {  	s11 =	simm.s32 $0x8A00  }
0xf9: {  	[tilespmem:s11], [sflag:$0x1] =	stream.indirect_vreg.gather [hbm4b:s1+s4], $0x80, v3, vm0, $0xb8;
	[tilespmem:$0x18200] =	vst v63  }
0xfa: {  	v3 =	vld [tilespmem:$0x90];
	_ =	sdelay $0x4  }
0xfb: {  	v49 =	vshll.u32 v3, $0x1  }
0xfc: {  	v3 =	vand.u32 $0x7, v3;
	v4 =	vand.u32 $0xFFFFFFF0, v49  }
0xfd: {  	v3 =	vor.u32 v3, v4  }
0xfe: {  	v4 =	vperm.xlane v3, v0;
	_ =	sdelay $0x1  }
0xff: {  	v3 =	vperm.xlane v3, v2;
	v4 =	vadd.s32 v1, v4;
	_ =	sdelay $0x1  }
0x100: {  	v3 =	vadd.s32 v1, v3;
	_ =	sdelay $0x1  }
0x101: {  	s12 =	simm.s32 $0x9200  }
0x102: {  	[tilespmem:s12], [sflag:$0x1] =	stream.indirect_vreg.gather [hbm4b:s1+s4], $0x80, v4, vm0, $0xb8;
	[tilespmem:$0x18200] =	vst v63  }
0x103: {  	s13 =	simm.s32 $0x9A00  }
0x104: {  	[tilespmem:s13], [sflag:$0x1] =	stream.indirect_vreg.gather [hbm4b:s1+s4], $0x80, v3, vm0, $0xb8;
	[tilespmem:$0x18200] =	vst v63  }
0x105: {  	v3 =	vld [tilespmem:$0xA0];
	_ =	sdelay $0x4  }
0x106: {  	v50 =	vshll.u32 v3, $0x1  }
0x107: {  	v3 =	vand.u32 $0x7, v3;
	v4 =	vand.u32 $0xFFFFFFF0, v50  }
0x108: {  	v3 =	vor.u32 v3, v4  }
0x109: {  	v4 =	vperm.xlane v3, v0;
	_ =	sdelay $0x1  }
0x10a: {  	v3 =	vperm.xlane v3, v2;
	v4 =	vadd.s32 v1, v4;
	_ =	sdelay $0x1  }
0x10b: {  	v3 =	vadd.s32 v1, v3;
	_ =	sdelay $0x1  }
0x10c: {  	s14 =	simm.s32 $0xA200  }
0x10d: {  	[tilespmem:s14], [sflag:$0x1] =	stream.indirect_vreg.gather [hbm4b:s1+s4], $0x80, v4, vm0, $0xb8;
	[tilespmem:$0x18200] =	vst v63  }
0x10e: {  	s15 =	simm.s32 $0xAA00  }
0x10f: {  	[tilespmem:s15], [sflag:$0x1] =	stream.indirect_vreg.gather [hbm4b:s1+s4], $0x80, v3, vm0, $0xb8;
	[tilespmem:$0x18200] =	vst v63  }
0x110: {  	v3 =	vld [tilespmem:$0xB0];
	_ =	sdelay $0x4  }
0x111: {  	v51 =	vshll.u32 v3, $0x1  }
0x112: {  	v3 =	vand.u32 $0x7, v3;
	v4 =	vand.u32 $0xFFFFFFF0, v51  }
0x113: {  	v3 =	vor.u32 v3, v4  }
0x114: {  	v4 =	vperm.xlane v3, v0;
	_ =	sdelay $0x1  }
0x115: {  	v3 =	vperm.xlane v3, v2;
	v4 =	vadd.s32 v1, v4;
	_ =	sdelay $0x1  }
0x116: {  	v3 =	vadd.s32 v1, v3;
	_ =	sdelay $0x1  }
0x117: {  	s22 =	simm.s32 $0xB200  }
0x118: {  	[tilespmem:s22], [sflag:$0x1] =	stream.indirect_vreg.gather [hbm4b:s1+s4], $0x80, v4, vm0, $0xb8;
	[tilespmem:$0x18200] =	vst v63  }
0x119: {  	s24 =	simm.s32 $0xBA00  }
0x11a: {  	[tilespmem:s24], [sflag:$0x1] =	stream.indirect_vreg.gather [hbm4b:s1+s4], $0x80, v3, vm0, $0xb8;
	[tilespmem:$0x18200] =	vst v63  }
0x11b: {  	v3 =	vld [tilespmem:$0x180];
	_ =	sdelay $0x4  }
0x11c: {  	v52 =	vshll.u32 v3, $0x1  }
0x11d: {  	v3 =	vand.u32 $0x7, v3;
	v4 =	vand.u32 $0xFFFFFFF0, v52  }
0x11e: {  	v3 =	vor.u32 v3, v4  }
0x11f: {  	v4 =	vperm.xlane v3, v0;
	_ =	sdelay $0x1  }
0x120: {  	v3 =	vperm.xlane v3, v2;
	v4 =	vadd.s32 v1, v4;
	_ =	sdelay $0x1  }
0x121: {  	v3 =	vadd.s32 v1, v3;
	_ =	sdelay $0x1  }
0x122: {  	s25 =	simm.s32 $0x14200  }
0x123: {  	[tilespmem:s25], [sflag:$0x2] =	stream.indirect_vreg.gather [hbm4b:s3+s4], $0x80, v4, vm0, $0xb8;
	[tilespmem:$0x18200] =	vst v63  }
0x124: {  	s26 =	simm.s32 $0x14A00  }
0x125: {  	[tilespmem:s26], [sflag:$0x2] =	stream.indirect_vreg.gather [hbm4b:s3+s4], $0x80, v3, vm0, $0xb8;
	[tilespmem:$0x18200] =	vst v63  }
0x126: {  	v3 =	vld [tilespmem:$0x190];
	_ =	sdelay $0x4  }
0x127: {  	v53 =	vshll.u32 v3, $0x1  }
0x128: {  	v3 =	vand.u32 $0x7, v3;
	v4 =	vand.u32 $0xFFFFFFF0, v53  }
0x129: {  	v3 =	vor.u32 v3, v4  }
0x12a: {  	v4 =	vperm.xlane v3, v0;
	_ =	sdelay $0x1  }
0x12b: {  	v3 =	vperm.xlane v3, v2;
	v4 =	vadd.s32 v1, v4;
	_ =	sdelay $0x1  }
0x12c: {  	v3 =	vadd.s32 v1, v3;
	_ =	sdelay $0x1  }
0x12d: {  	s28 =	simm.s32 $0x15200  }
0x12e: {  	[tilespmem:s28], [sflag:$0x2] =	stream.indirect_vreg.gather [hbm4b:s3+s4], $0x80, v4, vm0, $0xb8;
	[tilespmem:$0x18200] =	vst v63  }
0x12f: {  	s29 =	simm.s32 $0x15A00  }
0x130: {  	[tilespmem:s29], [sflag:$0x2] =	stream.indirect_vreg.gather [hbm4b:s3+s4], $0x80, v3, vm0, $0xb8;
	[tilespmem:$0x18200] =	vst v63  }
0x131: {  	v3 =	vld [tilespmem:$0x1A0];
	_ =	sdelay $0x4  }
0x132: {  	v54 =	vshll.u32 v3, $0x1  }
0x133: {  	v3 =	vand.u32 $0x7, v3;
	v4 =	vand.u32 $0xFFFFFFF0, v54  }
0x134: {  	v3 =	vor.u32 v3, v4  }
0x135: {  	v4 =	vperm.xlane v3, v0;
	_ =	sdelay $0x1  }
0x136: {  	v3 =	vperm.xlane v3, v2;
	v4 =	vadd.s32 v1, v4;
	_ =	sdelay $0x1  }
0x137: {  	v3 =	vadd.s32 v1, v3;
	_ =	sdelay $0x1  }
0x138: {  	s30 =	simm.s32 $0x16200  }
0x139: {  	[tilespmem:s30], [sflag:$0x2] =	stream.indirect_vreg.gather [hbm4b:s3+s4], $0x80, v4, vm0, $0xb8;
	[tilespmem:$0x18200] =	vst v63  }
0x13a: {  	s5 =	simm.s32 $0x16A00  }
0x13b: {  	[tilespmem:s5], [sflag:$0x2] =	stream.indirect_vreg.gather [hbm4b:s3+s4], $0x80, v3, vm0, $0xb8;
	[tilespmem:$0x18200] =	vst v63  }
0x13c: {  	v3 =	vld [tilespmem:$0x1B0];
	_ =	sdelay $0x4  }
0x13d: {  	v55 =	vshll.u32 v3, $0x1  }
0x13e: {  	v3 =	vand.u32 $0x7, v3;
	v4 =	vand.u32 $0xFFFFFFF0, v55  }
0x13f: {  	v3 =	vor.u32 v3, v4  }
0x140: {  	v4 =	vperm.xlane v3, v0;
	_ =	sdelay $0x1  }
0x141: {  	v3 =	vperm.xlane v3, v2;
	v4 =	vadd.s32 v1, v4;
	_ =	sdelay $0x1  }
0x142: {  	v3 =	vadd.s32 v1, v3;
	_ =	sdelay $0x1  }
0x143: {  	s6 =	simm.s32 $0x17200  }
0x144: {  	[tilespmem:s6], [sflag:$0x2] =	stream.indirect_vreg.gather [hbm4b:s3+s4], $0x80, v4, vm0, $0xb8;
	[tilespmem:$0x18200] =	vst v63  }
0x145: {  	s7 =	simm.s32 $0x17A00  }
0x146: {  	[tilespmem:s7], [sflag:$0x2] =	stream.indirect_vreg.gather [hbm4b:s3+s4], $0x80, v3, vm0, $0xb8;
	[tilespmem:$0x18200] =	vst v63  }
0x147: {  	_ =	swait.ge [sflag:s31], $0x4000  }
0x148: {  	[sflag:s31] =	ssyncset.done $0x0  }
0x149: {  	s22 =	smov.u32 s21;
	s21 =	simm.s32 $0x2;
	[sflag:s31] =	ssyncadd.s32 $0xFFFFC000  }
0x14a: {  	_ =	swait.ge [sflag:s21], $0x4000  }
0x14b: {  	s5 =	sld [smem:$0x7E9]  }
0x14c: {  	[sflag:s21] =	ssyncset.done $0x0  }
0x14d: {  	s29 =	simm.s32 $0x200;
	[sflag:s21] =	ssyncadd.s32 $0xFFFFC000  }
0x14e: {  	[hbm4b:s5+s4] =	stream.linear.scatter [tilespmem:s29], [sflag:$0x3], $0x400, $0x38;
	[tilespmem:$0x18200] =	vst v63  }
0x14f: {  	s30 =	simm.s32 $0xA00;
	s8 =	sadd.s32 $0x80, s5  }
0x150: {  	[hbm4b:s8+s4] =	stream.linear.scatter [tilespmem:s30], [sflag:$0x3], $0x400, $0x38;
	[tilespmem:$0x18200] =	vst v63  }
0x151: {  	s28 =	simm.s32 $0x1200;
	s9 =	sadd.s32 $0x100, s5  }
0x152: {  	[hbm4b:s9+s4] =	stream.linear.scatter [tilespmem:s28], [sflag:$0x3], $0x400, $0x38;
	[tilespmem:$0x18200] =	vst v63  }
0x153: {  	s26 =	simm.s32 $0x1A00;
	s10 =	sadd.s32 $0x180, s5  }
0x154: {  	[hbm4b:s10+s4] =	stream.linear.scatter [tilespmem:s26], [sflag:$0x3], $0x400, $0x38;
	[tilespmem:$0x18200] =	vst v63  }
0x155: {  	s6 =	simm.s32 $0x2200;
	s11 =	sadd.s32 $0x200, s5  }
0x156: {  	[hbm4b:s11+s4] =	stream.linear.scatter [tilespmem:s6], [sflag:$0x3], $0x400, $0x38;
	[tilespmem:$0x18200] =	vst v63  }
0x157: {  	s25 =	simm.s32 $0x2A00;
	s12 =	sadd.s32 $0x280, s5  }
0x158: {  	[hbm4b:s12+s4] =	stream.linear.scatter [tilespmem:s25], [sflag:$0x3], $0x400, $0x38;
	[tilespmem:$0x18200] =	vst v63  }
0x159: {  	s13 =	sadd.s32 $0x300, s5;
	s11 =	simm.s32 $0x3200  }
0x15a: {  	[hbm4b:s13+s4] =	stream.linear.scatter [tilespmem:s11], [sflag:$0x3], $0x400, $0x38;
	[tilespmem:$0x18200] =	vst v63  }
0x15b: {  	s14 =	sadd.s32 $0x380, s5;
	s5 =	sld [smem:$0x7EA];
	s9 =	simm.s32 $0x3A00  }
0x15c: {  	[hbm4b:s14+s4] =	stream.linear.scatter [tilespmem:s9], [sflag:$0x3], $0x400, $0x38;
	[tilespmem:$0x18200] =	vst v63  }
0x15d: {  	s15 =	simm.s32 $0x600  }
0x15e: {  	[hbm4b:s5+s4] =	stream.linear.scatter [tilespmem:s15], [sflag:$0x3], $0x400, $0x38;
	[tilespmem:$0x18200] =	vst v63  }
0x15f: {  	s7 =	simm.s32 $0xE00;
	s24 =	sadd.s32 $0x80, s5  }
0x160: {  	[hbm4b:s24+s4] =	stream.linear.scatter [tilespmem:s7], [sflag:$0x3], $0x400, $0x38;
	[tilespmem:$0x18200] =	vst v63  }
0x161: {  	s8 =	simm.s32 $0x1600;
	s7 =	sadd.s32 $0x100, s5  }
0x162: {  	[hbm4b:s7+s4] =	stream.linear.scatter [tilespmem:s8], [sflag:$0x3], $0x400, $0x38;
	[tilespmem:$0x18200] =	vst v63  }
0x163: {  	s10 =	sadd.s32 $0x180, s5;
	s12 =	simm.s32 $0x1E00  }
0x164: {  	[hbm4b:s10+s4] =	stream.linear.scatter [tilespmem:s12], [sflag:$0x3], $0x400, $0x38;
	[tilespmem:$0x18200] =	vst v63  }
0x165: {  	s13 =	sadd.s32 $0x200, s5;
	s14 =	simm.s32 $0x2600  }
0x166: {  	[hbm4b:s13+s4] =	stream.linear.scatter [tilespmem:s14], [sflag:$0x3], $0x400, $0x38;
	[tilespmem:$0x18200] =	vst v63  }
0x167: {  	s15 =	sadd.s32 $0x280, s5;
	s24 =	simm.s32 $0x2E00  }
0x168: {  	[hbm4b:s15+s4] =	stream.linear.scatter [tilespmem:s24], [sflag:$0x3], $0x400, $0x38;
	[tilespmem:$0x18200] =	vst v63  }
0x169: {  	s8 =	sadd.s32 $0x300, s5;
	s10 =	simm.s32 $0x3600  }
0x16a: {  	[hbm4b:s8+s4] =	stream.linear.scatter [tilespmem:s10], [sflag:$0x3], $0x400, $0x38;
	[tilespmem:$0x18200] =	vst v63  }
0x16b: {  	s12 =	sadd.s32 $0x380, s5;
	s13 =	simm.s32 $0x3E00;
	s8 =	sld [smem:$0x7EB]  }
0x16c: {  	[hbm4b:s12+s4] =	stream.linear.scatter [tilespmem:s13], [sflag:$0x3], $0x400, $0x38;
	[tilespmem:$0x18200] =	vst v63  }
0x16d: {  	s7 =	simm.s32 $0xC200  }
0x16e: {  	[hbm4b:s8+s4] =	stream.linear.scatter [tilespmem:s7], [sflag:$0x3], $0x400, $0x38;
	[tilespmem:$0x18200] =	vst v63  }
0x16f: {  	s5 =	simm.s32 $0xCA00;
	s14 =	sadd.s32 $0x80, s8  }
0x170: {  	[hbm4b:s14+s4] =	stream.linear.scatter [tilespmem:s5], [sflag:$0x3], $0x400, $0x38;
	[tilespmem:$0x18200] =	vst v63  }
0x171: {  	s12 =	simm.s32 $0xD200;
	s15 =	sadd.s32 $0x100, s8  }
0x172: {  	[hbm4b:s15+s4] =	stream.linear.scatter [tilespmem:s12], [sflag:$0x3], $0x400, $0x38;
	[tilespmem:$0x18200] =	vst v63  }
0x173: {  	s10 =	simm.s32 $0xDA00;
	s24 =	sadd.s32 $0x180, s8  }
0x174: {  	[hbm4b:s24+s4] =	stream.linear.scatter [tilespmem:s10], [sflag:$0x3], $0x400, $0x38;
	[tilespmem:$0x18200] =	vst v63  }
0x175: {  	s13 =	sadd.s32 $0x200, s8;
	s14 =	simm.s32 $0xE200  }
0x176: {  	[hbm4b:s13+s4] =	stream.linear.scatter [tilespmem:s14], [sflag:$0x3], $0x400, $0x38;
	[tilespmem:$0x18200] =	vst v63  }
0x177: {  	s15 =	sadd.s32 $0x280, s8;
	s13 =	simm.s32 $0xEA00  }
0x178: {  	[hbm4b:s15+s4] =	stream.linear.scatter [tilespmem:s13], [sflag:$0x3], $0x400, $0x38;
	[tilespmem:$0x18200] =	vst v63  }
0x179: {  	s24 =	sadd.s32 $0x300, s8  }
0x17a: {  	[hbm4b:s24+s4] =	stream.linear.scatter [tilespmem:s16], [sflag:$0x3], $0x400, $0x38;
	[tilespmem:$0x18200] =	vst v63  }
0x17b: {  	s8 =	sadd.s32 $0x380, s8;
	s15 =	simm.s32 $0xFA00  }
0x17c: {  	[hbm4b:s8+s4] =	stream.linear.scatter [tilespmem:s15], [sflag:$0x3], $0x400, $0x38;
	[tilespmem:$0x18200] =	vst v63  }
0x17d: {  	s8 =	sld [smem:$0x7EC];
	_ =	sdelay $0x1  }
0x17e: {  	s24 =	simm.s32 $0xC600  }
0x17f: {  	[hbm4b:s8+s4] =	stream.linear.scatter [tilespmem:s24], [sflag:$0x3], $0x400, $0x38;
	[tilespmem:$0x18200] =	vst v63  }
0x180: {  	s0 =	sadd.s32 $0x80, s8;
	s24 =	simm.s32 $0xCE00  }
0x181: {  	[hbm4b:s0+s4] =	stream.linear.scatter [tilespmem:s24], [sflag:$0x3], $0x400, $0x38;
	[tilespmem:$0x18200] =	vst v63  }
0x182: {  	s0 =	sadd.s32 $0x100, s8;
	s24 =	simm.s32 $0xD600  }
0x183: {  	[hbm4b:s0+s4] =	stream.linear.scatter [tilespmem:s24], [sflag:$0x3], $0x400, $0x38;
	[tilespmem:$0x18200] =	vst v63  }
0x184: {  	s0 =	sadd.s32 $0x180, s8;
	s24 =	simm.s32 $0xDE00  }
0x185: {  	[hbm4b:s0+s4] =	stream.linear.scatter [tilespmem:s24], [sflag:$0x3], $0x400, $0x38;
	[tilespmem:$0x18200] =	vst v63  }
0x186: {  	s0 =	sadd.s32 $0x200, s8;
	s24 =	simm.s32 $0xE600  }
0x187: {  	[hbm4b:s0+s4] =	stream.linear.scatter [tilespmem:s24], [sflag:$0x3], $0x400, $0x38;
	[tilespmem:$0x18200] =	vst v63  }
0x188: {  	s0 =	sadd.s32 $0x280, s8;
	s24 =	simm.s32 $0xEE00  }
0x189: {  	[hbm4b:s0+s4] =	stream.linear.scatter [tilespmem:s24], [sflag:$0x3], $0x400, $0x38;
	[tilespmem:$0x18200] =	vst v63  }
0x18a: {  	s0 =	sadd.s32 $0x300, s8;
	s24 =	simm.s32 $0xF600  }
0x18b: {  	[hbm4b:s0+s4] =	stream.linear.scatter [tilespmem:s24], [sflag:$0x3], $0x400, $0x38;
	[tilespmem:$0x18200] =	vst v63  }
0x18c: {  	s8 =	sadd.s32 $0x380, s8;
	s24 =	simm.s32 $0xFE00  }
0x18d: {  	[hbm4b:s8+s4] =	stream.linear.scatter [tilespmem:s24], [sflag:$0x3], $0x400, $0x38;
	[tilespmem:$0x18200] =	vst v63  }
0x18e: {  	_ =	swait.ge [sflag:s2], $0x2000  }
0x18f: {  	[sflag:s2] =	ssyncset.done $0x0  }
0x190: {  	[sflag:s2] =	ssyncadd.s32 $0xFFFFE000  }
0x191: {  	_ =	swait.ge [sflag:s2], $0x2000  }
0x192: {  	[sflag:s2] =	ssyncset.done $0x0  }
0x193: {  	[sflag:s2] =	ssyncadd.s32 $0xFFFFE000  }
0x194: {  	_ =	swait.ge [sflag:s2], $0x2000  }
0x195: {  	[sflag:s2] =	ssyncset.done $0x0  }
0x196: {  	[sflag:s2] =	ssyncadd.s32 $0xFFFFE000  }
0x197: {  	_ =	swait.ge [sflag:s2], $0x2000  }
0x198: {  	[sflag:s2] =	ssyncset.done $0x0  }
0x199: {  	[sflag:s2] =	ssyncadd.s32 $0xFFFFE000  }
0x19a: {  	v3 =	vld [tilespmem:$0xC0];
	_ =	sdelay $0x4  }
0x19b: {  	v56 =	vshll.u32 v3, $0x1  }
0x19c: {  	v3 =	vand.u32 $0x7, v3;
	v4 =	vand.u32 $0xFFFFFFF0, v56  }
0x19d: {  	v3 =	vor.u32 v3, v4  }
0x19e: {  	v4 =	vperm.xlane v3, v0;
	_ =	sdelay $0x1  }
0x19f: {  	v3 =	vperm.xlane v3, v2;
	v4 =	vadd.s32 v1, v4;
	_ =	sdelay $0x1  }
0x1a0: {  	v3 =	vadd.s32 v1, v3;
	_ =	sdelay $0x2  }
0x1a1: {  	[tilespmem:s29], [sflag:$0x1] =	stream.indirect_vreg.gather [hbm4b:s1+s4], $0x80, v4, vm0, $0xb8;
	[tilespmem:$0x18200] =	vst v63  }
0x1a2: {  	_ = 	snop  }
0x1a3: {  	[tilespmem:s30], [sflag:$0x1] =	stream.indirect_vreg.gather [hbm4b:s1+s4], $0x80, v3, vm0, $0xb8;
	[tilespmem:$0x18200] =	vst v63  }
0x1a4: {  	v3 =	vld [tilespmem:$0xD0];
	_ =	sdelay $0x4  }
0x1a5: {  	v57 =	vshll.u32 v3, $0x1  }
0x1a6: {  	v3 =	vand.u32 $0x7, v3;
	v4 =	vand.u32 $0xFFFFFFF0, v57  }
0x1a7: {  	v3 =	vor.u32 v3, v4  }
0x1a8: {  	v4 =	vperm.xlane v3, v0;
	_ =	sdelay $0x1  }
0x1a9: {  	v3 =	vperm.xlane v3, v2;
	v4 =	vadd.s32 v1, v4;
	_ =	sdelay $0x1  }
0x1aa: {  	v3 =	vadd.s32 v1, v3;
	_ =	sdelay $0x2  }
0x1ab: {  	[tilespmem:s28], [sflag:$0x1] =	stream.indirect_vreg.gather [hbm4b:s1+s4], $0x80, v4, vm0, $0xb8;
	[tilespmem:$0x18200] =	vst v63  }
0x1ac: {  	_ = 	snop  }
0x1ad: {  	[tilespmem:s26], [sflag:$0x1] =	stream.indirect_vreg.gather [hbm4b:s1+s4], $0x80, v3, vm0, $0xb8;
	[tilespmem:$0x18200] =	vst v63  }
0x1ae: {  	v3 =	vld [tilespmem:$0xE0];
	_ =	sdelay $0x4  }
0x1af: {  	v58 =	vshll.u32 v3, $0x1  }
0x1b0: {  	v3 =	vand.u32 $0x7, v3;
	v4 =	vand.u32 $0xFFFFFFF0, v58  }
0x1b1: {  	v3 =	vor.u32 v3, v4  }
0x1b2: {  	v4 =	vperm.xlane v3, v0;
	_ =	sdelay $0x1  }
0x1b3: {  	v3 =	vperm.xlane v3, v2;
	v4 =	vadd.s32 v1, v4;
	_ =	sdelay $0x1  }
0x1b4: {  	v3 =	vadd.s32 v1, v3;
	_ =	sdelay $0x2  }
0x1b5: {  	[tilespmem:s6], [sflag:$0x1] =	stream.indirect_vreg.gather [hbm4b:s1+s4], $0x80, v4, vm0, $0xb8;
	[tilespmem:$0x18200] =	vst v63  }
0x1b6: {  	_ = 	snop  }
0x1b7: {  	[tilespmem:s25], [sflag:$0x1] =	stream.indirect_vreg.gather [hbm4b:s1+s4], $0x80, v3, vm0, $0xb8;
	[tilespmem:$0x18200] =	vst v63  }
0x1b8: {  	v3 =	vld [tilespmem:$0xF0];
	_ =	sdelay $0x4  }
0x1b9: {  	v59 =	vshll.u32 v3, $0x1  }
0x1ba: {  	v3 =	vand.u32 $0x7, v3;
	v4 =	vand.u32 $0xFFFFFFF0, v59  }
0x1bb: {  	v3 =	vor.u32 v3, v4  }
0x1bc: {  	v4 =	vperm.xlane v3, v0;
	_ =	sdelay $0x1  }
0x1bd: {  	v3 =	vperm.xlane v3, v2;
	v4 =	vadd.s32 v1, v4;
	_ =	sdelay $0x1  }
0x1be: {  	v3 =	vadd.s32 v1, v3;
	_ =	sdelay $0x2  }
0x1bf: {  	[tilespmem:s11], [sflag:$0x1] =	stream.indirect_vreg.gather [hbm4b:s1+s4], $0x80, v4, vm0, $0xb8;
	[tilespmem:$0x18200] =	vst v63  }
0x1c0: {  	_ = 	snop  }
0x1c1: {  	[tilespmem:s9], [sflag:$0x1] =	stream.indirect_vreg.gather [hbm4b:s1+s4], $0x80, v3, vm0, $0xb8;
	[tilespmem:$0x18200] =	vst v63  }
0x1c2: {  	v3 =	vld [tilespmem:$0x1C0];
	_ =	sdelay $0x4  }
0x1c3: {  	v60 =	vshll.u32 v3, $0x1  }
0x1c4: {  	v3 =	vand.u32 $0x7, v3;
	v4 =	vand.u32 $0xFFFFFFF0, v60  }
0x1c5: {  	v3 =	vor.u32 v3, v4  }
0x1c6: {  	v4 =	vperm.xlane v3, v0;
	_ =	sdelay $0x1  }
0x1c7: {  	v3 =	vperm.xlane v3, v2;
	v4 =	vadd.s32 v1, v4;
	_ =	sdelay $0x1  }
0x1c8: {  	v3 =	vadd.s32 v1, v3;
	_ =	sdelay $0x2  }
0x1c9: {  	[tilespmem:s7], [sflag:$0x2] =	stream.indirect_vreg.gather [hbm4b:s3+s4], $0x80, v4, vm0, $0xb8;
	[tilespmem:$0x18200] =	vst v63  }
0x1ca: {  	_ = 	snop  }
0x1cb: {  	[tilespmem:s5], [sflag:$0x2] =	stream.indirect_vreg.gather [hbm4b:s3+s4], $0x80, v3, vm0, $0xb8;
	[tilespmem:$0x18200] =	vst v63  }
0x1cc: {  	v3 =	vld [tilespmem:$0x1D0];
	_ =	sdelay $0x4  }
0x1cd: {  	v61 =	vshll.u32 v3, $0x1  }
0x1ce: {  	v3 =	vand.u32 $0x7, v3;
	v4 =	vand.u32 $0xFFFFFFF0, v61  }
0x1cf: {  	v3 =	vor.u32 v3, v4  }
0x1d0: {  	v4 =	vperm.xlane v3, v0;
	_ =	sdelay $0x1  }
0x1d1: {  	v3 =	vperm.xlane v3, v2;
	v4 =	vadd.s32 v1, v4;
	_ =	sdelay $0x1  }
0x1d2: {  	v3 =	vadd.s32 v1, v3;
	_ =	sdelay $0x2  }
0x1d3: {  	[tilespmem:s12], [sflag:$0x2] =	stream.indirect_vreg.gather [hbm4b:s3+s4], $0x80, v4, vm0, $0xb8;
	[tilespmem:$0x18200] =	vst v63  }
0x1d4: {  	_ = 	snop  }
0x1d5: {  	[tilespmem:s10], [sflag:$0x2] =	stream.indirect_vreg.gather [hbm4b:s3+s4], $0x80, v3, vm0, $0xb8;
	[tilespmem:$0x18200] =	vst v63  }
0x1d6: {  	v3 =	vld [tilespmem:$0x1E0];
	_ =	sdelay $0x4  }
0x1d7: {  	v62 =	vshll.u32 v3, $0x1  }
0x1d8: {  	v3 =	vand.u32 $0x7, v3;
	v4 =	vand.u32 $0xFFFFFFF0, v62  }
0x1d9: {  	v3 =	vor.u32 v3, v4  }
0x1da: {  	v4 =	vperm.xlane v3, v0;
	_ =	sdelay $0x1  }
0x1db: {  	v3 =	vperm.xlane v3, v2;
	v4 =	vadd.s32 v1, v4;
	_ =	sdelay $0x1  }
0x1dc: {  	v3 =	vadd.s32 v1, v3;
	_ =	sdelay $0x2  }
0x1dd: {  	[tilespmem:s14], [sflag:$0x2] =	stream.indirect_vreg.gather [hbm4b:s3+s4], $0x80, v4, vm0, $0xb8;
	[tilespmem:$0x18200] =	vst v63  }
0x1de: {  	_ = 	snop  }
0x1df: {  	[tilespmem:s13], [sflag:$0x2] =	stream.indirect_vreg.gather [hbm4b:s3+s4], $0x80, v3, vm0, $0xb8;
	[tilespmem:$0x18200] =	vst v63  }
0x1e0: {  	v3 =	vld [tilespmem:$0x1F0];
	_ =	sdelay $0x4  }
0x1e1: {  	v63 =	vshll.u32 v3, $0x1  }
0x1e2: {  	v3 =	vand.u32 $0x7, v3;
	v4 =	vand.u32 $0xFFFFFFF0, v63  }
0x1e3: {  	v3 =	vor.u32 v3, v4  }
0x1e4: {  	v4 =	vperm.xlane v3, v0;
	_ =	sdelay $0x1  }
0x1e5: {  	v3 =	vperm.xlane v3, v2;
	v4 =	vadd.s32 v1, v4;
	_ =	sdelay $0x1  }
0x1e6: {  	v3 =	vadd.s32 v1, v3;
	_ =	sdelay $0x2  }
0x1e7: {  	[tilespmem:s16], [sflag:$0x2] =	stream.indirect_vreg.gather [hbm4b:s3+s4], $0x80, v4, vm0, $0xb8;
	[tilespmem:$0x18200] =	vst v63  }
0x1e8: {  	_ = 	snop  }
0x1e9: {  	[tilespmem:s15], [sflag:$0x2] =	stream.indirect_vreg.gather [hbm4b:s3+s4], $0x80, v3, vm0, $0xb8;
	[tilespmem:$0x18200] =	vst v63  }
0x1ea: {  	_ =	swait.ge [sflag:s31], $0x4000  }
0x1eb: {  	[sflag:s31] =	ssyncset.done $0x0  }
0x1ec: {  	[sflag:s31] =	ssyncadd.s32 $0xFFFFC000  }
0x1ed: {  	_ =	swait.ge [sflag:s21], $0x4000  }
0x1ee: {  	s5 =	sld [smem:$0x7ED]  }
0x1ef: {  	[sflag:s21] =	ssyncset.done $0x0  }
0x1f0: {  	s24 =	simm.s32 $0x4200;
	[sflag:s21] =	ssyncadd.s32 $0xFFFFC000  }
0x1f1: {  	[hbm4b:s5+s4] =	stream.linear.scatter [tilespmem:s24], [sflag:$0x3], $0x400, $0x38;
	[tilespmem:$0x18200] =	vst v63  }
0x1f2: {  	s15 =	sadd.s32 $0x80, s5;
	s24 =	simm.s32 $0x4A00  }
0x1f3: {  	[hbm4b:s15+s4] =	stream.linear.scatter [tilespmem:s24], [sflag:$0x3], $0x400, $0x38;
	[tilespmem:$0x18200] =	vst v63  }
0x1f4: {  	s15 =	sadd.s32 $0x100, s5;
	s24 =	simm.s32 $0x5200  }
0x1f5: {  	[hbm4b:s15+s4] =	stream.linear.scatter [tilespmem:s24], [sflag:$0x3], $0x400, $0x38;
	[tilespmem:$0x18200] =	vst v63  }
0x1f6: {  	s15 =	sadd.s32 $0x180, s5;
	s24 =	simm.s32 $0x5A00  }
0x1f7: {  	[hbm4b:s15+s4] =	stream.linear.scatter [tilespmem:s24], [sflag:$0x3], $0x400, $0x38;
	[tilespmem:$0x18200] =	vst v63  }
0x1f8: {  	s15 =	sadd.s32 $0x200, s5;
	s24 =	simm.s32 $0x6200  }
0x1f9: {  	[hbm4b:s15+s4] =	stream.linear.scatter [tilespmem:s24], [sflag:$0x3], $0x400, $0x38;
	[tilespmem:$0x18200] =	vst v63  }
0x1fa: {  	s15 =	sadd.s32 $0x280, s5;
	s24 =	simm.s32 $0x6A00  }
0x1fb: {  	[hbm4b:s15+s4] =	stream.linear.scatter [tilespmem:s24], [sflag:$0x3], $0x400, $0x38;
	[tilespmem:$0x18200] =	vst v63  }
0x1fc: {  	s24 =	sadd.s32 $0x300, s5  }
0x1fd: {  	[hbm4b:s24+s4] =	stream.linear.scatter [tilespmem:s23], [sflag:$0x3], $0x400, $0x38;
	[tilespmem:$0x18200] =	vst v63  }
0x1fe: {  	s5 =	sadd.s32 $0x380, s5;
	s24 =	simm.s32 $0x7A00  }
0x1ff: {  	[hbm4b:s5+s4] =	stream.linear.scatter [tilespmem:s24], [sflag:$0x3], $0x400, $0x38;
	[tilespmem:$0x18200] =	vst v63  }
0x200: {  	s5 =	sld [smem:$0x7EE];
	_ =	sdelay $0x1  }
0x201: {  	s15 =	rddreg [dreg:$0x9]  }
0x202: {  	[hbm4b:s5+s4] =	stream.linear.scatter [tilespmem:s15], [sflag:$0x3], $0x400, $0x38;
	[tilespmem:$0x18200] =	vst v63  }
0x203: {  	s0 =	rddreg [dreg:$0xa];
	s15 =	sadd.s32 $0x80, s5  }
0x204: {  	[hbm4b:s15+s4] =	stream.linear.scatter [tilespmem:s0], [sflag:$0x3], $0x400, $0x38;
	[tilespmem:$0x18200] =	vst v63  }
0x205: {  	s24 =	rddreg [dreg:$0xb];
	s15 =	sadd.s32 $0x100, s5  }
0x206: {  	[hbm4b:s15+s4] =	stream.linear.scatter [tilespmem:s24], [sflag:$0x3], $0x400, $0x38;
	[tilespmem:$0x18200] =	vst v63  }
0x207: {  	s23 =	rddreg [dreg:$0xc];
	s15 =	sadd.s32 $0x180, s5  }
0x208: {  	[hbm4b:s15+s4] =	stream.linear.scatter [tilespmem:s23], [sflag:$0x3], $0x400, $0x38;
	[tilespmem:$0x18200] =	vst v63  }
0x209: {  	s24 =	rddreg [dreg:$0xd];
	s15 =	sadd.s32 $0x200, s5  }
0x20a: {  	[hbm4b:s15+s4] =	stream.linear.scatter [tilespmem:s24], [sflag:$0x3], $0x400, $0x38;
	[tilespmem:$0x18200] =	vst v63  }
0x20b: {  	s23 =	rddreg [dreg:$0xe];
	s15 =	sadd.s32 $0x280, s5  }
0x20c: {  	[hbm4b:s15+s4] =	stream.linear.scatter [tilespmem:s23], [sflag:$0x3], $0x400, $0x38;
	[tilespmem:$0x18200] =	vst v63  }
0x20d: {  	s24 =	rddreg [dreg:$0xf];
	s23 =	sadd.s32 $0x300, s5  }
0x20e: {  	[hbm4b:s23+s4] =	stream.linear.scatter [tilespmem:s24], [sflag:$0x3], $0x400, $0x38;
	[tilespmem:$0x18200] =	vst v63  }
0x20f: {  	s15 =	rddreg [dreg:$0x10];
	s5 =	sadd.s32 $0x380, s5  }
0x210: {  	[hbm4b:s5+s4] =	stream.linear.scatter [tilespmem:s15], [sflag:$0x3], $0x400, $0x38;
	[tilespmem:$0x18200] =	vst v63  }
0x211: {  	s5 =	sld [smem:$0x7EF];
	_ =	sdelay $0x1  }
0x212: {  	s15 =	simm.s32 $0x10200  }
0x213: {  	[hbm4b:s5+s4] =	stream.linear.scatter [tilespmem:s15], [sflag:$0x3], $0x400, $0x38;
	[tilespmem:$0x18200] =	vst v63  }
0x214: {  	s24 =	simm.s32 $0x10A00;
	s23 =	sadd.s32 $0x80, s5  }
0x215: {  	[hbm4b:s23+s4] =	stream.linear.scatter [tilespmem:s24], [sflag:$0x3], $0x400, $0x38;
	[tilespmem:$0x18200] =	vst v63  }
0x216: {  	s23 =	sadd.s32 $0x100, s5;
	s24 =	simm.s32 $0x11200  }
0x217: {  	[hbm4b:s23+s4] =	stream.linear.scatter [tilespmem:s24], [sflag:$0x3], $0x400, $0x38;
	[tilespmem:$0x18200] =	vst v63  }
0x218: {  	s23 =	sadd.s32 $0x180, s5;
	s24 =	simm.s32 $0x11A00  }
0x219: {  	[hbm4b:s23+s4] =	stream.linear.scatter [tilespmem:s24], [sflag:$0x3], $0x400, $0x38;
	[tilespmem:$0x18200] =	vst v63  }
0x21a: {  	s23 =	sadd.s32 $0x200, s5;
	s24 =	simm.s32 $0x12200  }
0x21b: {  	[hbm4b:s23+s4] =	stream.linear.scatter [tilespmem:s24], [sflag:$0x3], $0x400, $0x38;
	[tilespmem:$0x18200] =	vst v63  }
0x21c: {  	s23 =	sadd.s32 $0x280, s5;
	s24 =	simm.s32 $0x12A00  }
0x21d: {  	[hbm4b:s23+s4] =	stream.linear.scatter [tilespmem:s24], [sflag:$0x3], $0x400, $0x38;
	[tilespmem:$0x18200] =	vst v63  }
0x21e: {  	s23 =	sadd.s32 $0x300, s5;
	s24 =	simm.s32 $0x13200  }
0x21f: {  	[hbm4b:s23+s4] =	stream.linear.scatter [tilespmem:s24], [sflag:$0x3], $0x400, $0x38;
	[tilespmem:$0x18200] =	vst v63  }
0x220: {  	s5 =	sadd.s32 $0x380, s5;
	s24 =	simm.s32 $0x13A00  }
0x221: {  	[hbm4b:s5+s4] =	stream.linear.scatter [tilespmem:s24], [sflag:$0x3], $0x400, $0x38;
	[tilespmem:$0x18200] =	vst v63  }
0x222: {  	s5 =	sld [smem:$0x7F0];
	_ =	sdelay $0x1  }
0x223: {  	s15 =	rddreg [dreg:$0x11]  }
0x224: {  	[hbm4b:s5+s4] =	stream.linear.scatter [tilespmem:s15], [sflag:$0x3], $0x400, $0x38;
	[tilespmem:$0x18200] =	vst v63  }
0x225: {  	s0 =	rddreg [dreg:$0x12];
	s15 =	sadd.s32 $0x80, s5  }
0x226: {  	[hbm4b:s15+s4] =	stream.linear.scatter [tilespmem:s0], [sflag:$0x3], $0x400, $0x38;
	[tilespmem:$0x18200] =	vst v63  }
0x227: {  	s24 =	rddreg [dreg:$0x13];
	s15 =	sadd.s32 $0x100, s5  }
0x228: {  	[hbm4b:s15+s4] =	stream.linear.scatter [tilespmem:s24], [sflag:$0x3], $0x400, $0x38;
	[tilespmem:$0x18200] =	vst v63  }
0x229: {  	s23 =	rddreg [dreg:$0x14];
	s15 =	sadd.s32 $0x180, s5  }
0x22a: {  	[hbm4b:s15+s4] =	stream.linear.scatter [tilespmem:s23], [sflag:$0x3], $0x400, $0x38;
	[tilespmem:$0x18200] =	vst v63  }
0x22b: {  	s24 =	rddreg [dreg:$0x15];
	s15 =	sadd.s32 $0x200, s5  }
0x22c: {  	[hbm4b:s15+s4] =	stream.linear.scatter [tilespmem:s24], [sflag:$0x3], $0x400, $0x38;
	[tilespmem:$0x18200] =	vst v63  }
0x22d: {  	s23 =	rddreg [dreg:$0x16];
	s15 =	sadd.s32 $0x280, s5  }
0x22e: {  	[hbm4b:s15+s4] =	stream.linear.scatter [tilespmem:s23], [sflag:$0x3], $0x400, $0x38;
	[tilespmem:$0x18200] =	vst v63  }
0x22f: {  	s24 =	rddreg [dreg:$0x17];
	s23 =	sadd.s32 $0x300, s5  }
0x230: {  	[hbm4b:s23+s4] =	stream.linear.scatter [tilespmem:s24], [sflag:$0x3], $0x400, $0x38;
	[tilespmem:$0x18200] =	vst v63  }
0x231: {  	s15 =	rddreg [dreg:$0x18];
	s5 =	sadd.s32 $0x380, s5  }
0x232: {  	[hbm4b:s5+s4] =	stream.linear.scatter [tilespmem:s15], [sflag:$0x3], $0x400, $0x38;
	[tilespmem:$0x18200] =	vst v63  }
0x233: {  	_ =	swait.ge [sflag:s31], $0x4000  }
0x234: {  	[sflag:s31] =	ssyncset.done $0x0  }
0x235: {  	[sflag:s31] =	ssyncadd.s32 $0xFFFFC000  }
0x236: {  	_ =	swait.ge [sflag:s21], $0x4000  }
0x237: {  	s5 =	sld [smem:$0x7F1]  }
0x238: {  	[sflag:s21] =	ssyncset.done $0x0  }
0x239: {  	s15 =	simm.s32 $0x8200;
	[sflag:s21] =	ssyncadd.s32 $0xFFFFC000  }
0x23a: {  	[hbm4b:s5+s4] =	stream.linear.scatter [tilespmem:s15], [sflag:$0x3], $0x400, $0x38;
	[tilespmem:$0x18200] =	vst v63  }
0x23b: {  	s24 =	simm.s32 $0x8A00;
	s23 =	sadd.s32 $0x80, s5  }
0x23c: {  	[hbm4b:s23+s4] =	stream.linear.scatter [tilespmem:s24], [sflag:$0x3], $0x400, $0x38;
	[tilespmem:$0x18200] =	vst v63  }
0x23d: {  	s23 =	sadd.s32 $0x100, s5;
	s24 =	simm.s32 $0x9200  }
0x23e: {  	[hbm4b:s23+s4] =	stream.linear.scatter [tilespmem:s24], [sflag:$0x3], $0x400, $0x38;
	[tilespmem:$0x18200] =	vst v63  }
0x23f: {  	s23 =	sadd.s32 $0x180, s5;
	s24 =	simm.s32 $0x9A00  }
0x240: {  	[hbm4b:s23+s4] =	stream.linear.scatter [tilespmem:s24], [sflag:$0x3], $0x400, $0x38;
	[tilespmem:$0x18200] =	vst v63  }
0x241: {  	s23 =	sadd.s32 $0x200, s5;
	s24 =	simm.s32 $0xA200  }
0x242: {  	[hbm4b:s23+s4] =	stream.linear.scatter [tilespmem:s24], [sflag:$0x3], $0x400, $0x38;
	[tilespmem:$0x18200] =	vst v63  }
0x243: {  	s23 =	sadd.s32 $0x280, s5;
	s24 =	simm.s32 $0xAA00  }
0x244: {  	[hbm4b:s23+s4] =	stream.linear.scatter [tilespmem:s24], [sflag:$0x3], $0x400, $0x38;
	[tilespmem:$0x18200] =	vst v63  }
0x245: {  	s23 =	sadd.s32 $0x300, s5;
	s24 =	simm.s32 $0xB200  }
0x246: {  	[hbm4b:s23+s4] =	stream.linear.scatter [tilespmem:s24], [sflag:$0x3], $0x400, $0x38;
	[tilespmem:$0x18200] =	vst v63  }
0x247: {  	s5 =	sadd.s32 $0x380, s5;
	s24 =	simm.s32 $0xBA00  }
0x248: {  	[hbm4b:s5+s4] =	stream.linear.scatter [tilespmem:s24], [sflag:$0x3], $0x400, $0x38;
	[tilespmem:$0x18200] =	vst v63  }
0x249: {  	s5 =	sld [smem:$0x7F2]  }
0x24a: {  	s0 =	rddreg [dreg:$0x1a]  }
0x24b: {  	s15 =	rddreg [dreg:$0x19]  }
0x24c: {  	[hbm4b:s5+s4] =	stream.linear.scatter [tilespmem:s15], [sflag:$0x3], $0x400, $0x38;
	[tilespmem:$0x18200] =	vst v63  }
0x24d: {  	s23 =	rddreg [dreg:$0x1c];
	s15 =	sadd.s32 $0x80, s5  }
0x24e: {  	[hbm4b:s15+s4] =	stream.linear.scatter [tilespmem:s0], [sflag:$0x3], $0x400, $0x38;
	[tilespmem:$0x18200] =	vst v63  }
0x24f: {  	s24 =	rddreg [dreg:$0x1b];
	s15 =	sadd.s32 $0x100, s5  }
0x250: {  	[hbm4b:s15+s4] =	stream.linear.scatter [tilespmem:s24], [sflag:$0x3], $0x400, $0x38;
	[tilespmem:$0x18200] =	vst v63  }
0x251: {  	s15 =	sadd.s32 $0x180, s5;
	s24 =	rddreg [dreg:$0x1d]  }
0x252: {  	[hbm4b:s15+s4] =	stream.linear.scatter [tilespmem:s23], [sflag:$0x3], $0x400, $0x38;
	[tilespmem:$0x18200] =	vst v63  }
0x253: {  	s15 =	sadd.s32 $0x200, s5;
	s23 =	rddreg [dreg:$0x1e]  }
0x254: {  	[hbm4b:s15+s4] =	stream.linear.scatter [tilespmem:s24], [sflag:$0x3], $0x400, $0x38;
	[tilespmem:$0x18200] =	vst v63  }
0x255: {  	s15 =	sadd.s32 $0x280, s5;
	s24 =	rddreg [dreg:$0x1f]  }
0x256: {  	[hbm4b:s15+s4] =	stream.linear.scatter [tilespmem:s23], [sflag:$0x3], $0x400, $0x38;
	[tilespmem:$0x18200] =	vst v63  }
0x257: {  	s23 =	sadd.s32 $0x300, s5;
	s15 =	sld [smem:$0x7F5]  }
0x258: {  	[hbm4b:s23+s4] =	stream.linear.scatter [tilespmem:s24], [sflag:$0x3], $0x400, $0x38;
	[tilespmem:$0x18200] =	vst v63  }
0x259: {  	s5 =	sadd.s32 $0x380, s5  }
0x25a: {  	[hbm4b:s5+s4] =	stream.linear.scatter [tilespmem:s15], [sflag:$0x3], $0x400, $0x38;
	[tilespmem:$0x18200] =	vst v63  }
0x25b: {  	s5 =	sld [smem:$0x7F3];
	_ =	sdelay $0x1  }
0x25c: {  	s15 =	simm.s32 $0x14200  }
0x25d: {  	[hbm4b:s5+s4] =	stream.linear.scatter [tilespmem:s15], [sflag:$0x3], $0x400, $0x38;
	[tilespmem:$0x18200] =	vst v63  }
0x25e: {  	s24 =	simm.s32 $0x14A00;
	s23 =	sadd.s32 $0x80, s5  }
0x25f: {  	[hbm4b:s23+s4] =	stream.linear.scatter [tilespmem:s24], [sflag:$0x3], $0x400, $0x38;
	[tilespmem:$0x18200] =	vst v63  }
0x260: {  	s23 =	sadd.s32 $0x100, s5;
	s24 =	simm.s32 $0x15200  }
0x261: {  	[hbm4b:s23+s4] =	stream.linear.scatter [tilespmem:s24], [sflag:$0x3], $0x400, $0x38;
	[tilespmem:$0x18200] =	vst v63  }
0x262: {  	s23 =	sadd.s32 $0x180, s5;
	s24 =	simm.s32 $0x15A00  }
0x263: {  	[hbm4b:s23+s4] =	stream.linear.scatter [tilespmem:s24], [sflag:$0x3], $0x400, $0x38;
	[tilespmem:$0x18200] =	vst v63  }
0x264: {  	s23 =	sadd.s32 $0x200, s5;
	s24 =	simm.s32 $0x16200  }
0x265: {  	[hbm4b:s23+s4] =	stream.linear.scatter [tilespmem:s24], [sflag:$0x3], $0x400, $0x38;
	[tilespmem:$0x18200] =	vst v63  }
0x266: {  	s23 =	sadd.s32 $0x280, s5;
	s24 =	simm.s32 $0x16A00  }
0x267: {  	[hbm4b:s23+s4] =	stream.linear.scatter [tilespmem:s24], [sflag:$0x3], $0x400, $0x38;
	[tilespmem:$0x18200] =	vst v63  }
0x268: {  	s23 =	sadd.s32 $0x300, s5;
	s24 =	simm.s32 $0x17200  }
0x269: {  	[hbm4b:s23+s4] =	stream.linear.scatter [tilespmem:s24], [sflag:$0x3], $0x400, $0x38;
	[tilespmem:$0x18200] =	vst v63  }
0x26a: {  	s15 =	sld [smem:$0x7F6];
	s5 =	sadd.s32 $0x380, s5;
	s24 =	simm.s32 $0x17A00  }
0x26b: {  	[hbm4b:s5+s4] =	stream.linear.scatter [tilespmem:s24], [sflag:$0x3], $0x400, $0x38;
	[tilespmem:$0x18200] =	vst v63  }
0x26c: {  	s5 =	sld [smem:$0x7F4];
	_ =	sdelay $0x1  }
0x26d: {  	s0 =	sld [smem:$0x7F7]  }
0x26e: {  	[hbm4b:s5+s4] =	stream.linear.scatter [tilespmem:s15], [sflag:$0x3], $0x400, $0x38;
	[tilespmem:$0x18200] =	vst v63  }
0x26f: {  	s24 =	sld [smem:$0x7F8];
	s15 =	sadd.s32 $0x80, s5  }
0x270: {  	[hbm4b:s15+s4] =	stream.linear.scatter [tilespmem:s0], [sflag:$0x3], $0x400, $0x38;
	[tilespmem:$0x18200] =	vst v63  }
0x271: {  	s23 =	sld [smem:$0x7F9];
	s15 =	sadd.s32 $0x100, s5  }
0x272: {  	[hbm4b:s15+s4] =	stream.linear.scatter [tilespmem:s24], [sflag:$0x3], $0x400, $0x38;
	[tilespmem:$0x18200] =	vst v63  }
0x273: {  	s15 =	sadd.s32 $0x180, s5;
	s24 =	sld [smem:$0x7FA]  }
0x274: {  	[hbm4b:s15+s4] =	stream.linear.scatter [tilespmem:s23], [sflag:$0x3], $0x400, $0x38;
	[tilespmem:$0x18200] =	vst v63  }
0x275: {  	s15 =	sadd.s32 $0x200, s5;
	s23 =	sld [smem:$0x7FB]  }
0x276: {  	[hbm4b:s15+s4] =	stream.linear.scatter [tilespmem:s24], [sflag:$0x3], $0x400, $0x38;
	[tilespmem:$0x18200] =	vst v63  }
0x277: {  	s15 =	sadd.s32 $0x280, s5;
	s24 =	sld [smem:$0x7FC]  }
0x278: {  	[hbm4b:s15+s4] =	stream.linear.scatter [tilespmem:s23], [sflag:$0x3], $0x400, $0x38;
	[tilespmem:$0x18200] =	vst v63  }
0x279: {  	s23 =	sadd.s32 $0x300, s5;
	s15 =	sld [smem:$0x7FD]  }
0x27a: {  	[hbm4b:s23+s4] =	stream.linear.scatter [tilespmem:s24], [sflag:$0x3], $0x400, $0x38;
	[tilespmem:$0x18200] =	vst v63  }
0x27b: {  	s24 =	sadd.s32 $0x380, s5  }
0x27c: {  	[hbm4b:s24+s4] =	stream.linear.scatter [tilespmem:s15], [sflag:$0x3], $0x400, $0x38;
	[tilespmem:$0x18200] =	vst v63  }
0x27d: {  	_ =	swait.ge [sflag:s31], $0x4000  }
0x27e: {  	[sflag:s31] =	ssyncset.done $0x0  }
0x27f: {  	[sflag:s31] =	ssyncadd.s32 $0xFFFFC000  }
0x280: {  	_ =	swait.ge [sflag:s21], $0x4000  }
0x281: {  	[sflag:s21] =	ssyncset.done $0x0  }
0x282: {  	s5 =	simm.s32 $0x200;
	[sflag:s21] =	ssyncadd.s32 $0xFFFFC000  }
0x283: {  	[hbm4b:s17+s4] =	stream.linear.scatter [tilespmem:s5], [sflag:$0x3], $0x400, $0x38;
	[tilespmem:$0x18200] =	vst v63  }
0x284: {  	s15 =	sadd.s32 $0x80, s17;
	s21 =	simm.s32 $0xA00  }
0x285: {  	[hbm4b:s15+s4] =	stream.linear.scatter [tilespmem:s21], [sflag:$0x3], $0x400, $0x38;
	[tilespmem:$0x18200] =	vst v63  }
0x286: {  	s30 =	simm.s32 $0x1200;
	s23 =	sadd.s32 $0x100, s17  }
0x287: {  	[hbm4b:s23+s4] =	stream.linear.scatter [tilespmem:s30], [sflag:$0x3], $0x400, $0x38;
	[tilespmem:$0x18200] =	vst v63  }
0x288: {  	s29 =	simm.s32 $0x1A00;
	s24 =	sadd.s32 $0x180, s17  }
0x289: {  	[hbm4b:s24+s4] =	stream.linear.scatter [tilespmem:s29], [sflag:$0x3], $0x400, $0x38;
	[tilespmem:$0x18200] =	vst v63  }
0x28a: {  	s28 =	simm.s32 $0x2200;
	s30 =	sadd.s32 $0x200, s17  }
0x28b: {  	[hbm4b:s30+s4] =	stream.linear.scatter [tilespmem:s28], [sflag:$0x3], $0x400, $0x38;
	[tilespmem:$0x18200] =	vst v63  }
0x28c: {  	s26 =	simm.s32 $0x2A00;
	s5 =	sadd.s32 $0x280, s17  }
0x28d: {  	[hbm4b:s5+s4] =	stream.linear.scatter [tilespmem:s26], [sflag:$0x3], $0x400, $0x38;
	[tilespmem:$0x18200] =	vst v63  }
0x28e: {  	s25 =	simm.s32 $0x3200;
	s15 =	sadd.s32 $0x300, s17  }
0x28f: {  	[hbm4b:s15+s4] =	stream.linear.scatter [tilespmem:s25], [sflag:$0x3], $0x400, $0x38;
	[tilespmem:$0x18200] =	vst v63  }
0x290: {  	s8 =	simm.s32 $0x3A00;
	s21 =	sadd.s32 $0x380, s17  }
0x291: {  	[hbm4b:s21+s4] =	stream.linear.scatter [tilespmem:s8], [sflag:$0x3], $0x400, $0x38;
	[tilespmem:$0x18200] =	vst v63  }
0x292: {  	s23 =	simm.s32 $0x600  }
0x293: {  	[hbm4b:s18+s4] =	stream.linear.scatter [tilespmem:s23], [sflag:$0x3], $0x400, $0x38;
	[tilespmem:$0x18200] =	vst v63  }
0x294: {  	s24 =	sadd.s32 $0x80, s18;
	s25 =	simm.s32 $0xE00  }
0x295: {  	[hbm4b:s24+s4] =	stream.linear.scatter [tilespmem:s25], [sflag:$0x3], $0x400, $0x38;
	[tilespmem:$0x18200] =	vst v63  }
0x296: {  	s28 =	simm.s32 $0x1600;
	s26 =	sadd.s32 $0x100, s18  }
0x297: {  	[hbm4b:s26+s4] =	stream.linear.scatter [tilespmem:s28], [sflag:$0x3], $0x400, $0x38;
	[tilespmem:$0x18200] =	vst v63  }
0x298: {  	s29 =	sadd.s32 $0x180, s18;
	s30 =	simm.s32 $0x1E00  }
0x299: {  	[hbm4b:s29+s4] =	stream.linear.scatter [tilespmem:s30], [sflag:$0x3], $0x400, $0x38;
	[tilespmem:$0x18200] =	vst v63  }
0x29a: {  	s5 =	sadd.s32 $0x200, s18;
	s8 =	simm.s32 $0x2600  }
0x29b: {  	[hbm4b:s5+s4] =	stream.linear.scatter [tilespmem:s8], [sflag:$0x3], $0x400, $0x38;
	[tilespmem:$0x18200] =	vst v63  }
0x29c: {  	s15 =	sadd.s32 $0x280, s18;
	s21 =	simm.s32 $0x2E00  }
0x29d: {  	[hbm4b:s15+s4] =	stream.linear.scatter [tilespmem:s21], [sflag:$0x3], $0x400, $0x38;
	[tilespmem:$0x18200] =	vst v63  }
0x29e: {  	s23 =	sadd.s32 $0x300, s18;
	s24 =	simm.s32 $0x3600  }
0x29f: {  	[hbm4b:s23+s4] =	stream.linear.scatter [tilespmem:s24], [sflag:$0x3], $0x400, $0x38;
	[tilespmem:$0x18200] =	vst v63  }
0x2a0: {  	s25 =	sadd.s32 $0x380, s18;
	s26 =	simm.s32 $0x3E00  }
0x2a1: {  	[hbm4b:s25+s4] =	stream.linear.scatter [tilespmem:s26], [sflag:$0x3], $0x400, $0x38;
	[tilespmem:$0x18200] =	vst v63  }
0x2a2: {  	s6 =	simm.s32 $0xC200  }
0x2a3: {  	[hbm4b:s19+s4] =	stream.linear.scatter [tilespmem:s6], [sflag:$0x3], $0x400, $0x38;
	[tilespmem:$0x18200] =	vst v63  }
0x2a4: {  	s9 =	simm.s32 $0xCA00;
	s28 =	sadd.s32 $0x80, s19  }
0x2a5: {  	[hbm4b:s28+s4] =	stream.linear.scatter [tilespmem:s9], [sflag:$0x3], $0x400, $0x38;
	[tilespmem:$0x18200] =	vst v63  }
0x2a6: {  	s11 =	simm.s32 $0xD200;
	s29 =	sadd.s32 $0x100, s19  }
0x2a7: {  	[hbm4b:s29+s4] =	stream.linear.scatter [tilespmem:s11], [sflag:$0x3], $0x400, $0x38;
	[tilespmem:$0x18200] =	vst v63  }
0x2a8: {  	s7 =	simm.s32 $0xDA00;
	s30 =	sadd.s32 $0x180, s19  }
0x2a9: {  	[hbm4b:s30+s4] =	stream.linear.scatter [tilespmem:s7], [sflag:$0x3], $0x400, $0x38;
	[tilespmem:$0x18200] =	vst v63  }
0x2aa: {  	s12 =	simm.s32 $0xE200;
	s5 =	sadd.s32 $0x200, s19  }
0x2ab: {  	[hbm4b:s5+s4] =	stream.linear.scatter [tilespmem:s12], [sflag:$0x3], $0x400, $0x38;
	[tilespmem:$0x18200] =	vst v63  }
0x2ac: {  	s10 =	simm.s32 $0xEA00;
	s6 =	sadd.s32 $0x280, s19  }
0x2ad: {  	[hbm4b:s6+s4] =	stream.linear.scatter [tilespmem:s10], [sflag:$0x3], $0x400, $0x38;
	[tilespmem:$0x18200] =	vst v63  }
0x2ae: {  	s14 =	simm.s32 $0xF200;
	s7 =	sadd.s32 $0x300, s19  }
0x2af: {  	[hbm4b:s7+s4] =	stream.linear.scatter [tilespmem:s14], [sflag:$0x3], $0x400, $0x38;
	[tilespmem:$0x18200] =	vst v63  }
0x2b0: {  	s13 =	simm.s32 $0xFA00;
	s8 =	sadd.s32 $0x380, s19  }
0x2b1: {  	[hbm4b:s8+s4] =	stream.linear.scatter [tilespmem:s13], [sflag:$0x3], $0x400, $0x38;
	[tilespmem:$0x18200] =	vst v63  }
0x2b2: {  	s9 =	simm.s32 $0xC600  }
0x2b3: {  	[hbm4b:s20+s4] =	stream.linear.scatter [tilespmem:s9], [sflag:$0x3], $0x400, $0x38;
	[tilespmem:$0x18200] =	vst v63  }
0x2b4: {  	s11 =	simm.s32 $0xCE00;
	s10 =	sadd.s32 $0x80, s20  }
0x2b5: {  	[hbm4b:s10+s4] =	stream.linear.scatter [tilespmem:s11], [sflag:$0x3], $0x400, $0x38;
	[tilespmem:$0x18200] =	vst v63  }
0x2b6: {  	s12 =	sadd.s32 $0x100, s20;
	s13 =	simm.s32 $0xD600  }
0x2b7: {  	[hbm4b:s12+s4] =	stream.linear.scatter [tilespmem:s13], [sflag:$0x3], $0x400, $0x38;
	[tilespmem:$0x18200] =	vst v63  }
0x2b8: {  	s15 =	simm.s32 $0xDE00;
	s14 =	sadd.s32 $0x180, s20  }
0x2b9: {  	[hbm4b:s14+s4] =	stream.linear.scatter [tilespmem:s15], [sflag:$0x3], $0x400, $0x38;
	[tilespmem:$0x18200] =	vst v63  }
0x2ba: {  	s21 =	sadd.s32 $0x200, s20;
	s23 =	simm.s32 $0xE600  }
0x2bb: {  	[hbm4b:s21+s4] =	stream.linear.scatter [tilespmem:s23], [sflag:$0x3], $0x400, $0x38;
	[tilespmem:$0x18200] =	vst v63  }
0x2bc: {  	s24 =	sadd.s32 $0x280, s20;
	s25 =	simm.s32 $0xEE00  }
0x2bd: {  	[hbm4b:s24+s4] =	stream.linear.scatter [tilespmem:s25], [sflag:$0x3], $0x400, $0x38;
	[tilespmem:$0x18200] =	vst v63  }
0x2be: {  	s26 =	sadd.s32 $0x300, s20;
	s28 =	simm.s32 $0xF600  }
0x2bf: {  	[hbm4b:s26+s4] =	stream.linear.scatter [tilespmem:s28], [sflag:$0x3], $0x400, $0x38;
	[tilespmem:$0x18200] =	vst v63  }
0x2c0: {  	s29 =	sadd.s32 $0x380, s20;
	s30 =	simm.s32 $0xFE00  }
0x2c1: {  	[hbm4b:s29+s4] =	stream.linear.scatter [tilespmem:s30], [sflag:$0x3], $0x400, $0x38;
	[tilespmem:$0x18200] =	vst v63  }
0x2c2: {  	_ =	swait.ge [sflag:s2], $0x2000  }
0x2c3: {  	[sflag:s2] =	ssyncset.done $0x0  }
0x2c4: {  	[sflag:s2] =	ssyncadd.s32 $0xFFFFE000  }
0x2c5: {  	_ =	swait.ge [sflag:s2], $0x2000  }
0x2c6: {  	[sflag:s2] =	ssyncset.done $0x0  }
0x2c7: {  	[sflag:s2] =	ssyncadd.s32 $0xFFFFE000  }
0x2c8: {  	_ =	swait.ge [sflag:s2], $0x2000  }
0x2c9: {  	[sflag:s2] =	ssyncset.done $0x0  }
0x2ca: {  	[sflag:s2] =	ssyncadd.s32 $0xFFFFE000  }
0x2cb: {  	_ =	swait.ge [sflag:s2], $0x2000  }
0x2cc: {  	[sflag:s2] =	ssyncset.done $0x0  }
0x2cd: {  	[sflag:s2] =	ssyncadd.s32 $0xFFFFE000  }
0x2ce: {  	_ =	swait.ge [sflag:s2], $0x2000  }
0x2cf: {  	[sflag:s2] =	ssyncset.done $0x0  }
0x2d0: {  	[sflag:s2] =	ssyncadd.s32 $0xFFFFE000  }
0x2d1: {  	_ =	swait.ge [sflag:s2], $0x2000  }
0x2d2: {  	[sflag:s2] =	ssyncset.done $0x0  }
0x2d3: {  	[sflag:s2] =	ssyncadd.s32 $0xFFFFE000  }
0x2d4: {  	_ =	swait.ge [sflag:s2], $0x2000  }
0x2d5: {  	[sflag:s2] =	ssyncset.done $0x0  }
0x2d6: {  	[sflag:s2] =	ssyncadd.s32 $0xFFFFE000  }
0x2d7: {  	_ =	swait.ge [sflag:s2], $0x2000  }
0x2d8: {  	[sflag:s2] =	ssyncset.done $0x0  }
0x2d9: {  	[sflag:s2] =	ssyncadd.s32 $0xFFFFE000  }
0x2da: {  	_ =	swait.ge [sflag:s2], $0x2000  }
0x2db: {  	[sflag:s2] =	ssyncset.done $0x0  }
0x2dc: {  	[sflag:s2] =	ssyncadd.s32 $0xFFFFE000  }
0x2dd: {  	_ =	swait.ge [sflag:s2], $0x2000  }
0x2de: {  	[sflag:s2] =	ssyncset.done $0x0  }
0x2df: {  	[sflag:s2] =	ssyncadd.s32 $0xFFFFE000  }
0x2e0: {  	p0 =	sne.s32 s22, $0x1;
	_ =	swait.ge [sflag:s2], $0x2000  }
.Ltmp0:
0x2e1: {  	[sflag:s2] =	ssyncset.done $0x0;
	(pc) =	sbr.rel @p0 .LBB2_1-.Ltmp0, $4  }
0x2e2: {  	[sflag:s2] =	ssyncadd.s32 $0xFFFFE000  }
0x2e3: {  	_ =	swait.ge [sflag:s2], $0x2000  }
0x2e4: {  	[sflag:s2] =	ssyncset.done $0x0  }
0x2e5: {  	s21 =	sadd.s32 $0xFFFFFFFF, s22;
	[sflag:s2] =	ssyncadd.s32 $0xFFFFE000  }
0x2e6: {  	_ =	sfence.sel $0x180000  }
0x2e7: {  	[bflag:$0x0] =	sbarrier.arrive $0xFFFF  }
0x2e8: {  	_ =	strace $0x90000047  }
0x2e9: {  	s0 =	stileid.u32;
	[bflag:$0x2] =	sbarrier.arrive $0xFFFF  }
0x2ea: {  	p0 =	sne.s32 s0, $0x0;
	s0 =	rddreg [dreg:$0x5]  }
0x2eb: {  	s0 =	sadd.s32 @!p0 $0x100000, s0  }
0x2ec: {  	[sflag:s0] =	ssyncadd.tile.s32 @!p0 $0x1;
	_ =	shalt  }
.Lfunc_end2:
_tile_overlayer_lowered:
.L_overlay_start_2:
0x2ed: {  	(tag) =	ssettag $0x2  }
0x2ee: {  	s0 =	rddreg [dreg:$0x0];
	s2 =	stileid.u32  }
0x2ef: {  	s1 =	rddreg [dreg:$0x1];
	p0 =	sne.s32 s2, $0x0  }
0x2f0: {  	s3 =	rddreg [dreg:$0x2];
	[bflag:$0x3] =	sbarrier.arrive $0xFFFF;
	s2 =	simm.s32 @!p0 $0x1C04  }
0x2f1: {  	[timem:s3], [sflag:s2] =	dma.local @!p0 [hbm:s0], s1  }
0x2f2: {  	s0 =	simm.s32 @!p0 $0x4  }
0x2f3: {  	_ =	swait.ge @!p0 [sflag:s0], s1  }
0x2f4: {  	s1 =	ssub.s32 @!p0 $0x0, s1;
	[sflag:s0] =	ssyncset.done @!p0 $0x0  }
0x2f5: {  	[sflag:s0] =	ssyncadd.s32 @!p0 s1  }
0x2f6: {  	[bflag:$0x3] =	sbarrier.arrive $0xFFFF  }
0x2f7: {  	_ =	shalt  }

// kernel: kernel.9.cloned.1.call-start
scs
__scs_entry_jumppad:
0x0: {  	(pc) =	sbr.rel $0x88, $3  }
0x1: {  	(tag) =	ssettag $0x0;
	lr =	simm.s32 $0x1  }
0x2: {  	[smem:$0x3F9D] =	sst lr;
	_ =	strace $0xD0000000  }
0x3: {  	_ = 	snop  }
0x4: {  	_ = 	snop  }
0x5: {  	_ = 	snop  }
0x6: {  	_ = 	snop  }
0x7: {  	_ = 	snop  }
__scs_overlays_trampoline_lowered:
0x8: {  	[smem:$0x3FAC] =	sst s0  }
0x9: {  	[smem:$0x3FAD] =	sst s1  }
0xa: {  	[smem:$0x3FAE] =	sst s2  }
0xb: {  	[smem:$0x3FAF] =	sst s3  }
0xc: {  	[smem:$0x3FB0] =	sst s4  }
0xd: {  	[smem:$0x3FB1] =	sst s5  }
0xe: {  	[smem:$0x3FB2] =	sst s6  }
0xf: {  	[smem:$0x3FB3] =	sst s7  }
0x10: {  	[smem:$0x3FB4] =	sst s8  }
0x11: {  	[smem:$0x3FB5] =	sst s9;
	s0 =	simm.s32 @!p0 $0x0  }
0x12: {  	s1 =	sld [smem:$0x3F9B];
	s0 =	simm.s32 @p0 $0x1  }
0x13: {  	[smem:$0x3FB6] =	sst s0;
	s0 =	simm.s32 @!p1 $0x0  }
0x14: {  	s2 =	sld [smem:$0x3F9A];
	s0 =	simm.s32 @p1 $0x1  }
0x15: {  	[smem:$0x3FB7] =	sst s0;
	s0 =	simm.s32 @!p2 $0x0  }
0x16: {  	s3 =	sld [smem:$0x3FDB];
	s0 =	simm.s32 @p2 $0x1  }
0x17: {  	s4 =	simm.s32 $0x1BF5;
	[smem:$0x3FB9] =	sst s0  }
0x18: {  	s0 =	sld [smem:$0x3F9C];
	_ =	swait.ge [sflag:s4], $0x0  }
0x19: {  	s7 =	sld [smem:$0x3F9D]  }
0x1a: {  	s8 =	sadd.s32 $0xFFFFE003, lr  }
0x1b: {  	s9 =	sadd.s32 $0xFFFFFEF7, lr;
	s5 =	simm.s32 $0xFFFFFFFF;
	p2 =	slt.u32 s8, $0xFFFFF086  }
0x1c: {  	p1 =	slt.u32 s9, $0xF7A;
	s5 =	simm.s32 @!p2 $0x0  }
0x1d: {  	s5 =	simm.s32 @p1 $0x1;
	p0 =	seq.s32 s7, s2  }
0x1e: {  	s7 =	smul.u32 @!p0 $0xF7A, s2;
	p2 =	seq.s32 @!p0 s5, $0x0  }
0x1f: {  	s9 =	smul.u32 $0xF7A, s1;
	s8 =	simm.s32 @!p0 $0x1BF5;
	p2 =	por !p2, p0  }
0x20: {  	[sflag:s8] =	ssyncset.s32 @!p0 $0xFFFFF086;
	s6 =	sadd.s32 @!p0 s3, s7;
	s7 =	simm.s32 @!p0 $0x108  }
0x21: {  	s3 =	sadd.s32 s3, s9;
	s6 =	sadd.s32 @!p0 $0x88, s6;
	s7 =	simm.s32 @p2 $0x1082  }
0x22: {  	[simem:s7], [sflag:s8] =	dma.local @!p0 [hbm:s6], $0xF7A  }
0x23: {  	s9 =	sor.u32 $0xD0000000, s2;
	s6 =	simm.s32 $0x108;
	_ =	swait.ge @!p0 [sflag:s8], $0x0  }
0x24: {  	s3 =	sadd.s32 $0x88, s3;
	s6 =	simm.s32 @!p1 $0x1082;
	[sflag:s4] =	ssyncset.s32 $0xFFFFF086  }
0x25: {  	[simem:s6], [sflag:s4] =	dma.local [hbm:s3], $0xF7A  }
0x26: {  	[smem:$0x3F9D] =	sst s1;
	(tag) =	ssettag s2;
	_ =	strace s9  }
0x27: {  	s1 =	sld [smem:$0x3FAD]  }
0x28: {  	s2 =	sld [smem:$0x3FAE]  }
0x29: {  	s4 =	sld [smem:$0x3FB0]  }
0x2a: {  	p0 =	seq.s32 s5, $0x0;
	s5 =	sld [smem:$0x3FB1]  }
0x2b: {  	s6 =	sld [smem:$0x3FB2]  }
0x2c: {  	s7 =	sld [smem:$0x3FB3]  }
0x2d: {  	s3 =	simm.s32 $0x108;
	s8 =	sld [smem:$0x3FB4]  }
0x2e: {  	s3 =	simm.s32 @!p0 $0x1082;
	s9 =	sld [smem:$0x3FB5]  }
0x2f: {  	lr =	sadd.s32 s0, s3;
	s0 =	sld [smem:$0x3FAC]  }
0x30: {  	s3 =	sld [smem:$0x3FAF]  }
0x31: {  	[smem:$0x3FB8] =	sst s10  }
0x32: {  	s10 =	sld [smem:$0x3FB6];
	_ =	sdelay $0x3  }
0x33: {  	p0 =	seq.s32 s10, $0x1;
	s10 =	sld [smem:$0x3FB8];
	_ =	sdelay $0x3  }
0x34: {  	[smem:$0x3FB8] =	sst s10  }
0x35: {  	s10 =	sld [smem:$0x3FB7];
	_ =	sdelay $0x3  }
0x36: {  	p1 =	seq.s32 s10, $0x1;
	s10 =	sld [smem:$0x3FB8];
	_ =	sdelay $0x3  }
0x37: {  	[smem:$0x3FB8] =	sst s10  }
0x38: {  	s10 =	sld [smem:$0x3FB9]  }
0x39: {  	_ = 	snop;
	(pc) =	sbr.ind lr, $3  }
0x3a: {  	_ = 	snop  }
0x3b: {  	_ = 	snop  }
0x3c: {  	p2 =	seq.s32 s10, $0x1;
	s10 =	sld [smem:$0x3FB8]  }
0x3d: {  	_ =	shalt  }
0x3e: {  	_ =	shalt  }
0x3f: {  	_ =	shalt  }
0x40: {  	_ =	shalt  }
0x41: {  	_ =	shalt  }
0x42: {  	_ =	shalt  }
0x43: {  	_ =	shalt  }
0x44: {  	_ =	shalt  }
0x45: {  	_ =	shalt  }
0x46: {  	_ =	shalt  }
0x47: {  	_ =	shalt  }
0x48: {  	_ =	shalt  }
0x49: {  	_ =	shalt  }
0x4a: {  	_ =	shalt  }
0x4b: {  	_ =	shalt  }
0x4c: {  	_ =	shalt  }
0x4d: {  	_ =	shalt  }
0x4e: {  	_ =	shalt  }
0x4f: {  	_ =	shalt  }
0x50: {  	_ =	shalt  }
0x51: {  	_ =	shalt  }
0x52: {  	_ =	shalt  }
0x53: {  	_ =	shalt  }
0x54: {  	_ =	shalt  }
0x55: {  	_ =	shalt  }
0x56: {  	_ =	shalt  }
0x57: {  	_ =	shalt  }
0x58: {  	_ =	shalt  }
0x59: {  	_ =	shalt  }
0x5a: {  	_ =	shalt  }
0x5b: {  	_ =	shalt  }
0x5c: {  	_ =	shalt  }
0x5d: {  	_ =	shalt  }
0x5e: {  	_ =	shalt  }
0x5f: {  	_ =	shalt  }
0x60: {  	_ =	shalt  }
0x61: {  	_ =	shalt  }
0x62: {  	_ =	shalt  }
0x63: {  	_ =	shalt  }
0x64: {  	_ =	shalt  }
0x65: {  	_ =	shalt  }
0x66: {  	_ =	shalt  }
0x67: {  	_ =	shalt  }
0x68: {  	_ =	shalt  }
0x69: {  	_ =	shalt  }
0x6a: {  	_ =	shalt  }
0x6b: {  	_ =	shalt  }
0x6c: {  	_ =	shalt  }
0x6d: {  	_ =	shalt  }
0x6e: {  	_ =	shalt  }
0x6f: {  	_ =	shalt  }
0x70: {  	_ =	shalt  }
0x71: {  	_ =	shalt  }
0x72: {  	_ =	shalt  }
0x73: {  	_ =	shalt  }
0x74: {  	_ =	shalt  }
0x75: {  	_ =	shalt  }
0x76: {  	_ =	shalt  }
0x77: {  	_ =	shalt  }
0x78: {  	_ =	shalt  }
0x79: {  	_ =	shalt  }
0x7a: {  	_ =	shalt  }
0x7b: {  	_ =	shalt  }
0x7c: {  	_ =	shalt  }
0x7d: {  	_ =	shalt  }
0x7e: {  	_ =	shalt  }
0x7f: {  	_ =	shalt  }
0x80: {  	_ =	shalt  }
0x81: {  	_ =	shalt  }
0x82: {  	_ =	shalt  }
0x83: {  	_ =	shalt  }
0x84: {  	_ =	shalt  }
0x85: {  	_ =	shalt  }
0x86: {  	_ =	shalt  }
0x87: {  	_ =	shalt  }
.Lfunc_end0:
.L_simem_size_0:
called_computation.1_lowered:
.L_overlay_start_0:
0x88: {  	s2 =	sld [smem:$0x3FD9]  }
0x89: {  	s3 =	sld [smem:$0x3FFE];
	_ =	sdelay $0x1  }
0x8a: {  	s1 =	srdreg.scid  }
0x8b: {  	s0 =	sand.u32 $0x1, s1  }
0x8c: {  	s17 =	sshll.u32 s0, $0xA;
	s2 =	sadd.s32 s3, s2  }
0x8d: {  	s2 =	sadd.s32 s2, s17  }
0x8e: {  	[smem:$0x3FC4] =	sst s2  }
0x8f: {  	_ = 	snop  }
0x90: {  	s18 =	sld [smem:$0x3FC9]  }
0x91: {  	s4 =	sld [smem:$0x3FC8]  }
0x92: {  	s5 =	sld [smem:$0x3FC7]  }
0x93: {  	s6 =	sld [smem:$0x3FC6];
	(tm) =	ssettm $0x1  }
0x94: {  	s19 =	sld [smem:$0x3FFB];
	_ =	sdelay $0x3  }
0x95: {  	_ =	strace s19  }
0x96: {  	s2 =	sld [smem:$0x3FFC];
	_ =	sdelay $0x3  }
0x97: {  	_ =	strace s2  }
0x98: {  	s2 =	sld [smem:$0x3FFD];
	_ =	sdelay $0x3  }
0x99: {  	_ =	strace s2  }
0x9a: {  	_ =	strace $0x8FFFFFFF  }
0x9b: {  	s20 =	sld [smem:$0x3FDB];
	_ =	sdelay $0x1  }
0x9c: {  	s7 =	simm.s32 $_scs_section_size  }
0x9d: {  	s8 =	simm.s32 $_size__tile_overlayer_lowered;
	s9 =	simm.s32 $_tile_overlayer_lowered  }
0x9e: {  	s10 =	simm.s32 $0x1BFF;
	s21 =	sshll.u32 s9, $0x1;
	s7 =	sadd.s32 s7, s20  }
0x9f: {  	s22 =	simm.s32 $0x0;
	s8 =	sshll.u32 s8, $0x1;
	s9 =	sadd.s32 s21, s7  }
0xa0: {  	[timem:s22], [sflag:s10] =	dma.local [hbm:s9], s8  }
0xa1: {  	_ =	swait.ge [sflag:s10], s8  }
0xa2: {  	s8 =	ssub.s32 $0x0, s8;
	[sflag:s10] =	ssyncset.done $0x0  }
0xa3: {  	[sflag:s10] =	ssyncadd.s32 s8;
	_ =	sdelay $0x1  }
0xa4: {  	s23 =	simm.s32 $0x1B8B  }
0xa5: {  	_ =	swait.ge [sflag:s23], $0x1  }
0xa6: {  	[sflag:s23] =	ssyncset.done $0x0  }
0xa7: {  	[sflag:s23] =	ssyncadd.s32 $0xFFFFFFFF  }
0xa8: {  	s8 =	sld [smem:$0x0]  }
0xa9: {  	s9 =	sand.u32 $0xFFFFFFFE, s1  }
0xaa: {  	p0 =	sne.s32 s1, s9  }
0xab: {  	s9 =	sshll.u32 @p0 s9, $0xE  }
0xac: {  	s9 =	sadd.s32 @p0 $0x11B8D, s9;
	s10 =	sshll.u32 @p0 s8, $0x11  }
0xad: {  	s9 =	sor.u32 @p0 s10, s9  }
0xae: {  	[sflag:s9] =	ssyncadd.remote.s32 @p0 $0x1;
	_ =	sdelay $0x1  }
0xaf: {  	s9 =	simm.s32 @p0 $0x1B8D  }
0xb0: {  	_ =	swait.eq @p0 [sflag:s9], $0x1  }
0xb1: {  	[sflag:s9] =	ssyncadd.s32 @p0 $0xFFFFFFFF  }
0xb2: {  	s10 =	sshll.u32 @!p0 s1, $0xE  }
0xb3: {  	s10 =	sor.u32 @!p0 $0x4000, s10;
	s9 =	simm.s32 @!p0 $0x1B8D  }
0xb4: {  	s8 =	sshll.u32 @!p0 s8, $0x11;
	s10 =	sadd.s32 @!p0 $0x11B8D, s10;
	_ =	swait.eq @!p0 [sflag:s9], $0x1  }
0xb5: {  	s8 =	sor.u32 @!p0 s8, s10;
	[sflag:s9] =	ssyncadd.s32 @!p0 $0xFFFFFFFF  }
0xb6: {  	s25 =	simm.s32 $0x1B8E;
	s24 =	sld [smem:$0x3FFE];
	[sflag:s8] =	ssyncadd.remote.s32 @!p0 $0x1  }
0xb7: {  	s26 =	simm.s32 $execute0_lowered;
	[smem:$0x3FD2] =	sst s25  }
0xb8: {  	s9 =	sshll.u32 s26, $0x1;
	_ =	strace $0x80000049;
	[dreg:$0x1] =	wrdreg $0xFFFFFFFF  }
0xb9: {  	s28 =	simm.s32 $_size_execute0_lowered;
	s7 =	sadd.s32 s7, s9;
	[dreg:$0x0] =	wrdreg $0x0  }
0xba: {  	s9 =	sshll.u32 s28, $0x1;
	[dreg:$0x2] =	wrdreg s7  }
0xbb: {  	[dreg:$0x3] =	wrdreg s9  }
0xbc: {  	[dreg:$0x4] =	wrdreg $0xC0  }
0xbd: {  	_ =	task [dreg:s22], $0x5FFFF  }
0xbe: {  	[dreg:$0x1] =	wrdreg $0xFFFFFFFF  }
0xbf: {  	[dreg:$0x0] =	wrdreg $0x60  }
0xc0: {  	[dreg:$0x2] =	wrdreg s18  }
0xc1: {  	[dreg:$0x3] =	wrdreg s4  }
0xc2: {  	[dreg:$0x4] =	wrdreg s5  }
0xc3: {  	[dreg:$0x5] =	wrdreg s6  }
0xc4: {  	[dreg:$0x6] =	wrdreg s24  }
0xc5: {  	[dreg:$0x7] =	wrdreg $0xA  }
0xc6: {  	_ =	task.clear_ibuf [dreg:s22], $0x8FFFF;
	_ =	strace $0x90000049  }
0xc7: {  	s29 =	simm.s32 $0xA;
	_ =	strace $0x8000004B  }
0xc8: {  	_ =	swait.ge [sflag:s29], $0x1  }
0xc9: {  	[sflag:s29] =	ssyncadd.s32 $0xFFFFFFFF  }
0xca: {  	_ =	strace $0x9000004B  }
0xcb: {  	_ =	sfence  }
0xcc: {  	s30 =	sld [smem:$0x0];
	_ =	sdelay $0x2  }
0xcd: {  	s31 =	sshll.u32 s1, $0xD;
	s1 =	sshrl.u32 s1, $0x2  }
0xce: {  	s4 =	sand.u32 $0x4000, s31;
	s1 =	sadd.s32 s1, s30  }
0xcf: {  	s0 =	sor.u32 s4, s0;
	s1 =	sshll.u32 s1, $0x11  }
0xd0: {  	s0 =	sor.u32 s1, s0  }
0xd1: {  	s0 =	sadd.s32 $0x8F2B, s0  }
0xd2: {  	[sflag:s0] =	ssyncadd.remote.s32 $0x1  }
0xd3: {  	_ =	sfence.sel $0xFFFF  }
0xd4: {  	[dreg:$0x0] =	wrdreg $0xFFFFFFFF;
	(pc) =	sbr.abs _section_cstart, $3  }
0xd5: {  	[dreg:$0x1] =	wrdreg $0xFFFFFFFF  }
0xd6: {  	_ =	task.clear_ibuf [dreg:s22], $0x2FFFF;
	_ =	strace $0x9FFFFFFF  }
0xd7: {  	(tm) =	ssettm $0x7FFFFFFF  }
tec
execute0_lowered:
.L_overlay_start_1:
0x0: {  	(tag) =	ssettag $0x1  }
0x1: {  	s0 =	rddreg [dreg:$0x0]  }
0x2: {  	s2 =	rddreg [dreg:$0x1];
	s3 =	srdreg.scid  }
0x3: {  	s1 =	rddreg [dreg:$0x2];
	s4 =	stileid.u32;
	s5 =	sand.u32 $0x1, s3  }
0x4: {  	s7 =	rddreg [dreg:$0x4];
	s4 =	sshll.u32 s4, $0x9;
	s6 =	sshll.u32 s5, $0x8  }
0x5: {  	s3 =	rddreg [dreg:$0x3];
	s6 =	sor.u32 s6, s4;
	s4 =	simm.s32 $0x0  }
0x6: {  	s26 =	simm.s32 $0x100;
	[smem:$0x7FF] =	sst s4  }
0x7: {  	s28 =	simm.s32 $0x4600;
	_ =	strace $0x8000004A;
	[dreg:$0x8] =	wrdreg s26  }
0x8: {  	s29 =	simm.s32 $0x4E00;
	[dreg:$0x9] =	wrdreg s28  }
0x9: {  	s30 =	simm.s32 $0x5600;
	[dreg:$0xa] =	wrdreg s29  }
0xa: {  	s9 =	simm.s32 $0x5E00;
	[dreg:$0xb] =	wrdreg s30  }
0xb: {  	s10 =	simm.s32 $0x6600;
	[dreg:$0xc] =	wrdreg s9  }
0xc: {  	s11 =	simm.s32 $0x6E00;
	[dreg:$0xd] =	wrdreg s10  }
0xd: {  	s13 =	simm.s32 $0x7600;
	[dreg:$0xe] =	wrdreg s11  }
0xe: {  	s14 =	simm.s32 $0x7E00;
	[dreg:$0xf] =	wrdreg s13  }
0xf: {  	s15 =	simm.s32 $0x10600;
	[dreg:$0x10] =	wrdreg s14  }
0x10: {  	s18 =	simm.s32 $0x10E00;
	s23 =	simm.s32 $0x11600;
	[dreg:$0x11] =	wrdreg s15  }
0x11: {  	s19 =	sadd.s32 $0xC2200, s7;
	s8 =	sshrl.u32 s6, $0x3;
	[dreg:$0x12] =	wrdreg s18  }
0x12: {  	s17 =	sshll.u32 s6, $0x4;
	s6 =	simm.s32 $0x8600;
	[dreg:$0x13] =	wrdreg s23  }
0x13: {  	s24 =	sadd.s32 s19, s17;
	[dreg:$0x19] =	wrdreg s6  }
0x14: {  	s9 =	simm.s32 $0x11E00;
	[smem:$0x7EB] =	sst s24  }
0x15: {  	s26 =	simm.s32 $0x12600;
	[dreg:$0x14] =	wrdreg s9  }
0x16: {  	s10 =	simm.s32 $0x12E00;
	[dreg:$0x15] =	wrdreg s26  }
0x17: {  	s11 =	simm.s32 $0x13600;
	[dreg:$0x16] =	wrdreg s10  }
0x18: {  	s13 =	simm.s32 $0x13E00;
	[dreg:$0x17] =	wrdreg s11  }
0x19: {  	s14 =	simm.s32 $0x9600;
	[dreg:$0x18] =	wrdreg s13  }
0x1a: {  	s5 =	ssub.s32 $0x2, s5;
	s15 =	simm.s32 $0x9E00;
	[dreg:$0x1b] =	wrdreg s14  }
0x1b: {  	s12 =	sshrl.u32 s5, $0x1;
	s18 =	simm.s32 $0xA600;
	[dreg:$0x1c] =	wrdreg s15  }
0x1c: {  	s8 =	sor.u32 $0x400, s8;
	s23 =	simm.s32 $0x14E00;
	[dreg:$0x1d] =	wrdreg s18  }
0x1d: {  	s21 =	ssub.s32 s5, s12;
	s0 =	sadd.s32 s0, s8;
	[smem:$0x7F7] =	sst s23  }
0x1e: {  	s12 =	sor.u32 $0x400, s17;
	s25 =	sadd.s32 s2, s8;
	[dreg:$0x6] =	wrdreg s0  }
0x1f: {  	s30 =	sadd.s32 s19, s12;
	[dreg:$0x7] =	wrdreg s25  }
0x20: {  	s8 =	simm.s32 $0x8E00;
	[smem:$0x7EF] =	sst s30  }
0x21: {  	s14 =	simm.s32 $0xB600;
	[dreg:$0x1a] =	wrdreg s8  }
0x22: {  	s15 =	simm.s32 $0xBE00;
	[dreg:$0x1f] =	wrdreg s14  }
0x23: {  	s24 =	simm.s32 $0x15600;
	[smem:$0x7F5] =	sst s15  }
0x24: {  	s2 =	sadd.s32 $0xA2200, s7;
	s26 =	simm.s32 $0x16600;
	[smem:$0x7F8] =	sst s24  }
0x25: {  	s20 =	sadd.s32 $0xE2200, s7;
	s22 =	sadd.s32 s2, s17;
	[smem:$0x7FA] =	sst s26  }
0x26: {  	s25 =	sadd.s32 s20, s17;
	[smem:$0x7EA] =	sst s22  }
0x27: {  	s29 =	sadd.s32 s2, s12;
	[smem:$0x7EC] =	sst s25  }
0x28: {  	s0 =	sadd.s32 $0x82200, s7;
	s7 =	sadd.s32 s20, s12;
	[smem:$0x7EE] =	sst s29  }
0x29: {  	s30 =	simm.s32 $0x17E00;
	[smem:$0x7F0] =	sst s7  }
0x2a: {  	s16 =	sadd.s32 s0, s17;
	[smem:$0x7FD] =	sst s30  }
0x2b: {  	s28 =	sadd.s32 s0, s12;
	[smem:$0x7E9] =	sst s16  }
0x2c: {  	s12 =	simm.s32 $0xAE00;
	[smem:$0x7ED] =	sst s28  }
0x2d: {  	s31 =	simm.s32 $0x1;
	s25 =	simm.s32 $0x15E00;
	[dreg:$0x1e] =	wrdreg s12  }
0x2e: {  	s21 =	smax.u32 s21, $0x1;
	s29 =	simm.s32 $0x17600;
	[smem:$0x7F9] =	sst s25  }
0x2f: {  	s16 =	sor.u32 $0x800, s17;
	s28 =	simm.s32 $0x16E00;
	[smem:$0x7FC] =	sst s29  }
0x30: {  	s22 =	sor.u32 $0xC00, s17;
	s9 =	sadd.s32 s0, s16;
	[smem:$0x7FB] =	sst s28  }
0x31: {  	s17 =	sadd.s32 s0, s22;
	s10 =	sadd.s32 s2, s16;
	[smem:$0x7F1] =	sst s9  }
0x32: {  	s18 =	sadd.s32 s2, s22;
	s11 =	sadd.s32 s19, s16;
	[smem:$0x7F2] =	sst s10  }
0x33: {  	v2 =	vlaneseq.u32;
	s13 =	sadd.s32 s20, s16;
	s16 =	simm.s32 $0x14600;
	[smem:$0x7F3] =	sst s11  }
0x34: {  	vm0 =	vmmov $0xffff;
	v1 =	vshrl.u32 v2, $0x3;
	s19 =	sadd.s32 s19, s22;
	s20 =	sadd.s32 s20, s22;
	[smem:$0x7F4] =	sst s13  }
0x35: {  	v0 =	vand.u32 $0x7, v2;
	v2 =	vor.u32 $0x8, v2;
	v1 =	vmul.u32 $0x8, v1;
	s2 =	simm.s32 $0x3;
	[smem:$0x7F6] =	sst s16;
	s16 =	simm.s32 $0xF200  }
.LBB2_1:
0x36: {  	s0 =	rddreg [dreg:$0x6];
	s22 =	simm.s32 $0x4  }
0x37: {  	[tilespmem:s4], [sflag:$0x4] =	stream.linear.gather [hbm4b:s0+s4], $0x100, $0x38;
	[tilespmem:$0x18200] =	vst v63  }
0x38: {  	_ =	swait.ge [sflag:s22], $0x100  }
0x39: {  	s15 =	rddreg [dreg:$0x7];
	[sflag:s22] =	ssyncset.done $0x0  }
0x3a: {  	s23 =	rddreg [dreg:$0x8];
	[sflag:s22] =	ssyncadd.s32 $0xFFFFFF00  }
0x3b: {  	[tilespmem:s23], [sflag:$0x4] =	stream.linear.gather [hbm4b:s15+s4], $0x100, $0x38;
	[tilespmem:$0x18200] =	vst v63  }
0x3c: {  	_ =	swait.ge [sflag:s22], $0x100  }
0x3d: {  	[sflag:s22] =	ssyncset.done $0x0  }
0x3e: {  	[sflag:s22] =	ssyncadd.s32 $0xFFFFFF00  }
0x3f: {  	v3 =	vld [tilespmem:$0x0];
	_ =	sdelay $0x4  }
0x40: {  	v4 =	vshll.u32 v3, $0x1  }
0x41: {  	v3 =	vand.u32 $0x7, v3;
	v4 =	vand.u32 $0xFFFFFFF0, v4  }
0x42: {  	v3 =	vor.u32 v3, v4  }
0x43: {  	v4 =	vperm.xlane v3, v0;
	_ =	sdelay $0x1  }
0x44: {  	v3 =	vperm.xlane v3, v2;
	v4 =	vadd.s32 v1, v4;
	_ =	sdelay $0x1  }
0x45: {  	v3 =	vadd.s32 v1, v3;
	_ =	sdelay $0x1  }
0x46: {  	s23 =	simm.s32 $0x200  }
0x47: {  	[tilespmem:s23], [sflag:$0x1] =	stream.indirect_vreg.gather [hbm4b:s1+s4], $0x80, v4, vm0, $0xb8;
	[tilespmem:$0x18200] =	vst v63  }
0x48: {  	s24 =	simm.s32 $0xA00  }
0x49: {  	[tilespmem:s24], [sflag:$0x1] =	stream.indirect_vreg.gather [hbm4b:s1+s4], $0x80, v3, vm0, $0xb8;
	[tilespmem:$0x18200] =	vst v63  }
0x4a: {  	v3 =	vld [tilespmem:$0x10];
	_ =	sdelay $0x4  }
0x4b: {  	v33 =	vshll.u32 v3, $0x1  }
0x4c: {  	v3 =	vand.u32 $0x7, v3;
	v4 =	vand.u32 $0xFFFFFFF0, v33  }
0x4d: {  	v3 =	vor.u32 v3, v4  }
0x4e: {  	v4 =	vperm.xlane v3, v0;
	_ =	sdelay $0x1  }
0x4f: {  	v3 =	vperm.xlane v3, v2;
	v4 =	vadd.s32 v1, v4;
	_ =	sdelay $0x1  }
0x50: {  	v3 =	vadd.s32 v1, v3;
	_ =	sdelay $0x1  }
0x51: {  	s25 =	simm.s32 $0x1200  }
0x52: {  	[tilespmem:s25], [sflag:$0x1] =	stream.indirect_vreg.gather [hbm4b:s1+s4], $0x80, v4, vm0, $0xb8;
	[tilespmem:$0x18200] =	vst v63  }
0x53: {  	s26 =	simm.s32 $0x1A00  }
0x54: {  	[tilespmem:s26], [sflag:$0x1] =	stream.indirect_vreg.gather [hbm4b:s1+s4], $0x80, v3, vm0, $0xb8;
	[tilespmem:$0x18200] =	vst v63  }
0x55: {  	v3 =	vld [tilespmem:$0x20];
	_ =	sdelay $0x4  }
0x56: {  	v34 =	vshll.u32 v3, $0x1  }
0x57: {  	v3 =	vand.u32 $0x7, v3;
	v4 =	vand.u32 $0xFFFFFFF0, v34  }
0x58: {  	v3 =	vor.u32 v3, v4  }
0x59: {  	v4 =	vperm.xlane v3, v0;
	_ =	sdelay $0x1  }
0x5a: {  	v3 =	vperm.xlane v3, v2;
	v4 =	vadd.s32 v1, v4;
	_ =	sdelay $0x1  }
0x5b: {  	v3 =	vadd.s32 v1, v3;
	_ =	sdelay $0x1  }
0x5c: {  	s28 =	simm.s32 $0x2200  }
0x5d: {  	[tilespmem:s28], [sflag:$0x1] =	stream.indirect_vreg.gather [hbm4b:s1+s4], $0x80, v4, vm0, $0xb8;
	[tilespmem:$0x18200] =	vst v63  }
0x5e: {  	s29 =	simm.s32 $0x2A00  }
0x5f: {  	[tilespmem:s29], [sflag:$0x1] =	stream.indirect_vreg.gather [hbm4b:s1+s4], $0x80, v3, vm0, $0xb8;
	[tilespmem:$0x18200] =	vst v63  }
0x60: {  	v3 =	vld [tilespmem:$0x30];
	_ =	sdelay $0x4  }
0x61: {  	v35 =	vshll.u32 v3, $0x1  }
0x62: {  	v3 =	vand.u32 $0x7, v3;
	v4 =	vand.u32 $0xFFFFFFF0, v35  }
0x63: {  	v3 =	vor.u32 v3, v4  }
0x64: {  	v4 =	vperm.xlane v3, v0;
	_ =	sdelay $0x1  }
0x65: {  	v3 =	vperm.xlane v3, v2;
	v4 =	vadd.s32 v1, v4;
	_ =	sdelay $0x1  }
0x66: {  	v3 =	vadd.s32 v1, v3;
	_ =	sdelay $0x1  }
0x67: {  	s30 =	simm.s32 $0x3200  }
0x68: {  	[tilespmem:s30], [sflag:$0x1] =	stream.indirect_vreg.gather [hbm4b:s1+s4], $0x80, v4, vm0, $0xb8;
	[tilespmem:$0x18200] =	vst v63  }
0x69: {  	s5 =	simm.s32 $0x3A00  }
0x6a: {  	[tilespmem:s5], [sflag:$0x1] =	stream.indirect_vreg.gather [hbm4b:s1+s4], $0x80, v3, vm0, $0xb8;
	[tilespmem:$0x18200] =	vst v63  }
0x6b: {  	v3 =	vld [tilespmem:$0x100];
	_ =	sdelay $0x4  }
0x6c: {  	v36 =	vshll.u32 v3, $0x1  }
0x6d: {  	v3 =	vand.u32 $0x7, v3;
	v4 =	vand.u32 $0xFFFFFFF0, v36  }
0x6e: {  	v3 =	vor.u32 v3, v4  }
0x6f: {  	v4 =	vperm.xlane v3, v0;
	_ =	sdelay $0x1  }
0x70: {  	v3 =	vperm.xlane v3, v2;
	v4 =	vadd.s32 v1, v4;
	_ =	sdelay $0x1  }
0x71: {  	v3 =	vadd.s32 v1, v3;
	_ =	sdelay $0x1  }
0x72: {  	s6 =	simm.s32 $0xC200  }
0x73: {  	[tilespmem:s6], [sflag:$0x2] =	stream.indirect_vreg.gather [hbm4b:s3+s4], $0x80, v4, vm0, $0xb8;
	[tilespmem:$0x18200] =	vst v63  }
0x74: {  	s7 =	simm.s32 $0xCA00  }
0x75: {  	[tilespmem:s7], [sflag:$0x2] =	stream.indirect_vreg.gather [hbm4b:s3+s4], $0x80, v3, vm0, $0xb8;
	[tilespmem:$0x18200] =	vst v63  }
0x76: {  	v3 =	vld [tilespmem:$0x110];
	_ =	sdelay $0x4  }
0x77: {  	v37 =	vshll.u32 v3, $0x1  }
0x78: {  	v3 =	vand.u32 $0x7, v3;
	v4 =	vand.u32 $0xFFFFFFF0, v37  }
0x79: {  	v3 =	vor.u32 v3, v4  }
0x7a: {  	v4 =	vperm.xlane v3, v0;
	_ =	sdelay $0x1  }
0x7b: {  	v3 =	vperm.xlane v3, v2;
	v4 =	vadd.s32 v1, v4;
	_ =	sdelay $0x1  }
0x7c: {  	v3 =	vadd.s32 v1, v3;
	_ =	sdelay $0x1  }
0x7d: {  	s8 =	simm.s32 $0xD200  }
0x7e: {  	[tilespmem:s8], [sflag:$0x2] =	stream.indirect_vreg.gather [hbm4b:s3+s4], $0x80, v4, vm0, $0xb8;
	[tilespmem:$0x18200] =	vst v63  }
0x7f: {  	s9 =	simm.s32 $0xDA00  }
0x80: {  	[tilespmem:s9], [sflag:$0x2] =	stream.indirect_vreg.gather [hbm4b:s3+s4], $0x80, v3, vm0, $0xb8;
	[tilespmem:$0x18200] =	vst v63  }
0x81: {  	v3 =	vld [tilespmem:$0x120];
	_ =	sdelay $0x4  }
0x82: {  	v38 =	vshll.u32 v3, $0x1  }
0x83: {  	v3 =	vand.u32 $0x7, v3;
	v4 =	vand.u32 $0xFFFFFFF0, v38  }
0x84: {  	v3 =	vor.u32 v3, v4  }
0x85: {  	v4 =	vperm.xlane v3, v0;
	_ =	sdelay $0x1  }
0x86: {  	v3 =	vperm.xlane v3, v2;
	v4 =	vadd.s32 v1, v4;
	_ =	sdelay $0x1  }
0x87: {  	v3 =	vadd.s32 v1, v3;
	_ =	sdelay $0x1  }
0x88: {  	s10 =	simm.s32 $0xE200  }
0x89: {  	[tilespmem:s10], [sflag:$0x2] =	stream.indirect_vreg.gather [hbm4b:s3+s4], $0x80, v4, vm0, $0xb8;
	[tilespmem:$0x18200] =	vst v63  }
0x8a: {  	s11 =	simm.s32 $0xEA00  }
0x8b: {  	[tilespmem:s11], [sflag:$0x2] =	stream.indirect_vreg.gather [hbm4b:s3+s4], $0x80, v3, vm0, $0xb8;
	[tilespmem:$0x18200] =	vst v63  }
0x8c: {  	v3 =	vld [tilespmem:$0x130];
	_ =	sdelay $0x4  }
0x8d: {  	v39 =	vshll.u32 v3, $0x1  }
0x8e: {  	v3 =	vand.u32 $0x7, v3;
	v4 =	vand.u32 $0xFFFFFFF0, v39  }
0x8f: {  	v3 =	vor.u32 v3, v4  }
0x90: {  	v4 =	vperm.xlane v3, v0;
	_ =	sdelay $0x1  }
0x91: {  	v3 =	vperm.xlane v3, v2;
	v4 =	vadd.s32 v1, v4;
	_ =	sdelay $0x1  }
0x92: {  	v3 =	vadd.s32 v1, v3;
	_ =	sdelay $0x1  }
0x93: {  	s12 =	simm.s32 $0xF200  }
0x94: {  	[tilespmem:s12], [sflag:$0x2] =	stream.indirect_vreg.gather [hbm4b:s3+s4], $0x80, v4, vm0, $0xb8;
	[tilespmem:$0x18200] =	vst v63  }
0x95: {  	s13 =	simm.s32 $0xFA00  }
0x96: {  	[tilespmem:s13], [sflag:$0x2] =	stream.indirect_vreg.gather [hbm4b:s3+s4], $0x80, v3, vm0, $0xb8;
	[tilespmem:$0x18200] =	vst v63  }
0x97: {  	v3 =	vld [tilespmem:$0x40];
	_ =	sdelay $0x4  }
0x98: {  	v40 =	vshll.u32 v3, $0x1  }
0x99: {  	v3 =	vand.u32 $0x7, v3;
	v4 =	vand.u32 $0xFFFFFFF0, v40  }
0x9a: {  	v3 =	vor.u32 v3, v4  }
0x9b: {  	v4 =	vperm.xlane v3, v0;
	_ =	sdelay $0x1  }
0x9c: {  	v3 =	vperm.xlane v3, v2;
	v4 =	vadd.s32 v1, v4;
	_ =	sdelay $0x1  }
0x9d: {  	v3 =	vadd.s32 v1, v3;
	_ =	sdelay $0x1  }
0x9e: {  	s14 =	simm.s32 $0x4200  }
0x9f: {  	[tilespmem:s14], [sflag:$0x1] =	stream.indirect_vreg.gather [hbm4b:s1+s4], $0x80, v4, vm0, $0xb8;
	[tilespmem:$0x18200] =	vst v63  }
0xa0: {  	s15 =	simm.s32 $0x4A00  }
0xa1: {  	[tilespmem:s15], [sflag:$0x1] =	stream.indirect_vreg.gather [hbm4b:s1+s4], $0x80, v3, vm0, $0xb8;
	[tilespmem:$0x18200] =	vst v63  }
0xa2: {  	v3 =	vld [tilespmem:$0x50];
	_ =	sdelay $0x4  }
0xa3: {  	v41 =	vshll.u32 v3, $0x1  }
0xa4: {  	v3 =	vand.u32 $0x7, v3;
	v4 =	vand.u32 $0xFFFFFFF0, v41  }
0xa5: {  	v3 =	vor.u32 v3, v4  }
0xa6: {  	v4 =	vperm.xlane v3, v0;
	_ =	sdelay $0x1  }
0xa7: {  	v3 =	vperm.xlane v3, v2;
	v4 =	vadd.s32 v1, v4;
	_ =	sdelay $0x1  }
0xa8: {  	v3 =	vadd.s32 v1, v3;
	_ =	sdelay $0x1  }
0xa9: {  	s22 =	simm.s32 $0x5200  }
0xaa: {  	[tilespmem:s22], [sflag:$0x1] =	stream.indirect_vreg.gather [hbm4b:s1+s4], $0x80, v4, vm0, $0xb8;
	[tilespmem:$0x18200] =	vst v63  }
0xab: {  	s23 =	simm.s32 $0x5A00  }
0xac: {  	[tilespmem:s23], [sflag:$0x1] =	stream.indirect_vreg.gather [hbm4b:s1+s4], $0x80, v3, vm0, $0xb8;
	[tilespmem:$0x18200] =	vst v63  }
0xad: {  	v3 =	vld [tilespmem:$0x60];
	_ =	sdelay $0x4  }
0xae: {  	v42 =	vshll.u32 v3, $0x1  }
0xaf: {  	v3 =	vand.u32 $0x7, v3;
	v4 =	vand.u32 $0xFFFFFFF0, v42  }
0xb0: {  	v3 =	vor.u32 v3, v4  }
0xb1: {  	v4 =	vperm.xlane v3, v0;
	_ =	sdelay $0x1  }
0xb2: {  	v3 =	vperm.xlane v3, v2;
	v4 =	vadd.s32 v1, v4;
	_ =	sdelay $0x1  }
0xb3: {  	v3 =	vadd.s32 v1, v3;
	_ =	sdelay $0x1  }
0xb4: {  	s24 =	simm.s32 $0x6200  }
0xb5: {  	[tilespmem:s24], [sflag:$0x1] =	stream.indirect_vreg.gather [hbm4b:s1+s4], $0x80, v4, vm0, $0xb8;
	[tilespmem:$0x18200] =	vst v63  }
0xb6: {  	s25 =	simm.s32 $0x6A00  }
0xb7: {  	[tilespmem:s25], [sflag:$0x1] =	stream.indirect_vreg.gather [hbm4b:s1+s4], $0x80, v3, vm0, $0xb8;
	[tilespmem:$0x18200] =	vst v63  }
0xb8: {  	v3 =	vld [tilespmem:$0x70];
	_ =	sdelay $0x4  }
0xb9: {  	v43 =	vshll.u32 v3, $0x1  }
0xba: {  	v3 =	vand.u32 $0x7, v3;
	v4 =	vand.u32 $0xFFFFFFF0, v43  }
0xbb: {  	v3 =	vor.u32 v3, v4  }
0xbc: {  	v4 =	vperm.xlane v3, v0;
	_ =	sdelay $0x1  }
0xbd: {  	v3 =	vperm.xlane v3, v2;
	v4 =	vadd.s32 v1, v4;
	_ =	sdelay $0x1  }
0xbe: {  	v3 =	vadd.s32 v1, v3;
	_ =	sdelay $0x1  }
0xbf: {  	s23 =	simm.s32 $0x7200  }
0xc0: {  	[tilespmem:s23], [sflag:$0x1] =	stream.indirect_vreg.gather [hbm4b:s1+s4], $0x80, v4, vm0, $0xb8;
	[tilespmem:$0x18200] =	vst v63  }
0xc1: {  	s26 =	simm.s32 $0x7A00  }
0xc2: {  	[tilespmem:s26], [sflag:$0x1] =	stream.indirect_vreg.gather [hbm4b:s1+s4], $0x80, v3, vm0, $0xb8;
	[tilespmem:$0x18200] =	vst v63  }
0xc3: {  	v3 =	vld [tilespmem:$0x140];
	_ =	sdelay $0x4  }
0xc4: {  	v44 =	vshll.u32 v3, $0x1  }
0xc5: {  	v3 =	vand.u32 $0x7, v3;
	v4 =	vand.u32 $0xFFFFFFF0, v44  }
0xc6: {  	v3 =	vor.u32 v3, v4  }
0xc7: {  	v4 =	vperm.xlane v3, v0;
	_ =	sdelay $0x1  }
0xc8: {  	v3 =	vperm.xlane v3, v2;
	v4 =	vadd.s32 v1, v4;
	_ =	sdelay $0x1  }
0xc9: {  	v3 =	vadd.s32 v1, v3;
	_ =	sdelay $0x1  }
0xca: {  	s28 =	simm.s32 $0x10200  }
0xcb: {  	[tilespmem:s28], [sflag:$0x2] =	stream.indirect_vreg.gather [hbm4b:s3+s4], $0x80, v4, vm0, $0xb8;
	[tilespmem:$0x18200] =	vst v63  }
0xcc: {  	s29 =	simm.s32 $0x10A00  }
0xcd: {  	[tilespmem:s29], [sflag:$0x2] =	stream.indirect_vreg.gather [hbm4b:s3+s4], $0x80, v3, vm0, $0xb8;
	[tilespmem:$0x18200] =	vst v63  }
0xce: {  	v3 =	vld [tilespmem:$0x150];
	_ =	sdelay $0x4  }
0xcf: {  	v45 =	vshll.u32 v3, $0x1  }
0xd0: {  	v3 =	vand.u32 $0x7, v3;
	v4 =	vand.u32 $0xFFFFFFF0, v45  }
0xd1: {  	v3 =	vor.u32 v3, v4  }
0xd2: {  	v4 =	vperm.xlane v3, v0;
	_ =	sdelay $0x1  }
0xd3: {  	v3 =	vperm.xlane v3, v2;
	v4 =	vadd.s32 v1, v4;
	_ =	sdelay $0x1  }
0xd4: {  	v3 =	vadd.s32 v1, v3;
	_ =	sdelay $0x1  }
0xd5: {  	s30 =	simm.s32 $0x11200  }
0xd6: {  	[tilespmem:s30], [sflag:$0x2] =	stream.indirect_vreg.gather [hbm4b:s3+s4], $0x80, v4, vm0, $0xb8;
	[tilespmem:$0x18200] =	vst v63  }
0xd7: {  	s5 =	simm.s32 $0x11A00  }
0xd8: {  	[tilespmem:s5], [sflag:$0x2] =	stream.indirect_vreg.gather [hbm4b:s3+s4], $0x80, v3, vm0, $0xb8;
	[tilespmem:$0x18200] =	vst v63  }
0xd9: {  	v3 =	vld [tilespmem:$0x160];
	_ =	sdelay $0x4  }
0xda: {  	v46 =	vshll.u32 v3, $0x1  }
0xdb: {  	v3 =	vand.u32 $0x7, v3;
	v4 =	vand.u32 $0xFFFFFFF0, v46  }
0xdc: {  	v3 =	vor.u32 v3, v4  }
0xdd: {  	v4 =	vperm.xlane v3, v0;
	_ =	sdelay $0x1  }
0xde: {  	v3 =	vperm.xlane v3, v2;
	v4 =	vadd.s32 v1, v4;
	_ =	sdelay $0x1  }
0xdf: {  	v3 =	vadd.s32 v1, v3;
	_ =	sdelay $0x1  }
0xe0: {  	s6 =	simm.s32 $0x12200  }
0xe1: {  	[tilespmem:s6], [sflag:$0x2] =	stream.indirect_vreg.gather [hbm4b:s3+s4], $0x80, v4, vm0, $0xb8;
	[tilespmem:$0x18200] =	vst v63  }
0xe2: {  	s7 =	simm.s32 $0x12A00  }
0xe3: {  	[tilespmem:s7], [sflag:$0x2] =	stream.indirect_vreg.gather [hbm4b:s3+s4], $0x80, v3, vm0, $0xb8;
	[tilespmem:$0x18200] =	vst v63  }
0xe4: {  	v3 =	vld [tilespmem:$0x170];
	_ =	sdelay $0x4  }
0xe5: {  	v47 =	vshll.u32 v3, $0x1  }
0xe6: {  	v3 =	vand.u32 $0x7, v3;
	v4 =	vand.u32 $0xFFFFFFF0, v47  }
0xe7: {  	v3 =	vor.u32 v3, v4  }
0xe8: {  	v4 =	vperm.xlane v3, v0;
	_ =	sdelay $0x1  }
0xe9: {  	v3 =	vperm.xlane v3, v2;
	v4 =	vadd.s32 v1, v4;
	_ =	sdelay $0x1  }
0xea: {  	v3 =	vadd.s32 v1, v3;
	_ =	sdelay $0x1  }
0xeb: {  	s8 =	simm.s32 $0x13200  }
0xec: {  	[tilespmem:s8], [sflag:$0x2] =	stream.indirect_vreg.gather [hbm4b:s3+s4], $0x80, v4, vm0, $0xb8;
	[tilespmem:$0x18200] =	vst v63  }
0xed: {  	s9 =	simm.s32 $0x13A00  }
0xee: {  	[tilespmem:s9], [sflag:$0x2] =	stream.indirect_vreg.gather [hbm4b:s3+s4], $0x80, v3, vm0, $0xb8;
	[tilespmem:$0x18200] =	vst v63  }
0xef: {  	v3 =	vld [tilespmem:$0x80];
	_ =	sdelay $0x4  }
0xf0: {  	v48 =	vshll.u32 v3, $0x1  }
0xf1: {  	v3 =	vand.u32 $0x7, v3;
	v4 =	vand.u32 $0xFFFFFFF0, v48  }
0xf2: {  	v3 =	vor.u32 v3, v4  }
0xf3: {  	v4 =	vperm.xlane v3, v0;
	_ =	sdelay $0x1  }
0xf4: {  	v3 =	vperm.xlane v3, v2;
	v4 =	vadd.s32 v1, v4;
	_ =	sdelay $0x1  }
0xf5: {  	v3 =	vadd.s32 v1, v3;
	_ =	sdelay $0x1  }
0xf6: {  	s10 =	simm.s32 $0x8200  }
0xf7: {  	[tilespmem:s10], [sflag:$0x1] =	stream.indirect_vreg.gather [hbm4b:s1+s4], $0x80, v4, vm0, $0xb8;
	[tilespmem:$0x18200] =	vst v63  }
0xf8: {  	s11 =	simm.s32 $0x8A00  }
0xf9: {  	[tilespmem:s11], [sflag:$0x1] =	stream.indirect_vreg.gather [hbm4b:s1+s4], $0x80, v3, vm0, $0xb8;
	[tilespmem:$0x18200] =	vst v63  }
0xfa: {  	v3 =	vld [tilespmem:$0x90];
	_ =	sdelay $0x4  }
0xfb: {  	v49 =	vshll.u32 v3, $0x1  }
0xfc: {  	v3 =	vand.u32 $0x7, v3;
	v4 =	vand.u32 $0xFFFFFFF0, v49  }
0xfd: {  	v3 =	vor.u32 v3, v4  }
0xfe: {  	v4 =	vperm.xlane v3, v0;
	_ =	sdelay $0x1  }
0xff: {  	v3 =	vperm.xlane v3, v2;
	v4 =	vadd.s32 v1, v4;
	_ =	sdelay $0x1  }
0x100: {  	v3 =	vadd.s32 v1, v3;
	_ =	sdelay $0x1  }
0x101: {  	s12 =	simm.s32 $0x9200  }
0x102: {  	[tilespmem:s12], [sflag:$0x1] =	stream.indirect_vreg.gather [hbm4b:s1+s4], $0x80, v4, vm0, $0xb8;
	[tilespmem:$0x18200] =	vst v63  }
0x103: {  	s13 =	simm.s32 $0x9A00  }
0x104: {  	[tilespmem:s13], [sflag:$0x1] =	stream.indirect_vreg.gather [hbm4b:s1+s4], $0x80, v3, vm0, $0xb8;
	[tilespmem:$0x18200] =	vst v63  }
0x105: {  	v3 =	vld [tilespmem:$0xA0];
	_ =	sdelay $0x4  }
0x106: {  	v50 =	vshll.u32 v3, $0x1  }
0x107: {  	v3 =	vand.u32 $0x7, v3;
	v4 =	vand.u32 $0xFFFFFFF0, v50  }
0x108: {  	v3 =	vor.u32 v3, v4  }
0x109: {  	v4 =	vperm.xlane v3, v0;
	_ =	sdelay $0x1  }
0x10a: {  	v3 =	vperm.xlane v3, v2;
	v4 =	vadd.s32 v1, v4;
	_ =	sdelay $0x1  }
0x10b: {  	v3 =	vadd.s32 v1, v3;
	_ =	sdelay $0x1  }
0x10c: {  	s14 =	simm.s32 $0xA200  }
0x10d: {  	[tilespmem:s14], [sflag:$0x1] =	stream.indirect_vreg.gather [hbm4b:s1+s4], $0x80, v4, vm0, $0xb8;
	[tilespmem:$0x18200] =	vst v63  }
0x10e: {  	s15 =	simm.s32 $0xAA00  }
0x10f: {  	[tilespmem:s15], [sflag:$0x1] =	stream.indirect_vreg.gather [hbm4b:s1+s4], $0x80, v3, vm0, $0xb8;
	[tilespmem:$0x18200] =	vst v63  }
0x110: {  	v3 =	vld [tilespmem:$0xB0];
	_ =	sdelay $0x4  }
0x111: {  	v51 =	vshll.u32 v3, $0x1  }
0x112: {  	v3 =	vand.u32 $0x7, v3;
	v4 =	vand.u32 $0xFFFFFFF0, v51  }
0x113: {  	v3 =	vor.u32 v3, v4  }
0x114: {  	v4 =	vperm.xlane v3, v0;
	_ =	sdelay $0x1  }
0x115: {  	v3 =	vperm.xlane v3, v2;
	v4 =	vadd.s32 v1, v4;
	_ =	sdelay $0x1  }
0x116: {  	v3 =	vadd.s32 v1, v3;
	_ =	sdelay $0x1  }
0x117: {  	s22 =	simm.s32 $0xB200  }
0x118: {  	[tilespmem:s22], [sflag:$0x1] =	stream.indirect_vreg.gather [hbm4b:s1+s4], $0x80, v4, vm0, $0xb8;
	[tilespmem:$0x18200] =	vst v63  }
0x119: {  	s24 =	simm.s32 $0xBA00  }
0x11a: {  	[tilespmem:s24], [sflag:$0x1] =	stream.indirect_vreg.gather [hbm4b:s1+s4], $0x80, v3, vm0, $0xb8;
	[tilespmem:$0x18200] =	vst v63  }
0x11b: {  	v3 =	vld [tilespmem:$0x180];
	_ =	sdelay $0x4  }
0x11c: {  	v52 =	vshll.u32 v3, $0x1  }
0x11d: {  	v3 =	vand.u32 $0x7, v3;
	v4 =	vand.u32 $0xFFFFFFF0, v52  }
0x11e: {  	v3 =	vor.u32 v3, v4  }
0x11f: {  	v4 =	vperm.xlane v3, v0;
	_ =	sdelay $0x1  }
0x120: {  	v3 =	vperm.xlane v3, v2;
	v4 =	vadd.s32 v1, v4;
	_ =	sdelay $0x1  }
0x121: {  	v3 =	vadd.s32 v1, v3;
	_ =	sdelay $0x1  }
0x122: {  	s25 =	simm.s32 $0x14200  }
0x123: {  	[tilespmem:s25], [sflag:$0x2] =	stream.indirect_vreg.gather [hbm4b:s3+s4], $0x80, v4, vm0, $0xb8;
	[tilespmem:$0x18200] =	vst v63  }
0x124: {  	s26 =	simm.s32 $0x14A00  }
0x125: {  	[tilespmem:s26], [sflag:$0x2] =	stream.indirect_vreg.gather [hbm4b:s3+s4], $0x80, v3, vm0, $0xb8;
	[tilespmem:$0x18200] =	vst v63  }
0x126: {  	v3 =	vld [tilespmem:$0x190];
	_ =	sdelay $0x4  }
0x127: {  	v53 =	vshll.u32 v3, $0x1  }
0x128: {  	v3 =	vand.u32 $0x7, v3;
	v4 =	vand.u32 $0xFFFFFFF0, v53  }
0x129: {  	v3 =	vor.u32 v3, v4  }
0x12a: {  	v4 =	vperm.xlane v3, v0;
	_ =	sdelay $0x1  }
0x12b: {  	v3 =	vperm.xlane v3, v2;
	v4 =	vadd.s32 v1, v4;
	_ =	sdelay $0x1  }
0x12c: {  	v3 =	vadd.s32 v1, v3;
	_ =	sdelay $0x1  }
0x12d: {  	s28 =	simm.s32 $0x15200  }
0x12e: {  	[tilespmem:s28], [sflag:$0x2] =	stream.indirect_vreg.gather [hbm4b:s3+s4], $0x80, v4, vm0, $0xb8;
	[tilespmem:$0x18200] =	vst v63  }
0x12f: {  	s29 =	simm.s32 $0x15A00  }
0x130: {  	[tilespmem:s29], [sflag:$0x2] =	stream.indirect_vreg.gather [hbm4b:s3+s4], $0x80, v3, vm0, $0xb8;
	[tilespmem:$0x18200] =	vst v63  }
0x131: {  	v3 =	vld [tilespmem:$0x1A0];
	_ =	sdelay $0x4  }
0x132: {  	v54 =	vshll.u32 v3, $0x1  }
0x133: {  	v3 =	vand.u32 $0x7, v3;
	v4 =	vand.u32 $0xFFFFFFF0, v54  }
0x134: {  	v3 =	vor.u32 v3, v4  }
0x135: {  	v4 =	vperm.xlane v3, v0;
	_ =	sdelay $0x1  }
0x136: {  	v3 =	vperm.xlane v3, v2;
	v4 =	vadd.s32 v1, v4;
	_ =	sdelay $0x1  }
0x137: {  	v3 =	vadd.s32 v1, v3;
	_ =	sdelay $0x1  }
0x138: {  	s30 =	simm.s32 $0x16200  }
0x139: {  	[tilespmem:s30], [sflag:$0x2] =	stream.indirect_vreg.gather [hbm4b:s3+s4], $0x80, v4, vm0, $0xb8;
	[tilespmem:$0x18200] =	vst v63  }
0x13a: {  	s5 =	simm.s32 $0x16A00  }
0x13b: {  	[tilespmem:s5], [sflag:$0x2] =	stream.indirect_vreg.gather [hbm4b:s3+s4], $0x80, v3, vm0, $0xb8;
	[tilespmem:$0x18200] =	vst v63  }
0x13c: {  	v3 =	vld [tilespmem:$0x1B0];
	_ =	sdelay $0x4  }
0x13d: {  	v55 =	vshll.u32 v3, $0x1  }
0x13e: {  	v3 =	vand.u32 $0x7, v3;
	v4 =	vand.u32 $0xFFFFFFF0, v55  }
0x13f: {  	v3 =	vor.u32 v3, v4  }
0x140: {  	v4 =	vperm.xlane v3, v0;
	_ =	sdelay $0x1  }
0x141: {  	v3 =	vperm.xlane v3, v2;
	v4 =	vadd.s32 v1, v4;
	_ =	sdelay $0x1  }
0x142: {  	v3 =	vadd.s32 v1, v3;
	_ =	sdelay $0x1  }
0x143: {  	s6 =	simm.s32 $0x17200  }
0x144: {  	[tilespmem:s6], [sflag:$0x2] =	stream.indirect_vreg.gather [hbm4b:s3+s4], $0x80, v4, vm0, $0xb8;
	[tilespmem:$0x18200] =	vst v63  }
0x145: {  	s7 =	simm.s32 $0x17A00  }
0x146: {  	[tilespmem:s7], [sflag:$0x2] =	stream.indirect_vreg.gather [hbm4b:s3+s4], $0x80, v3, vm0, $0xb8;
	[tilespmem:$0x18200] =	vst v63  }
0x147: {  	_ =	swait.ge [sflag:s31], $0x4000  }
0x148: {  	[sflag:s31] =	ssyncset.done $0x0  }
0x149: {  	s22 =	smov.u32 s21;
	s21 =	simm.s32 $0x2;
	[sflag:s31] =	ssyncadd.s32 $0xFFFFC000  }
0x14a: {  	_ =	swait.ge [sflag:s21], $0x4000  }
0x14b: {  	s5 =	sld [smem:$0x7E9]  }
0x14c: {  	[sflag:s21] =	ssyncset.done $0x0  }
0x14d: {  	s29 =	simm.s32 $0x200;
	[sflag:s21] =	ssyncadd.s32 $0xFFFFC000  }
0x14e: {  	[hbm4b:s5+s4] =	stream.linear.scatter [tilespmem:s29], [sflag:$0x3], $0x400, $0x38;
	[tilespmem:$0x18200] =	vst v63  }
0x14f: {  	s30 =	simm.s32 $0xA00;
	s8 =	sadd.s32 $0x80, s5  }
0x150: {  	[hbm4b:s8+s4] =	stream.linear.scatter [tilespmem:s30], [sflag:$0x3], $0x400, $0x38;
	[tilespmem:$0x18200] =	vst v63  }
0x151: {  	s28 =	simm.s32 $0x1200;
	s9 =	sadd.s32 $0x100, s5  }
0x152: {  	[hbm4b:s9+s4] =	stream.linear.scatter [tilespmem:s28], [sflag:$0x3], $0x400, $0x38;
	[tilespmem:$0x18200] =	vst v63  }
0x153: {  	s26 =	simm.s32 $0x1A00;
	s10 =	sadd.s32 $0x180, s5  }
0x154: {  	[hbm4b:s10+s4] =	stream.linear.scatter [tilespmem:s26], [sflag:$0x3], $0x400, $0x38;
	[tilespmem:$0x18200] =	vst v63  }
0x155: {  	s6 =	simm.s32 $0x2200;
	s11 =	sadd.s32 $0x200, s5  }
0x156: {  	[hbm4b:s11+s4] =	stream.linear.scatter [tilespmem:s6], [sflag:$0x3], $0x400, $0x38;
	[tilespmem:$0x18200] =	vst v63  }
0x157: {  	s25 =	simm.s32 $0x2A00;
	s12 =	sadd.s32 $0x280, s5  }
0x158: {  	[hbm4b:s12+s4] =	stream.linear.scatter [tilespmem:s25], [sflag:$0x3], $0x400, $0x38;
	[tilespmem:$0x18200] =	vst v63  }
0x159: {  	s13 =	sadd.s32 $0x300, s5;
	s11 =	simm.s32 $0x3200  }
0x15a: {  	[hbm4b:s13+s4] =	stream.linear.scatter [tilespmem:s11], [sflag:$0x3], $0x400, $0x38;
	[tilespmem:$0x18200] =	vst v63  }
0x15b: {  	s14 =	sadd.s32 $0x380, s5;
	s5 =	sld [smem:$0x7EA];
	s9 =	simm.s32 $0x3A00  }
0x15c: {  	[hbm4b:s14+s4] =	stream.linear.scatter [tilespmem:s9], [sflag:$0x3], $0x400, $0x38;
	[tilespmem:$0x18200] =	vst v63  }
0x15d: {  	s15 =	simm.s32 $0x600  }
0x15e: {  	[hbm4b:s5+s4] =	stream.linear.scatter [tilespmem:s15], [sflag:$0x3], $0x400, $0x38;
	[tilespmem:$0x18200] =	vst v63  }
0x15f: {  	s7 =	simm.s32 $0xE00;
	s24 =	sadd.s32 $0x80, s5  }
0x160: {  	[hbm4b:s24+s4] =	stream.linear.scatter [tilespmem:s7], [sflag:$0x3], $0x400, $0x38;
	[tilespmem:$0x18200] =	vst v63  }
0x161: {  	s8 =	simm.s32 $0x1600;
	s7 =	sadd.s32 $0x100, s5  }
0x162: {  	[hbm4b:s7+s4] =	stream.linear.scatter [tilespmem:s8], [sflag:$0x3], $0x400, $0x38;
	[tilespmem:$0x18200] =	vst v63  }
0x163: {  	s10 =	sadd.s32 $0x180, s5;
	s12 =	simm.s32 $0x1E00  }
0x164: {  	[hbm4b:s10+s4] =	stream.linear.scatter [tilespmem:s12], [sflag:$0x3], $0x400, $0x38;
	[tilespmem:$0x18200] =	vst v63  }
0x165: {  	s13 =	sadd.s32 $0x200, s5;
	s14 =	simm.s32 $0x2600  }
0x166: {  	[hbm4b:s13+s4] =	stream.linear.scatter [tilespmem:s14], [sflag:$0x3], $0x400, $0x38;
	[tilespmem:$0x18200] =	vst v63  }
0x167: {  	s15 =	sadd.s32 $0x280, s5;
	s24 =	simm.s32 $0x2E00  }
0x168: {  	[hbm4b:s15+s4] =	stream.linear.scatter [tilespmem:s24], [sflag:$0x3], $0x400, $0x38;
	[tilespmem:$0x18200] =	vst v63  }
0x169: {  	s8 =	sadd.s32 $0x300, s5;
	s10 =	simm.s32 $0x3600  }
0x16a: {  	[hbm4b:s8+s4] =	stream.linear.scatter [tilespmem:s10], [sflag:$0x3], $0x400, $0x38;
	[tilespmem:$0x18200] =	vst v63  }
0x16b: {  	s12 =	sadd.s32 $0x380, s5;
	s13 =	simm.s32 $0x3E00;
	s8 =	sld [smem:$0x7EB]  }
0x16c: {  	[hbm4b:s12+s4] =	stream.linear.scatter [tilespmem:s13], [sflag:$0x3], $0x400, $0x38;
	[tilespmem:$0x18200] =	vst v63  }
0x16d: {  	s7 =	simm.s32 $0xC200  }
0x16e: {  	[hbm4b:s8+s4] =	stream.linear.scatter [tilespmem:s7], [sflag:$0x3], $0x400, $0x38;
	[tilespmem:$0x18200] =	vst v63  }
0x16f: {  	s5 =	simm.s32 $0xCA00;
	s14 =	sadd.s32 $0x80, s8  }
0x170: {  	[hbm4b:s14+s4] =	stream.linear.scatter [tilespmem:s5], [sflag:$0x3], $0x400, $0x38;
	[tilespmem:$0x18200] =	vst v63  }
0x171: {  	s12 =	simm.s32 $0xD200;
	s15 =	sadd.s32 $0x100, s8  }
0x172: {  	[hbm4b:s15+s4] =	stream.linear.scatter [tilespmem:s12], [sflag:$0x3], $0x400, $0x38;
	[tilespmem:$0x18200] =	vst v63  }
0x173: {  	s10 =	simm.s32 $0xDA00;
	s24 =	sadd.s32 $0x180, s8  }
0x174: {  	[hbm4b:s24+s4] =	stream.linear.scatter [tilespmem:s10], [sflag:$0x3], $0x400, $0x38;
	[tilespmem:$0x18200] =	vst v63  }
0x175: {  	s13 =	sadd.s32 $0x200, s8;
	s14 =	simm.s32 $0xE200  }
0x176: {  	[hbm4b:s13+s4] =	stream.linear.scatter [tilespmem:s14], [sflag:$0x3], $0x400, $0x38;
	[tilespmem:$0x18200] =	vst v63  }
0x177: {  	s15 =	sadd.s32 $0x280, s8;
	s13 =	simm.s32 $0xEA00  }
0x178: {  	[hbm4b:s15+s4] =	stream.linear.scatter [tilespmem:s13], [sflag:$0x3], $0x400, $0x38;
	[tilespmem:$0x18200] =	vst v63  }
0x179: {  	s24 =	sadd.s32 $0x300, s8  }
0x17a: {  	[hbm4b:s24+s4] =	stream.linear.scatter [tilespmem:s16], [sflag:$0x3], $0x400, $0x38;
	[tilespmem:$0x18200] =	vst v63  }
0x17b: {  	s8 =	sadd.s32 $0x380, s8;
	s15 =	simm.s32 $0xFA00  }
0x17c: {  	[hbm4b:s8+s4] =	stream.linear.scatter [tilespmem:s15], [sflag:$0x3], $0x400, $0x38;
	[tilespmem:$0x18200] =	vst v63  }
0x17d: {  	s8 =	sld [smem:$0x7EC];
	_ =	sdelay $0x1  }
0x17e: {  	s24 =	simm.s32 $0xC600  }
0x17f: {  	[hbm4b:s8+s4] =	stream.linear.scatter [tilespmem:s24], [sflag:$0x3], $0x400, $0x38;
	[tilespmem:$0x18200] =	vst v63  }
0x180: {  	s0 =	sadd.s32 $0x80, s8;
	s24 =	simm.s32 $0xCE00  }
0x181: {  	[hbm4b:s0+s4] =	stream.linear.scatter [tilespmem:s24], [sflag:$0x3], $0x400, $0x38;
	[tilespmem:$0x18200] =	vst v63  }
0x182: {  	s0 =	sadd.s32 $0x100, s8;
	s24 =	simm.s32 $0xD600  }
0x183: {  	[hbm4b:s0+s4] =	stream.linear.scatter [tilespmem:s24], [sflag:$0x3], $0x400, $0x38;
	[tilespmem:$0x18200] =	vst v63  }
0x184: {  	s0 =	sadd.s32 $0x180, s8;
	s24 =	simm.s32 $0xDE00  }
0x185: {  	[hbm4b:s0+s4] =	stream.linear.scatter [tilespmem:s24], [sflag:$0x3], $0x400, $0x38;
	[tilespmem:$0x18200] =	vst v63  }
0x186: {  	s0 =	sadd.s32 $0x200, s8;
	s24 =	simm.s32 $0xE600  }
0x187: {  	[hbm4b:s0+s4] =	stream.linear.scatter [tilespmem:s24], [sflag:$0x3], $0x400, $0x38;
	[tilespmem:$0x18200] =	vst v63  }
0x188: {  	s0 =	sadd.s32 $0x280, s8;
	s24 =	simm.s32 $0xEE00  }
0x189: {  	[hbm4b:s0+s4] =	stream.linear.scatter [tilespmem:s24], [sflag:$0x3], $0x400, $0x38;
	[tilespmem:$0x18200] =	vst v63  }
0x18a: {  	s0 =	sadd.s32 $0x300, s8;
	s24 =	simm.s32 $0xF600  }
0x18b: {  	[hbm4b:s0+s4] =	stream.linear.scatter [tilespmem:s24], [sflag:$0x3], $0x400, $0x38;
	[tilespmem:$0x18200] =	vst v63  }
0x18c: {  	s8 =	sadd.s32 $0x380, s8;
	s24 =	simm.s32 $0xFE00  }
0x18d: {  	[hbm4b:s8+s4] =	stream.linear.scatter [tilespmem:s24], [sflag:$0x3], $0x400, $0x38;
	[tilespmem:$0x18200] =	vst v63  }
0x18e: {  	_ =	swait.ge [sflag:s2], $0x2000  }
0x18f: {  	[sflag:s2] =	ssyncset.done $0x0  }
0x190: {  	[sflag:s2] =	ssyncadd.s32 $0xFFFFE000  }
0x191: {  	_ =	swait.ge [sflag:s2], $0x2000  }
0x192: {  	[sflag:s2] =	ssyncset.done $0x0  }
0x193: {  	[sflag:s2] =	ssyncadd.s32 $0xFFFFE000  }
0x194: {  	_ =	swait.ge [sflag:s2], $0x2000  }
0x195: {  	[sflag:s2] =	ssyncset.done $0x0  }
0x196: {  	[sflag:s2] =	ssyncadd.s32 $0xFFFFE000  }
0x197: {  	_ =	swait.ge [sflag:s2], $0x2000  }
0x198: {  	[sflag:s2] =	ssyncset.done $0x0  }
0x199: {  	[sflag:s2] =	ssyncadd.s32 $0xFFFFE000  }
0x19a: {  	v3 =	vld [tilespmem:$0xC0];
	_ =	sdelay $0x4  }
0x19b: {  	v56 =	vshll.u32 v3, $0x1  }
0x19c: {  	v3 =	vand.u32 $0x7, v3;
	v4 =	vand.u32 $0xFFFFFFF0, v56  }
0x19d: {  	v3 =	vor.u32 v3, v4  }
0x19e: {  	v4 =	vperm.xlane v3, v0;
	_ =	sdelay $0x1  }
0x19f: {  	v3 =	vperm.xlane v3, v2;
	v4 =	vadd.s32 v1, v4;
	_ =	sdelay $0x1  }
0x1a0: {  	v3 =	vadd.s32 v1, v3;
	_ =	sdelay $0x2  }
0x1a1: {  	[tilespmem:s29], [sflag:$0x1] =	stream.indirect_vreg.gather [hbm4b:s1+s4], $0x80, v4, vm0, $0xb8;
	[tilespmem:$0x18200] =	vst v63  }
0x1a2: {  	_ = 	snop  }
0x1a3: {  	[tilespmem:s30], [sflag:$0x1] =	stream.indirect_vreg.gather [hbm4b:s1+s4], $0x80, v3, vm0, $0xb8;
	[tilespmem:$0x18200] =	vst v63  }
0x1a4: {  	v3 =	vld [tilespmem:$0xD0];
	_ =	sdelay $0x4  }
0x1a5: {  	v57 =	vshll.u32 v3, $0x1  }
0x1a6: {  	v3 =	vand.u32 $0x7, v3;
	v4 =	vand.u32 $0xFFFFFFF0, v57  }
0x1a7: {  	v3 =	vor.u32 v3, v4  }
0x1a8: {  	v4 =	vperm.xlane v3, v0;
	_ =	sdelay $0x1  }
0x1a9: {  	v3 =	vperm.xlane v3, v2;
	v4 =	vadd.s32 v1, v4;
	_ =	sdelay $0x1  }
0x1aa: {  	v3 =	vadd.s32 v1, v3;
	_ =	sdelay $0x2  }
0x1ab: {  	[tilespmem:s28], [sflag:$0x1] =	stream.indirect_vreg.gather [hbm4b:s1+s4], $0x80, v4, vm0, $0xb8;
	[tilespmem:$0x18200] =	vst v63  }
0x1ac: {  	_ = 	snop  }
0x1ad: {  	[tilespmem:s26], [sflag:$0x1] =	stream.indirect_vreg.gather [hbm4b:s1+s4], $0x80, v3, vm0, $0xb8;
	[tilespmem:$0x18200] =	vst v63  }
0x1ae: {  	v3 =	vld [tilespmem:$0xE0];
	_ =	sdelay $0x4  }
0x1af: {  	v58 =	vshll.u32 v3, $0x1  }
0x1b0: {  	v3 =	vand.u32 $0x7, v3;
	v4 =	vand.u32 $0xFFFFFFF0, v58  }
0x1b1: {  	v3 =	vor.u32 v3, v4  }
0x1b2: {  	v4 =	vperm.xlane v3, v0;
	_ =	sdelay $0x1  }
0x1b3: {  	v3 =	vperm.xlane v3, v2;
	v4 =	vadd.s32 v1, v4;
	_ =	sdelay $0x1  }
0x1b4: {  	v3 =	vadd.s32 v1, v3;
	_ =	sdelay $0x2  }
0x1b5: {  	[tilespmem:s6], [sflag:$0x1] =	stream.indirect_vreg.gather [hbm4b:s1+s4], $0x80, v4, vm0, $0xb8;
	[tilespmem:$0x18200] =	vst v63  }
0x1b6: {  	_ = 	snop  }
0x1b7: {  	[tilespmem:s25], [sflag:$0x1] =	stream.indirect_vreg.gather [hbm4b:s1+s4], $0x80, v3, vm0, $0xb8;
	[tilespmem:$0x18200] =	vst v63  }
0x1b8: {  	v3 =	vld [tilespmem:$0xF0];
	_ =	sdelay $0x4  }
0x1b9: {  	v59 =	vshll.u32 v3, $0x1  }
0x1ba: {  	v3 =	vand.u32 $0x7, v3;
	v4 =	vand.u32 $0xFFFFFFF0, v59  }
0x1bb: {  	v3 =	vor.u32 v3, v4  }
0x1bc: {  	v4 =	vperm.xlane v3, v0;
	_ =	sdelay $0x1  }
0x1bd: {  	v3 =	vperm.xlane v3, v2;
	v4 =	vadd.s32 v1, v4;
	_ =	sdelay $0x1  }
0x1be: {  	v3 =	vadd.s32 v1, v3;
	_ =	sdelay $0x2  }
0x1bf: {  	[tilespmem:s11], [sflag:$0x1] =	stream.indirect_vreg.gather [hbm4b:s1+s4], $0x80, v4, vm0, $0xb8;
	[tilespmem:$0x18200] =	vst v63  }
0x1c0: {  	_ = 	snop  }
0x1c1: {  	[tilespmem:s9], [sflag:$0x1] =	stream.indirect_vreg.gather [hbm4b:s1+s4], $0x80, v3, vm0, $0xb8;
	[tilespmem:$0x18200] =	vst v63  }
0x1c2: {  	v3 =	vld [tilespmem:$0x1C0];
	_ =	sdelay $0x4  }
0x1c3: {  	v60 =	vshll.u32 v3, $0x1  }
0x1c4: {  	v3 =	vand.u32 $0x7, v3;
	v4 =	vand.u32 $0xFFFFFFF0, v60  }
0x1c5: {  	v3 =	vor.u32 v3, v4  }
0x1c6: {  	v4 =	vperm.xlane v3, v0;
	_ =	sdelay $0x1  }
0x1c7: {  	v3 =	vperm.xlane v3, v2;
	v4 =	vadd.s32 v1, v4;
	_ =	sdelay $0x1  }
0x1c8: {  	v3 =	vadd.s32 v1, v3;
	_ =	sdelay $0x2  }
0x1c9: {  	[tilespmem:s7], [sflag:$0x2] =	stream.indirect_vreg.gather [hbm4b:s3+s4], $0x80, v4, vm0, $0xb8;
	[tilespmem:$0x18200] =	vst v63  }
0x1ca: {  	_ = 	snop  }
0x1cb: {  	[tilespmem:s5], [sflag:$0x2] =	stream.indirect_vreg.gather [hbm4b:s3+s4], $0x80, v3, vm0, $0xb8;
	[tilespmem:$0x18200] =	vst v63  }
0x1cc: {  	v3 =	vld [tilespmem:$0x1D0];
	_ =	sdelay $0x4  }
0x1cd: {  	v61 =	vshll.u32 v3, $0x1  }
0x1ce: {  	v3 =	vand.u32 $0x7, v3;
	v4 =	vand.u32 $0xFFFFFFF0, v61  }
0x1cf: {  	v3 =	vor.u32 v3, v4  }
0x1d0: {  	v4 =	vperm.xlane v3, v0;
	_ =	sdelay $0x1  }
0x1d1: {  	v3 =	vperm.xlane v3, v2;
	v4 =	vadd.s32 v1, v4;
	_ =	sdelay $0x1  }
0x1d2: {  	v3 =	vadd.s32 v1, v3;
	_ =	sdelay $0x2  }
0x1d3: {  	[tilespmem:s12], [sflag:$0x2] =	stream.indirect_vreg.gather [hbm4b:s3+s4], $0x80, v4, vm0, $0xb8;
	[tilespmem:$0x18200] =	vst v63  }
0x1d4: {  	_ = 	snop  }
0x1d5: {  	[tilespmem:s10], [sflag:$0x2] =	stream.indirect_vreg.gather [hbm4b:s3+s4], $0x80, v3, vm0, $0xb8;
	[tilespmem:$0x18200] =	vst v63  }
0x1d6: {  	v3 =	vld [tilespmem:$0x1E0];
	_ =	sdelay $0x4  }
0x1d7: {  	v62 =	vshll.u32 v3, $0x1  }
0x1d8: {  	v3 =	vand.u32 $0x7, v3;
	v4 =	vand.u32 $0xFFFFFFF0, v62  }
0x1d9: {  	v3 =	vor.u32 v3, v4  }
0x1da: {  	v4 =	vperm.xlane v3, v0;
	_ =	sdelay $0x1  }
0x1db: {  	v3 =	vperm.xlane v3, v2;
	v4 =	vadd.s32 v1, v4;
	_ =	sdelay $0x1  }
0x1dc: {  	v3 =	vadd.s32 v1, v3;
	_ =	sdelay $0x2  }
0x1dd: {  	[tilespmem:s14], [sflag:$0x2] =	stream.indirect_vreg.gather [hbm4b:s3+s4], $0x80, v4, vm0, $0xb8;
	[tilespmem:$0x18200] =	vst v63  }
0x1de: {  	_ = 	snop  }
0x1df: {  	[tilespmem:s13], [sflag:$0x2] =	stream.indirect_vreg.gather [hbm4b:s3+s4], $0x80, v3, vm0, $0xb8;
	[tilespmem:$0x18200] =	vst v63  }
0x1e0: {  	v3 =	vld [tilespmem:$0x1F0];
	_ =	sdelay $0x4  }
0x1e1: {  	v63 =	vshll.u32 v3, $0x1  }
0x1e2: {  	v3 =	vand.u32 $0x7, v3;
	v4 =	vand.u32 $0xFFFFFFF0, v63  }
0x1e3: {  	v3 =	vor.u32 v3, v4  }
0x1e4: {  	v4 =	vperm.xlane v3, v0;
	_ =	sdelay $0x1  }
0x1e5: {  	v3 =	vperm.xlane v3, v2;
	v4 =	vadd.s32 v1, v4;
	_ =	sdelay $0x1  }
0x1e6: {  	v3 =	vadd.s32 v1, v3;
	_ =	sdelay $0x2  }
0x1e7: {  	[tilespmem:s16], [sflag:$0x2] =	stream.indirect_vreg.gather [hbm4b:s3+s4], $0x80, v4, vm0, $0xb8;
	[tilespmem:$0x18200] =	vst v63  }
0x1e8: {  	_ = 	snop  }
0x1e9: {  	[tilespmem:s15], [sflag:$0x2] =	stream.indirect_vreg.gather [hbm4b:s3+s4], $0x80, v3, vm0, $0xb8;
	[tilespmem:$0x18200] =	vst v63  }
0x1ea: {  	_ =	swait.ge [sflag:s31], $0x4000  }
0x1eb: {  	[sflag:s31] =	ssyncset.done $0x0  }
0x1ec: {  	[sflag:s31] =	ssyncadd.s32 $0xFFFFC000  }
0x1ed: {  	_ =	swait.ge [sflag:s21], $0x4000  }
0x1ee: {  	s5 =	sld [smem:$0x7ED]  }
0x1ef: {  	[sflag:s21] =	ssyncset.done $0x0  }
0x1f0: {  	s24 =	simm.s32 $0x4200;
	[sflag:s21] =	ssyncadd.s32 $0xFFFFC000  }
0x1f1: {  	[hbm4b:s5+s4] =	stream.linear.scatter [tilespmem:s24], [sflag:$0x3], $0x400, $0x38;
	[tilespmem:$0x18200] =	vst v63  }
0x1f2: {  	s15 =	sadd.s32 $0x80, s5;
	s24 =	simm.s32 $0x4A00  }
0x1f3: {  	[hbm4b:s15+s4] =	stream.linear.scatter [tilespmem:s24], [sflag:$0x3], $0x400, $0x38;
	[tilespmem:$0x18200] =	vst v63  }
0x1f4: {  	s15 =	sadd.s32 $0x100, s5;
	s24 =	simm.s32 $0x5200  }
0x1f5: {  	[hbm4b:s15+s4] =	stream.linear.scatter [tilespmem:s24], [sflag:$0x3], $0x400, $0x38;
	[tilespmem:$0x18200] =	vst v63  }
0x1f6: {  	s15 =	sadd.s32 $0x180, s5;
	s24 =	simm.s32 $0x5A00  }
0x1f7: {  	[hbm4b:s15+s4] =	stream.linear.scatter [tilespmem:s24], [sflag:$0x3], $0x400, $0x38;
	[tilespmem:$0x18200] =	vst v63  }
0x1f8: {  	s15 =	sadd.s32 $0x200, s5;
	s24 =	simm.s32 $0x6200  }
0x1f9: {  	[hbm4b:s15+s4] =	stream.linear.scatter [tilespmem:s24], [sflag:$0x3], $0x400, $0x38;
	[tilespmem:$0x18200] =	vst v63  }
0x1fa: {  	s15 =	sadd.s32 $0x280, s5;
	s24 =	simm.s32 $0x6A00  }
0x1fb: {  	[hbm4b:s15+s4] =	stream.linear.scatter [tilespmem:s24], [sflag:$0x3], $0x400, $0x38;
	[tilespmem:$0x18200] =	vst v63  }
0x1fc: {  	s24 =	sadd.s32 $0x300, s5  }
0x1fd: {  	[hbm4b:s24+s4] =	stream.linear.scatter [tilespmem:s23], [sflag:$0x3], $0x400, $0x38;
	[tilespmem:$0x18200] =	vst v63  }
0x1fe: {  	s5 =	sadd.s32 $0x380, s5;
	s24 =	simm.s32 $0x7A00  }
0x1ff: {  	[hbm4b:s5+s4] =	stream.linear.scatter [tilespmem:s24], [sflag:$0x3], $0x400, $0x38;
	[tilespmem:$0x18200] =	vst v63  }
0x200: {  	s5 =	sld [smem:$0x7EE];
	_ =	sdelay $0x1  }
0x201: {  	s15 =	rddreg [dreg:$0x9]  }
0x202: {  	[hbm4b:s5+s4] =	stream.linear.scatter [tilespmem:s15], [sflag:$0x3], $0x400, $0x38;
	[tilespmem:$0x18200] =	vst v63  }
0x203: {  	s0 =	rddreg [dreg:$0xa];
	s15 =	sadd.s32 $0x80, s5  }
0x204: {  	[hbm4b:s15+s4] =	stream.linear.scatter [tilespmem:s0], [sflag:$0x3], $0x400, $0x38;
	[tilespmem:$0x18200] =	vst v63  }
0x205: {  	s24 =	rddreg [dreg:$0xb];
	s15 =	sadd.s32 $0x100, s5  }
0x206: {  	[hbm4b:s15+s4] =	stream.linear.scatter [tilespmem:s24], [sflag:$0x3], $0x400, $0x38;
	[tilespmem:$0x18200] =	vst v63  }
0x207: {  	s23 =	rddreg [dreg:$0xc];
	s15 =	sadd.s32 $0x180, s5  }
0x208: {  	[hbm4b:s15+s4] =	stream.linear.scatter [tilespmem:s23], [sflag:$0x3], $0x400, $0x38;
	[tilespmem:$0x18200] =	vst v63  }
0x209: {  	s24 =	rddreg [dreg:$0xd];
	s15 =	sadd.s32 $0x200, s5  }
0x20a: {  	[hbm4b:s15+s4] =	stream.linear.scatter [tilespmem:s24], [sflag:$0x3], $0x400, $0x38;
	[tilespmem:$0x18200] =	vst v63  }
0x20b: {  	s23 =	rddreg [dreg:$0xe];
	s15 =	sadd.s32 $0x280, s5  }
0x20c: {  	[hbm4b:s15+s4] =	stream.linear.scatter [tilespmem:s23], [sflag:$0x3], $0x400, $0x38;
	[tilespmem:$0x18200] =	vst v63  }
0x20d: {  	s24 =	rddreg [dreg:$0xf];
	s23 =	sadd.s32 $0x300, s5  }
0x20e: {  	[hbm4b:s23+s4] =	stream.linear.scatter [tilespmem:s24], [sflag:$0x3], $0x400, $0x38;
	[tilespmem:$0x18200] =	vst v63  }
0x20f: {  	s15 =	rddreg [dreg:$0x10];
	s5 =	sadd.s32 $0x380, s5  }
0x210: {  	[hbm4b:s5+s4] =	stream.linear.scatter [tilespmem:s15], [sflag:$0x3], $0x400, $0x38;
	[tilespmem:$0x18200] =	vst v63  }
0x211: {  	s5 =	sld [smem:$0x7EF];
	_ =	sdelay $0x1  }
0x212: {  	s15 =	simm.s32 $0x10200  }
0x213: {  	[hbm4b:s5+s4] =	stream.linear.scatter [tilespmem:s15], [sflag:$0x3], $0x400, $0x38;
	[tilespmem:$0x18200] =	vst v63  }
0x214: {  	s24 =	simm.s32 $0x10A00;
	s23 =	sadd.s32 $0x80, s5  }
0x215: {  	[hbm4b:s23+s4] =	stream.linear.scatter [tilespmem:s24], [sflag:$0x3], $0x400, $0x38;
	[tilespmem:$0x18200] =	vst v63  }
0x216: {  	s23 =	sadd.s32 $0x100, s5;
	s24 =	simm.s32 $0x11200  }
0x217: {  	[hbm4b:s23+s4] =	stream.linear.scatter [tilespmem:s24], [sflag:$0x3], $0x400, $0x38;
	[tilespmem:$0x18200] =	vst v63  }
0x218: {  	s23 =	sadd.s32 $0x180, s5;
	s24 =	simm.s32 $0x11A00  }
0x219: {  	[hbm4b:s23+s4] =	stream.linear.scatter [tilespmem:s24], [sflag:$0x3], $0x400, $0x38;
	[tilespmem:$0x18200] =	vst v63  }
0x21a: {  	s23 =	sadd.s32 $0x200, s5;
	s24 =	simm.s32 $0x12200  }
0x21b: {  	[hbm4b:s23+s4] =	stream.linear.scatter [tilespmem:s24], [sflag:$0x3], $0x400, $0x38;
	[tilespmem:$0x18200] =	vst v63  }
0x21c: {  	s23 =	sadd.s32 $0x280, s5;
	s24 =	simm.s32 $0x12A00  }
0x21d: {  	[hbm4b:s23+s4] =	stream.linear.scatter [tilespmem:s24], [sflag:$0x3], $0x400, $0x38;
	[tilespmem:$0x18200] =	vst v63  }
0x21e: {  	s23 =	sadd.s32 $0x300, s5;
	s24 =	simm.s32 $0x13200  }
0x21f: {  	[hbm4b:s23+s4] =	stream.linear.scatter [tilespmem:s24], [sflag:$0x3], $0x400, $0x38;
	[tilespmem:$0x18200] =	vst v63  }
0x220: {  	s5 =	sadd.s32 $0x380, s5;
	s24 =	simm.s32 $0x13A00  }
0x221: {  	[hbm4b:s5+s4] =	stream.linear.scatter [tilespmem:s24], [sflag:$0x3], $0x400, $0x38;
	[tilespmem:$0x18200] =	vst v63  }
0x222: {  	s5 =	sld [smem:$0x7F0];
	_ =	sdelay $0x1  }
0x223: {  	s15 =	rddreg [dreg:$0x11]  }
0x224: {  	[hbm4b:s5+s4] =	stream.linear.scatter [tilespmem:s15], [sflag:$0x3], $0x400, $0x38;
	[tilespmem:$0x18200] =	vst v63  }
0x225: {  	s0 =	rddreg [dreg:$0x12];
	s15 =	sadd.s32 $0x80, s5  }
0x226: {  	[hbm4b:s15+s4] =	stream.linear.scatter [tilespmem:s0], [sflag:$0x3], $0x400, $0x38;
	[tilespmem:$0x18200] =	vst v63  }
0x227: {  	s24 =	rddreg [dreg:$0x13];
	s15 =	sadd.s32 $0x100, s5  }
0x228: {  	[hbm4b:s15+s4] =	stream.linear.scatter [tilespmem:s24], [sflag:$0x3], $0x400, $0x38;
	[tilespmem:$0x18200] =	vst v63  }
0x229: {  	s23 =	rddreg [dreg:$0x14];
	s15 =	sadd.s32 $0x180, s5  }
0x22a: {  	[hbm4b:s15+s4] =	stream.linear.scatter [tilespmem:s23], [sflag:$0x3], $0x400, $0x38;
	[tilespmem:$0x18200] =	vst v63  }
0x22b: {  	s24 =	rddreg [dreg:$0x15];
	s15 =	sadd.s32 $0x200, s5  }
0x22c: {  	[hbm4b:s15+s4] =	stream.linear.scatter [tilespmem:s24], [sflag:$0x3], $0x400, $0x38;
	[tilespmem:$0x18200] =	vst v63  }
0x22d: {  	s23 =	rddreg [dreg:$0x16];
	s15 =	sadd.s32 $0x280, s5  }
0x22e: {  	[hbm4b:s15+s4] =	stream.linear.scatter [tilespmem:s23], [sflag:$0x3], $0x400, $0x38;
	[tilespmem:$0x18200] =	vst v63  }
0x22f: {  	s24 =	rddreg [dreg:$0x17];
	s23 =	sadd.s32 $0x300, s5  }
0x230: {  	[hbm4b:s23+s4] =	stream.linear.scatter [tilespmem:s24], [sflag:$0x3], $0x400, $0x38;
	[tilespmem:$0x18200] =	vst v63  }
0x231: {  	s15 =	rddreg [dreg:$0x18];
	s5 =	sadd.s32 $0x380, s5  }
0x232: {  	[hbm4b:s5+s4] =	stream.linear.scatter [tilespmem:s15], [sflag:$0x3], $0x400, $0x38;
	[tilespmem:$0x18200] =	vst v63  }
0x233: {  	_ =	swait.ge [sflag:s31], $0x4000  }
0x234: {  	[sflag:s31] =	ssyncset.done $0x0  }
0x235: {  	[sflag:s31] =	ssyncadd.s32 $0xFFFFC000  }
0x236: {  	_ =	swait.ge [sflag:s21], $0x4000  }
0x237: {  	s5 =	sld [smem:$0x7F1]  }
0x238: {  	[sflag:s21] =	ssyncset.done $0x0  }
0x239: {  	s15 =	simm.s32 $0x8200;
	[sflag:s21] =	ssyncadd.s32 $0xFFFFC000  }
0x23a: {  	[hbm4b:s5+s4] =	stream.linear.scatter [tilespmem:s15], [sflag:$0x3], $0x400, $0x38;
	[tilespmem:$0x18200] =	vst v63  }
0x23b: {  	s24 =	simm.s32 $0x8A00;
	s23 =	sadd.s32 $0x80, s5  }
0x23c: {  	[hbm4b:s23+s4] =	stream.linear.scatter [tilespmem:s24], [sflag:$0x3], $0x400, $0x38;
	[tilespmem:$0x18200] =	vst v63  }
0x23d: {  	s23 =	sadd.s32 $0x100, s5;
	s24 =	simm.s32 $0x9200  }
0x23e: {  	[hbm4b:s23+s4] =	stream.linear.scatter [tilespmem:s24], [sflag:$0x3], $0x400, $0x38;
	[tilespmem:$0x18200] =	vst v63  }
0x23f: {  	s23 =	sadd.s32 $0x180, s5;
	s24 =	simm.s32 $0x9A00  }
0x240: {  	[hbm4b:s23+s4] =	stream.linear.scatter [tilespmem:s24], [sflag:$0x3], $0x400, $0x38;
	[tilespmem:$0x18200] =	vst v63  }
0x241: {  	s23 =	sadd.s32 $0x200, s5;
	s24 =	simm.s32 $0xA200  }
0x242: {  	[hbm4b:s23+s4] =	stream.linear.scatter [tilespmem:s24], [sflag:$0x3], $0x400, $0x38;
	[tilespmem:$0x18200] =	vst v63  }
0x243: {  	s23 =	sadd.s32 $0x280, s5;
	s24 =	simm.s32 $0xAA00  }
0x244: {  	[hbm4b:s23+s4] =	stream.linear.scatter [tilespmem:s24], [sflag:$0x3], $0x400, $0x38;
	[tilespmem:$0x18200] =	vst v63  }
0x245: {  	s23 =	sadd.s32 $0x300, s5;
	s24 =	simm.s32 $0xB200  }
0x246: {  	[hbm4b:s23+s4] =	stream.linear.scatter [tilespmem:s24], [sflag:$0x3], $0x400, $0x38;
	[tilespmem:$0x18200] =	vst v63  }
0x247: {  	s5 =	sadd.s32 $0x380, s5;
	s24 =	simm.s32 $0xBA00  }
0x248: {  	[hbm4b:s5+s4] =	stream.linear.scatter [tilespmem:s24], [sflag:$0x3], $0x400, $0x38;
	[tilespmem:$0x18200] =	vst v63  }
0x249: {  	s5 =	sld [smem:$0x7F2]  }
0x24a: {  	s0 =	rddreg [dreg:$0x1a]  }
0x24b: {  	s15 =	rddreg [dreg:$0x19]  }
0x24c: {  	[hbm4b:s5+s4] =	stream.linear.scatter [tilespmem:s15], [sflag:$0x3], $0x400, $0x38;
	[tilespmem:$0x18200] =	vst v63  }
0x24d: {  	s23 =	rddreg [dreg:$0x1c];
	s15 =	sadd.s32 $0x80, s5  }
0x24e: {  	[hbm4b:s15+s4] =	stream.linear.scatter [tilespmem:s0], [sflag:$0x3], $0x400, $0x38;
	[tilespmem:$0x18200] =	vst v63  }
0x24f: {  	s24 =	rddreg [dreg:$0x1b];
	s15 =	sadd.s32 $0x100, s5  }
0x250: {  	[hbm4b:s15+s4] =	stream.linear.scatter [tilespmem:s24], [sflag:$0x3], $0x400, $0x38;
	[tilespmem:$0x18200] =	vst v63  }
0x251: {  	s15 =	sadd.s32 $0x180, s5;
	s24 =	rddreg [dreg:$0x1d]  }
0x252: {  	[hbm4b:s15+s4] =	stream.linear.scatter [tilespmem:s23], [sflag:$0x3], $0x400, $0x38;
	[tilespmem:$0x18200] =	vst v63  }
0x253: {  	s15 =	sadd.s32 $0x200, s5;
	s23 =	rddreg [dreg:$0x1e]  }
0x254: {  	[hbm4b:s15+s4] =	stream.linear.scatter [tilespmem:s24], [sflag:$0x3], $0x400, $0x38;
	[tilespmem:$0x18200] =	vst v63  }
0x255: {  	s15 =	sadd.s32 $0x280, s5;
	s24 =	rddreg [dreg:$0x1f]  }
0x256: {  	[hbm4b:s15+s4] =	stream.linear.scatter [tilespmem:s23], [sflag:$0x3], $0x400, $0x38;
	[tilespmem:$0x18200] =	vst v63  }
0x257: {  	s23 =	sadd.s32 $0x300, s5;
	s15 =	sld [smem:$0x7F5]  }
0x258: {  	[hbm4b:s23+s4] =	stream.linear.scatter [tilespmem:s24], [sflag:$0x3], $0x400, $0x38;
	[tilespmem:$0x18200] =	vst v63  }
0x259: {  	s5 =	sadd.s32 $0x380, s5  }
0x25a: {  	[hbm4b:s5+s4] =	stream.linear.scatter [tilespmem:s15], [sflag:$0x3], $0x400, $0x38;
	[tilespmem:$0x18200] =	vst v63  }
0x25b: {  	s5 =	sld [smem:$0x7F3];
	_ =	sdelay $0x1  }
0x25c: {  	s15 =	simm.s32 $0x14200  }
0x25d: {  	[hbm4b:s5+s4] =	stream.linear.scatter [tilespmem:s15], [sflag:$0x3], $0x400, $0x38;
	[tilespmem:$0x18200] =	vst v63  }
0x25e: {  	s24 =	simm.s32 $0x14A00;
	s23 =	sadd.s32 $0x80, s5  }
0x25f: {  	[hbm4b:s23+s4] =	stream.linear.scatter [tilespmem:s24], [sflag:$0x3], $0x400, $0x38;
	[tilespmem:$0x18200] =	vst v63  }
0x260: {  	s23 =	sadd.s32 $0x100, s5;
	s24 =	simm.s32 $0x15200  }
0x261: {  	[hbm4b:s23+s4] =	stream.linear.scatter [tilespmem:s24], [sflag:$0x3], $0x400, $0x38;
	[tilespmem:$0x18200] =	vst v63  }
0x262: {  	s23 =	sadd.s32 $0x180, s5;
	s24 =	simm.s32 $0x15A00  }
0x263: {  	[hbm4b:s23+s4] =	stream.linear.scatter [tilespmem:s24], [sflag:$0x3], $0x400, $0x38;
	[tilespmem:$0x18200] =	vst v63  }
0x264: {  	s23 =	sadd.s32 $0x200, s5;
	s24 =	simm.s32 $0x16200  }
0x265: {  	[hbm4b:s23+s4] =	stream.linear.scatter [tilespmem:s24], [sflag:$0x3], $0x400, $0x38;
	[tilespmem:$0x18200] =	vst v63  }
0x266: {  	s23 =	sadd.s32 $0x280, s5;
	s24 =	simm.s32 $0x16A00  }
0x267: {  	[hbm4b:s23+s4] =	stream.linear.scatter [tilespmem:s24], [sflag:$0x3], $0x400, $0x38;
	[tilespmem:$0x18200] =	vst v63  }
0x268: {  	s23 =	sadd.s32 $0x300, s5;
	s24 =	simm.s32 $0x17200  }
0x269: {  	[hbm4b:s23+s4] =	stream.linear.scatter [tilespmem:s24], [sflag:$0x3], $0x400, $0x38;
	[tilespmem:$0x18200] =	vst v63  }
0x26a: {  	s15 =	sld [smem:$0x7F6];
	s5 =	sadd.s32 $0x380, s5;
	s24 =	simm.s32 $0x17A00  }
0x26b: {  	[hbm4b:s5+s4] =	stream.linear.scatter [tilespmem:s24], [sflag:$0x3], $0x400, $0x38;
	[tilespmem:$0x18200] =	vst v63  }
0x26c: {  	s5 =	sld [smem:$0x7F4];
	_ =	sdelay $0x1  }
0x26d: {  	s0 =	sld [smem:$0x7F7]  }
0x26e: {  	[hbm4b:s5+s4] =	stream.linear.scatter [tilespmem:s15], [sflag:$0x3], $0x400, $0x38;
	[tilespmem:$0x18200] =	vst v63  }
0x26f: {  	s24 =	sld [smem:$0x7F8];
	s15 =	sadd.s32 $0x80, s5  }
0x270: {  	[hbm4b:s15+s4] =	stream.linear.scatter [tilespmem:s0], [sflag:$0x3], $0x400, $0x38;
	[tilespmem:$0x18200] =	vst v63  }
0x271: {  	s23 =	sld [smem:$0x7F9];
	s15 =	sadd.s32 $0x100, s5  }
0x272: {  	[hbm4b:s15+s4] =	stream.linear.scatter [tilespmem:s24], [sflag:$0x3], $0x400, $0x38;
	[tilespmem:$0x18200] =	vst v63  }
0x273: {  	s15 =	sadd.s32 $0x180, s5;
	s24 =	sld [smem:$0x7FA]  }
0x274: {  	[hbm4b:s15+s4] =	stream.linear.scatter [tilespmem:s23], [sflag:$0x3], $0x400, $0x38;
	[tilespmem:$0x18200] =	vst v63  }
0x275: {  	s15 =	sadd.s32 $0x200, s5;
	s23 =	sld [smem:$0x7FB]  }
0x276: {  	[hbm4b:s15+s4] =	stream.linear.scatter [tilespmem:s24], [sflag:$0x3], $0x400, $0x38;
	[tilespmem:$0x18200] =	vst v63  }
0x277: {  	s15 =	sadd.s32 $0x280, s5;
	s24 =	sld [smem:$0x7FC]  }
0x278: {  	[hbm4b:s15+s4] =	stream.linear.scatter [tilespmem:s23], [sflag:$0x3], $0x400, $0x38;
	[tilespmem:$0x18200] =	vst v63  }
0x279: {  	s23 =	sadd.s32 $0x300, s5;
	s15 =	sld [smem:$0x7FD]  }
0x27a: {  	[hbm4b:s23+s4] =	stream.linear.scatter [tilespmem:s24], [sflag:$0x3], $0x400, $0x38;
	[tilespmem:$0x18200] =	vst v63  }
0x27b: {  	s24 =	sadd.s32 $0x380, s5  }
0x27c: {  	[hbm4b:s24+s4] =	stream.linear.scatter [tilespmem:s15], [sflag:$0x3], $0x400, $0x38;
	[tilespmem:$0x18200] =	vst v63  }
0x27d: {  	_ =	swait.ge [sflag:s31], $0x4000  }
0x27e: {  	[sflag:s31] =	ssyncset.done $0x0  }
0x27f: {  	[sflag:s31] =	ssyncadd.s32 $0xFFFFC000  }
0x280: {  	_ =	swait.ge [sflag:s21], $0x4000  }
0x281: {  	[sflag:s21] =	ssyncset.done $0x0  }
0x282: {  	s5 =	simm.s32 $0x200;
	[sflag:s21] =	ssyncadd.s32 $0xFFFFC000  }
0x283: {  	[hbm4b:s17+s4] =	stream.linear.scatter [tilespmem:s5], [sflag:$0x3], $0x400, $0x38;
	[tilespmem:$0x18200] =	vst v63  }
0x284: {  	s15 =	sadd.s32 $0x80, s17;
	s21 =	simm.s32 $0xA00  }
0x285: {  	[hbm4b:s15+s4] =	stream.linear.scatter [tilespmem:s21], [sflag:$0x3], $0x400, $0x38;
	[tilespmem:$0x18200] =	vst v63  }
0x286: {  	s30 =	simm.s32 $0x1200;
	s23 =	sadd.s32 $0x100, s17  }
0x287: {  	[hbm4b:s23+s4] =	stream.linear.scatter [tilespmem:s30], [sflag:$0x3], $0x400, $0x38;
	[tilespmem:$0x18200] =	vst v63  }
0x288: {  	s29 =	simm.s32 $0x1A00;
	s24 =	sadd.s32 $0x180, s17  }
0x289: {  	[hbm4b:s24+s4] =	stream.linear.scatter [tilespmem:s29], [sflag:$0x3], $0x400, $0x38;
	[tilespmem:$0x18200] =	vst v63  }
0x28a: {  	s28 =	simm.s32 $0x2200;
	s30 =	sadd.s32 $0x200, s17  }
0x28b: {  	[hbm4b:s30+s4] =	stream.linear.scatter [tilespmem:s28], [sflag:$0x3], $0x400, $0x38;
	[tilespmem:$0x18200] =	vst v63  }
0x28c: {  	s26 =	simm.s32 $0x2A00;
	s5 =	sadd.s32 $0x280, s17  }
0x28d: {  	[hbm4b:s5+s4] =	stream.linear.scatter [tilespmem:s26], [sflag:$0x3], $0x400, $0x38;
	[tilespmem:$0x18200] =	vst v63  }
0x28e: {  	s25 =	simm.s32 $0x3200;
	s15 =	sadd.s32 $0x300, s17  }
0x28f: {  	[hbm4b:s15+s4] =	stream.linear.scatter [tilespmem:s25], [sflag:$0x3], $0x400, $0x38;
	[tilespmem:$0x18200] =	vst v63  }
0x290: {  	s8 =	simm.s32 $0x3A00;
	s21 =	sadd.s32 $0x380, s17  }
0x291: {  	[hbm4b:s21+s4] =	stream.linear.scatter [tilespmem:s8], [sflag:$0x3], $0x400, $0x38;
	[tilespmem:$0x18200] =	vst v63  }
0x292: {  	s23 =	simm.s32 $0x600  }
0x293: {  	[hbm4b:s18+s4] =	stream.linear.scatter [tilespmem:s23], [sflag:$0x3], $0x400, $0x38;
	[tilespmem:$0x18200] =	vst v63  }
0x294: {  	s24 =	sadd.s32 $0x80, s18;
	s25 =	simm.s32 $0xE00  }
0x295: {  	[hbm4b:s24+s4] =	stream.linear.scatter [tilespmem:s25], [sflag:$0x3], $0x400, $0x38;
	[tilespmem:$0x18200] =	vst v63  }
0x296: {  	s28 =	simm.s32 $0x1600;
	s26 =	sadd.s32 $0x100, s18  }
0x297: {  	[hbm4b:s26+s4] =	stream.linear.scatter [tilespmem:s28], [sflag:$0x3], $0x400, $0x38;
	[tilespmem:$0x18200] =	vst v63  }
0x298: {  	s29 =	sadd.s32 $0x180, s18;
	s30 =	simm.s32 $0x1E00  }
0x299: {  	[hbm4b:s29+s4] =	stream.linear.scatter [tilespmem:s30], [sflag:$0x3], $0x400, $0x38;
	[tilespmem:$0x18200] =	vst v63  }
0x29a: {  	s5 =	sadd.s32 $0x200, s18;
	s8 =	simm.s32 $0x2600  }
0x29b: {  	[hbm4b:s5+s4] =	stream.linear.scatter [tilespmem:s8], [sflag:$0x3], $0x400, $0x38;
	[tilespmem:$0x18200] =	vst v63  }
0x29c: {  	s15 =	sadd.s32 $0x280, s18;
	s21 =	simm.s32 $0x2E00  }
0x29d: {  	[hbm4b:s15+s4] =	stream.linear.scatter [tilespmem:s21], [sflag:$0x3], $0x400, $0x38;
	[tilespmem:$0x18200] =	vst v63  }
0x29e: {  	s23 =	sadd.s32 $0x300, s18;
	s24 =	simm.s32 $0x3600  }
0x29f: {  	[hbm4b:s23+s4] =	stream.linear.scatter [tilespmem:s24], [sflag:$0x3], $0x400, $0x38;
	[tilespmem:$0x18200] =	vst v63  }
0x2a0: {  	s25 =	sadd.s32 $0x380, s18;
	s26 =	simm.s32 $0x3E00  }
0x2a1: {  	[hbm4b:s25+s4] =	stream.linear.scatter [tilespmem:s26], [sflag:$0x3], $0x400, $0x38;
	[tilespmem:$0x18200] =	vst v63  }
0x2a2: {  	s6 =	simm.s32 $0xC200  }
0x2a3: {  	[hbm4b:s19+s4] =	stream.linear.scatter [tilespmem:s6], [sflag:$0x3], $0x400, $0x38;
	[tilespmem:$0x18200] =	vst v63  }
0x2a4: {  	s9 =	simm.s32 $0xCA00;
	s28 =	sadd.s32 $0x80, s19  }
0x2a5: {  	[hbm4b:s28+s4] =	stream.linear.scatter [tilespmem:s9], [sflag:$0x3], $0x400, $0x38;
	[tilespmem:$0x18200] =	vst v63  }
0x2a6: {  	s11 =	simm.s32 $0xD200;
	s29 =	sadd.s32 $0x100, s19  }
0x2a7: {  	[hbm4b:s29+s4] =	stream.linear.scatter [tilespmem:s11], [sflag:$0x3], $0x400, $0x38;
	[tilespmem:$0x18200] =	vst v63  }
0x2a8: {  	s7 =	simm.s32 $0xDA00;
	s30 =	sadd.s32 $0x180, s19  }
0x2a9: {  	[hbm4b:s30+s4] =	stream.linear.scatter [tilespmem:s7], [sflag:$0x3], $0x400, $0x38;
	[tilespmem:$0x18200] =	vst v63  }
0x2aa: {  	s12 =	simm.s32 $0xE200;
	s5 =	sadd.s32 $0x200, s19  }
0x2ab: {  	[hbm4b:s5+s4] =	stream.linear.scatter [tilespmem:s12], [sflag:$0x3], $0x400, $0x38;
	[tilespmem:$0x18200] =	vst v63  }
0x2ac: {  	s10 =	simm.s32 $0xEA00;
	s6 =	sadd.s32 $0x280, s19  }
0x2ad: {  	[hbm4b:s6+s4] =	stream.linear.scatter [tilespmem:s10], [sflag:$0x3], $0x400, $0x38;
	[tilespmem:$0x18200] =	vst v63  }
0x2ae: {  	s14 =	simm.s32 $0xF200;
	s7 =	sadd.s32 $0x300, s19  }
0x2af: {  	[hbm4b:s7+s4] =	stream.linear.scatter [tilespmem:s14], [sflag:$0x3], $0x400, $0x38;
	[tilespmem:$0x18200] =	vst v63  }
0x2b0: {  	s13 =	simm.s32 $0xFA00;
	s8 =	sadd.s32 $0x380, s19  }
0x2b1: {  	[hbm4b:s8+s4] =	stream.linear.scatter [tilespmem:s13], [sflag:$0x3], $0x400, $0x38;
	[tilespmem:$0x18200] =	vst v63  }
0x2b2: {  	s9 =	simm.s32 $0xC600  }
0x2b3: {  	[hbm4b:s20+s4] =	stream.linear.scatter [tilespmem:s9], [sflag:$0x3], $0x400, $0x38;
	[tilespmem:$0x18200] =	vst v63  }
0x2b4: {  	s11 =	simm.s32 $0xCE00;
	s10 =	sadd.s32 $0x80, s20  }
0x2b5: {  	[hbm4b:s10+s4] =	stream.linear.scatter [tilespmem:s11], [sflag:$0x3], $0x400, $0x38;
	[tilespmem:$0x18200] =	vst v63  }
0x2b6: {  	s12 =	sadd.s32 $0x100, s20;
	s13 =	simm.s32 $0xD600  }
0x2b7: {  	[hbm4b:s12+s4] =	stream.linear.scatter [tilespmem:s13], [sflag:$0x3], $0x400, $0x38;
	[tilespmem:$0x18200] =	vst v63  }
0x2b8: {  	s15 =	simm.s32 $0xDE00;
	s14 =	sadd.s32 $0x180, s20  }
0x2b9: {  	[hbm4b:s14+s4] =	stream.linear.scatter [tilespmem:s15], [sflag:$0x3], $0x400, $0x38;
	[tilespmem:$0x18200] =	vst v63  }
0x2ba: {  	s21 =	sadd.s32 $0x200, s20;
	s23 =	simm.s32 $0xE600  }
0x2bb: {  	[hbm4b:s21+s4] =	stream.linear.scatter [tilespmem:s23], [sflag:$0x3], $0x400, $0x38;
	[tilespmem:$0x18200] =	vst v63  }
0x2bc: {  	s24 =	sadd.s32 $0x280, s20;
	s25 =	simm.s32 $0xEE00  }
0x2bd: {  	[hbm4b:s24+s4] =	stream.linear.scatter [tilespmem:s25], [sflag:$0x3], $0x400, $0x38;
	[tilespmem:$0x18200] =	vst v63  }
0x2be: {  	s26 =	sadd.s32 $0x300, s20;
	s28 =	simm.s32 $0xF600  }
0x2bf: {  	[hbm4b:s26+s4] =	stream.linear.scatter [tilespmem:s28], [sflag:$0x3], $0x400, $0x38;
	[tilespmem:$0x18200] =	vst v63  }
0x2c0: {  	s29 =	sadd.s32 $0x380, s20;
	s30 =	simm.s32 $0xFE00  }
0x2c1: {  	[hbm4b:s29+s4] =	stream.linear.scatter [tilespmem:s30], [sflag:$0x3], $0x400, $0x38;
	[tilespmem:$0x18200] =	vst v63  }
0x2c2: {  	_ =	swait.ge [sflag:s2], $0x2000  }
0x2c3: {  	[sflag:s2] =	ssyncset.done $0x0  }
0x2c4: {  	[sflag:s2] =	ssyncadd.s32 $0xFFFFE000  }
0x2c5: {  	_ =	swait.ge [sflag:s2], $0x2000  }
0x2c6: {  	[sflag:s2] =	ssyncset.done $0x0  }
0x2c7: {  	[sflag:s2] =	ssyncadd.s32 $0xFFFFE000  }
0x2c8: {  	_ =	swait.ge [sflag:s2], $0x2000  }
0x2c9: {  	[sflag:s2] =	ssyncset.done $0x0  }
0x2ca: {  	[sflag:s2] =	ssyncadd.s32 $0xFFFFE000  }
0x2cb: {  	_ =	swait.ge [sflag:s2], $0x2000  }
0x2cc: {  	[sflag:s2] =	ssyncset.done $0x0  }
0x2cd: {  	[sflag:s2] =	ssyncadd.s32 $0xFFFFE000  }
0x2ce: {  	_ =	swait.ge [sflag:s2], $0x2000  }
0x2cf: {  	[sflag:s2] =	ssyncset.done $0x0  }
0x2d0: {  	[sflag:s2] =	ssyncadd.s32 $0xFFFFE000  }
0x2d1: {  	_ =	swait.ge [sflag:s2], $0x2000  }
0x2d2: {  	[sflag:s2] =	ssyncset.done $0x0  }
0x2d3: {  	[sflag:s2] =	ssyncadd.s32 $0xFFFFE000  }
0x2d4: {  	_ =	swait.ge [sflag:s2], $0x2000  }
0x2d5: {  	[sflag:s2] =	ssyncset.done $0x0  }
0x2d6: {  	[sflag:s2] =	ssyncadd.s32 $0xFFFFE000  }
0x2d7: {  	_ =	swait.ge [sflag:s2], $0x2000  }
0x2d8: {  	[sflag:s2] =	ssyncset.done $0x0  }
0x2d9: {  	[sflag:s2] =	ssyncadd.s32 $0xFFFFE000  }
0x2da: {  	_ =	swait.ge [sflag:s2], $0x2000  }
0x2db: {  	[sflag:s2] =	ssyncset.done $0x0  }
0x2dc: {  	[sflag:s2] =	ssyncadd.s32 $0xFFFFE000  }
0x2dd: {  	_ =	swait.ge [sflag:s2], $0x2000  }
0x2de: {  	[sflag:s2] =	ssyncset.done $0x0  }
0x2df: {  	[sflag:s2] =	ssyncadd.s32 $0xFFFFE000  }
0x2e0: {  	p0 =	sne.s32 s22, $0x1;
	_ =	swait.ge [sflag:s2], $0x2000  }
.Ltmp0:
0x2e1: {  	[sflag:s2] =	ssyncset.done $0x0;
	(pc) =	sbr.rel @p0 .LBB2_1-.Ltmp0, $4  }
0x2e2: {  	[sflag:s2] =	ssyncadd.s32 $0xFFFFE000  }
0x2e3: {  	_ =	swait.ge [sflag:s2], $0x2000  }
0x2e4: {  	[sflag:s2] =	ssyncset.done $0x0  }
0x2e5: {  	s21 =	sadd.s32 $0xFFFFFFFF, s22;
	[sflag:s2] =	ssyncadd.s32 $0xFFFFE000  }
0x2e6: {  	_ =	sfence.sel $0x180000  }
0x2e7: {  	[bflag:$0x0] =	sbarrier.arrive $0xFFFF  }
0x2e8: {  	_ =	strace $0x9000004A  }
0x2e9: {  	s0 =	stileid.u32;
	[bflag:$0x2] =	sbarrier.arrive $0xFFFF  }
0x2ea: {  	p0 =	sne.s32 s0, $0x0;
	s0 =	rddreg [dreg:$0x5]  }
0x2eb: {  	s0 =	sadd.s32 @!p0 $0x100000, s0  }
0x2ec: {  	[sflag:s0] =	ssyncadd.tile.s32 @!p0 $0x1;
	_ =	shalt  }
.Lfunc_end2:
_tile_overlayer_lowered:
.L_overlay_start_2:
0x2ed: {  	(tag) =	ssettag $0x2  }
0x2ee: {  	s0 =	rddreg [dreg:$0x0];
	s2 =	stileid.u32  }
0x2ef: {  	s1 =	rddreg [dreg:$0x1];
	p0 =	sne.s32 s2, $0x0  }
0x2f0: {  	s3 =	rddreg [dreg:$0x2];
	[bflag:$0x3] =	sbarrier.arrive $0xFFFF;
	s2 =	simm.s32 @!p0 $0x1C04  }
0x2f1: {  	[timem:s3], [sflag:s2] =	dma.local @!p0 [hbm:s0], s1  }
0x2f2: {  	s0 =	simm.s32 @!p0 $0x4  }
0x2f3: {  	_ =	swait.ge @!p0 [sflag:s0], s1  }
0x2f4: {  	s1 =	ssub.s32 @!p0 $0x0, s1;
	[sflag:s0] =	ssyncset.done @!p0 $0x0  }
0x2f5: {  	[sflag:s0] =	ssyncadd.s32 @!p0 s1  }
0x2f6: {  	[bflag:$0x3] =	sbarrier.arrive $0xFFFF  }
0x2f7: {  	_ =	shalt  }

</sc_bundles>
